<compile_context>
chip_gen: v7x
topology: tpu7x:2x2x1
jax: 0.10.2.dev20260603
libtpu: 0.0.44.dev20260713+nightly
codegen_flags: <defaults>
</compile_context>

<pallas_src>
import functools

import jax
import jax.numpy as jnp
from jax import lax
from jax.experimental import pallas as pl
from jax.experimental.pallas import tpu as pltpu
from jax.experimental.pallas import tpu_sc as plsc

N = 10000
E = 320000
D_FEAT = 128
H1 = 32
H2 = 16

NC = 2
NS = 16
NW = NC * NS

CH = 128
EPW = 10240
K = EPW // CH
EPAD = NW * EPW
NPAD = 10240
RB = NPAD // NS

_mesh = plsc.VectorSubcoreMesh(
    core_axis_name="c", subcore_axis_name="s", num_cores=NC, num_subcores=NS
)
_sc_params = pltpu.CompilerParams(use_tc_tiling_on_sc=False)


@functools.partial(
    pl.kernel,
    out_type=jax.ShapeDtypeStruct((NC, NPAD, 16), jnp.float32),
    mesh=_mesh,
    scratch_types=[
        pltpu.VMEM((K, CH), jnp.int32),
        pltpu.VMEM((CH, 16), jnp.float32),
        pltpu.VMEM((RB, 16), jnp.float32),
        pltpu.VMEM_SHARED((NPAD, 16), jnp.float32),
    ],
    compiler_params=_sc_params,
)
def _deg_kernel(dsts, ones_hbm, zeros_hbm, out, dst_v, ones_v, buf, acc):
    c = lax.axis_index("c")
    s = lax.axis_index("s")
    w = c * NS + s
    r0 = s * RB
    pltpu.sync_copy(zeros_hbm.at[pl.ds(r0, RB)], buf)
    pltpu.sync_copy(buf, acc.at[pl.ds(r0, RB)])
    pltpu.sync_copy(ones_hbm, ones_v)
    pltpu.sync_copy(dsts.at[w], dst_v)
    plsc.subcore_barrier()

    def step(j, carry):
        pltpu.sync_copy(ones_v, acc.at[dst_v.at[j]], add=True)
        return carry

    lax.fori_loop(0, K, step, 0)
    plsc.subcore_barrier()
    pltpu.sync_copy(acc.at[pl.ds(r0, RB)], buf)
    pltpu.sync_copy(buf, out.at[c, pl.ds(r0, RB)])


@functools.partial(
    pl.kernel,
    out_type=jax.ShapeDtypeStruct((NC, NPAD, H1), jnp.float32),
    mesh=_mesh,
    scratch_types=[
        pltpu.VMEM((K, CH), jnp.int32),
        pltpu.VMEM((K, CH), jnp.int32),
        pltpu.VMEM((4, CH, H1), jnp.float32),
        pltpu.VMEM((RB, H1), jnp.float32),
        pltpu.VMEM_SHARED((NPAD, H1), jnp.float32),
        [pltpu.SemaphoreType.DMA] * 4,
        [pltpu.SemaphoreType.DMA] * 4,
    ],
    compiler_params=_sc_params,
)
def _prop_kernel(hp, srcs, dsts, zeros_hbm, out, src_v, dst_v, ring, buf, acc, gsem, ssem):
    c = lax.axis_index("c")
    s = lax.axis_index("s")
    w = c * NS + s
    r0 = s * RB
    pltpu.sync_copy(zeros_hbm.at[pl.ds(r0, RB)], buf)
    pltpu.sync_copy(buf, acc.at[pl.ds(r0, RB)])
    pltpu.sync_copy(srcs.at[w], src_v)
    pltpu.sync_copy(dsts.at[w], dst_v)
    plsc.subcore_barrier()

    NB = 4
    bufs = [ring.at[b] for b in range(NB)]
    for b in range(NB):
        pltpu.async_copy(hp.at[src_v.at[b]], bufs[b], gsem[b])

    def step(t, carry):
        j0 = NB * t
        for b in range(NB):
            pltpu.make_async_copy(hp.at[src_v.at[j0 + b]], bufs[b], gsem[b]).wait()
            pltpu.async_copy(bufs[b], acc.at[dst_v.at[j0 + b]], ssem[b], add=True)
        for b in range(NB):
            @pl.when(j0 + b + NB < K)
            def _(b=b):
                pltpu.make_async_copy(bufs[b], acc.at[dst_v.at[j0 + b]], ssem[b]).wait()
                pltpu.async_copy(hp.at[src_v.at[j0 + b + NB]], bufs[b], gsem[b])
        return carry

    lax.fori_loop(0, K // NB, step, 0)
    for b in range(NB):
        pltpu.make_async_copy(bufs[b], acc.at[dst_v.at[K - NB + b]], ssem[b]).wait()
    plsc.subcore_barrier()
    pltpu.sync_copy(acc.at[pl.ds(r0, RB)], buf)
    pltpu.sync_copy(buf, out.at[c, pl.ds(r0, RB)])


_RBLK = 2000

_spec_p0 = pl.BlockSpec((1, _RBLK, 16), lambda i: (0, i, 0))
_spec_p1 = pl.BlockSpec((1, _RBLK, 16), lambda i: (1, i, 0))
_spec_s0 = pl.BlockSpec((1, _RBLK, H1), lambda i: (0, i, 0))
_spec_s1 = pl.BlockSpec((1, _RBLK, H1), lambda i: (1, i, 0))


def _dinv_of(p0_ref, p1_ref):
    return lax.rsqrt(p0_ref[0][:, :1] + p1_ref[0][:, :1] + 1.0)


def _tc_scale_body(x_ref, w1_ref, p0_ref, p1_ref, yp_ref):
    dinv = _dinv_of(p0_ref, p1_ref)
    y = jnp.dot(x_ref[...], w1_ref[...], preferred_element_type=jnp.float32)
    yp_ref[...] = y * dinv


def _tc_scale(x, w1, degp):
    grid = (N // _RBLK,)
    return pl.pallas_call(
        _tc_scale_body,
        grid=grid,
        in_specs=[
            pl.BlockSpec((_RBLK, D_FEAT), lambda i: (i, 0)),
            pl.BlockSpec((D_FEAT, H1), lambda i: (0, 0)),
            _spec_p0,
            _spec_p1,
        ],
        out_specs=pl.BlockSpec((_RBLK, H1), lambda i: (i, 0)),
        out_shape=jax.ShapeDtypeStruct((N, H1), jnp.float32),
    )(x, w1, degp, degp)


def _tc_hidden_body(s0_ref, s1_ref, yp_ref, p0_ref, p1_ref, h_ref):
    dinv = _dinv_of(p0_ref, p1_ref)
    pre = dinv * (s0_ref[0] + s1_ref[0] + yp_ref[...])
    h_ref[...] = dinv * jnp.maximum(pre, 0.0)


def _tc_hidden(s1, yp, degp):
    grid = (N // _RBLK,)
    spec32 = pl.BlockSpec((_RBLK, H1), lambda i: (i, 0))
    return pl.pallas_call(
        _tc_hidden_body,
        grid=grid,
        in_specs=[_spec_s0, _spec_s1, spec32, _spec_p0, _spec_p1],
        out_specs=spec32,
        out_shape=jax.ShapeDtypeStruct((N, H1), jnp.float32),
    )(s1, s1, yp, degp, degp)


def _tc_z_body(s0_ref, s1_ref, hp_ref, p0_ref, p1_ref, w2_ref, w3_ref, eps_ref, z_ref):
    dinv = _dinv_of(p0_ref, p1_ref)
    g = dinv * (s0_ref[0] + s1_ref[0] + hp_ref[...])
    zm = jnp.dot(g, w2_ref[...], preferred_element_type=jnp.float32)
    zl = jnp.dot(g, w3_ref[...], preferred_element_type=jnp.float32)
    z_ref[...] = zm + eps_ref[...] * jnp.exp(zl)


def _tc_z(s2, hp, degp, w2, w3, eps):
    grid = (N // _RBLK,)
    spec32 = pl.BlockSpec((_RBLK, H1), lambda i: (i, 0))
    spec16 = pl.BlockSpec((_RBLK, H2), lambda i: (i, 0))
    specw = pl.BlockSpec((H1, H2), lambda i: (0, 0))
    return pl.pallas_call(
        _tc_z_body,
        grid=grid,
        in_specs=[_spec_s0, _spec_s1, spec32, _spec_p0, _spec_p1, specw, specw, spec16],
        out_specs=spec16,
        out_shape=jax.ShapeDtypeStruct((N, H2), jnp.float32),
    )(s2, s2, hp, degp, degp, w2, w3, eps)


_DR = 400


def _dec_body(zr_ref, zc_ref, o_ref):
    o_ref[...] = lax.dot_general(
        zr_ref[...], zc_ref[...],
        dimension_numbers=(((1,), (1,)), ((), ())),
        preferred_element_type=jnp.float32,
    )


def _decoder(z):
    grid = (N // _DR,)
    return pl.pallas_call(
        _dec_body,
        grid=grid,
        in_specs=[
            pl.BlockSpec((_DR, H2), lambda i: (i, 0)),
            pl.BlockSpec((N, H2), lambda i: (0, 0)),
        ],
        out_specs=pl.BlockSpec((_DR, N), lambda i: (i, 0)),
        out_shape=jax.ShapeDtypeStruct((N, N), jnp.float32),
    )(z, z)


def kernel(features, edge_index, eps, W1, W2, W3):
    src = edge_index[0]
    dst = edge_index[1]
    pad_src = jnp.arange(EPAD - E, dtype=jnp.int32) % N
    pad_dst = N + jnp.arange(EPAD - E, dtype=jnp.int32) % (NPAD - N)
    srcs = jnp.concatenate([src, pad_src]).reshape(NW, K, CH)
    dsts = jnp.concatenate([dst, pad_dst]).reshape(NW, K, CH)

    ones16 = jnp.ones((CH, 16), jnp.float32)
    zeros16 = jnp.zeros((NPAD, 16), jnp.float32)
    zeros32 = jnp.zeros((NPAD, H1), jnp.float32)

    degp = _deg_kernel(dsts, ones16, zeros16)
    yp = _tc_scale(features, W1, degp)
    s1 = _prop_kernel(yp, srcs, dsts, zeros32)
    hp = _tc_hidden(s1, yp, degp)
    s2 = _prop_kernel(hp, srcs, dsts, zeros32)
    z = _tc_z(s2, hp, degp, W2, W3, eps)
    return _decoder(z).reshape(-1)

# --- scband reference (transcript-rebuilt; emitter-appended) ---
"""Pipeline reference for scband-deeplinc-2851858284819 (READ-ONLY COPY).

The authoritative reference and input builder live on the scoring server;
editing this copy changes nothing except your own understanding.
"""

import jax, jax.numpy as jnp
import numpy as np

N_NODES = 10000
N_EDGES = 320000
D_FEAT = 128
H1 = 32
H2 = 16


def setup_inputs(seed: int = 0) -> dict:
    key = jax.random.key(seed)
    k1, k2, k3, k4, k5, k6 = jax.random.split(key, 6)
    features = jax.random.normal(k1, (N_NODES, D_FEAT), dtype=jnp.float32)
    edge_index = jax.random.randint(k2, (2, N_EDGES), 0, N_NODES, dtype=jnp.int32)
    eps = jax.random.normal(k3, (N_NODES, H2), dtype=jnp.float32)
    W1 = jax.random.normal(k4, (D_FEAT, H1), dtype=jnp.float32) * (1.0 / np.sqrt(D_FEAT))
    W2 = jax.random.normal(k5, (H1, H2), dtype=jnp.float32) * (1.0 / np.sqrt(H1))
    W3 = jax.random.normal(k6, (H1, H2), dtype=jnp.float32) * (1.0 / np.sqrt(H1))
    return {"features": features, "edge_index": edge_index, "eps": eps, "W1": W1, "W2": W2, "W3": W3}


def reference(features, edge_index, eps, W1, W2, W3):
    N = features.shape[0]
    src = edge_index[0]
    dst = edge_index[1]
    loop = jnp.arange(N, dtype=src.dtype)
    src = jnp.concatenate([src, loop])
    dst = jnp.concatenate([dst, loop])
    # symmetric normalization D^-1/2 (A + I) D^-1/2
    deg = jax.ops.segment_sum(jnp.ones_like(src, dtype=jnp.float32), dst, num_segments=N)
    dinv = jax.lax.rsqrt(jnp.maximum(deg, 1.0))
    norm = dinv[src] * dinv[dst]

    def prop(h):
        msg = jnp.take(h, src, axis=0) * norm[:, None]
        return jax.ops.segment_sum(msg, dst, num_segments=N)

    # GraphConvolutionSparse (e_dense_1), dropout=0 at inference
    hidden1 = jax.nn.relu(prop(features @ W1))
    # GraphConvolution e_dense_2 (z_mean), e_dense_3 (z_log_std), identity act
    z_mean = prop(hidden1 @ W2)
    z_log_std = prop(hidden1 @ W3)
    # reparameterization: z = mu + N(0,1) * exp(log_std)
    z = z_mean + eps * jnp.exp(z_log_std)
    # InnerProductDecoder: flatten(z @ z^T), identity act
    reconstructions = jnp.reshape(z @ z.T, (-1,))
    return reconstructions

if __name__ == "__main__":
    import jax
    _d = setup_inputs()
    print(jax.jit(kernel)(*tuple(_d.values())))

</pallas_src>

<mosaic_0001>
#map = affine_map<(d0, d1) -> (0, 0, 0)>
#map1 = affine_map<(d0, d1) -> (0, 0)>
module attributes {stable_mosaic.version = 14 : i64} {
  func.func @_deg_kernel(%arg0: i32, %arg1: i32, %arg2: memref<32x80x128xi32, #tpu.memory_space<hbm>>, %arg3: memref<128x16xf32, #tpu.memory_space<hbm>>, %arg4: memref<10240x16xf32, #tpu.memory_space<hbm>>, %arg5: memref<2x10240x16xf32, #tpu.memory_space<hbm>>, %arg6: memref<80x128xi32, #tpu.memory_space<vmem>>, %arg7: memref<128x16xf32, #tpu.memory_space<vmem>>, %arg8: memref<640x16xf32, #tpu.memory_space<vmem>>, %arg9: memref<10240x16xf32, #tpu.memory_space<vmem_shared>>) attributes {dimension_semantics = [#tpu.dimension_semantics<core_parallel>, #tpu.dimension_semantics<subcore_parallel>], iteration_bounds = array<i64: 2, 16>, scalar_prefetch = 0 : i64, scratch_operands = 4 : i64, tpu.core_type = #tpu.core_type<sc_vector_subcore>, window_params = [{transform_indices = #map}, {transform_indices = #map1}, {transform_indices = #map1}, {transform_indices = #map}]} {
    %mul3A = arith.constant 16 : i32
    %mul3A_0 = arith.muli %arg0, %mul3A : i32
    %add3A = arith.addi %mul3A_0, %arg1 : i32
    %mul3A_1 = arith.constant 640 : i32
    %mul3A_2 = arith.muli %arg1, %mul3A_1 : i32
    "tpu.region"() ({
      %run_scoped3A = tpu.sem_alloc : memref<!tpu.dma_semaphore, #tpu.memory_space<semaphore_mem>>
      %dma_start3A = arith.constant 0 : i32
      %dma_start3A_9 = tpu.memref_slice %arg4[%mul3A_2, %dma_start3A] : memref<10240x16xf32, #tpu.memory_space<hbm>> -> memref<640x16xf32, #tpu.memory_space<hbm>>
      %dma_start3A_10 = arith.constant 0 : i32
      %dma_start3A_11 = tpu.memref_slice %arg4[%mul3A_2, %dma_start3A_10] : memref<10240x16xf32, #tpu.memory_space<hbm>> -> memref<640x16xf32, #tpu.memory_space<hbm>>
      tpu.enqueue_dma source(%dma_start3A_11 : memref<640x16xf32, #tpu.memory_space<hbm>>) target(%arg8 : memref<640x16xf32, #tpu.memory_space<vmem>>) target_semaphore(%run_scoped3A : memref<!tpu.dma_semaphore, #tpu.memory_space<semaphore_mem>>)
      %dma_wait3A = arith.constant 0 : i32
      %dma_wait3A_12 = tpu.memref_slice %arg4[%mul3A_2, %dma_wait3A] : memref<10240x16xf32, #tpu.memory_space<hbm>> -> memref<640x16xf32, #tpu.memory_space<hbm>>
      %dma_wait3A_13 = arith.constant 0 : i32
      %dma_wait3A_14 = tpu.memref_slice %arg4[%mul3A_2, %dma_wait3A_13] : memref<10240x16xf32, #tpu.memory_space<hbm>> -> memref<640x16xf32, #tpu.memory_space<hbm>>
      tpu.wait_dma2 semaphore(%run_scoped3A : memref<!tpu.dma_semaphore, #tpu.memory_space<semaphore_mem>>) src(%dma_wait3A_14 : memref<640x16xf32, #tpu.memory_space<hbm>>) dst(%arg8 : memref<640x16xf32, #tpu.memory_space<vmem>>)
      tpu.yield
    }) : () -> ()
    "tpu.region"() ({
      %run_scoped3A = tpu.sem_alloc : memref<!tpu.dma_semaphore, #tpu.memory_space<semaphore_mem>>
      %dma_start3A = arith.constant 0 : i32
      %dma_start3A_9 = tpu.memref_slice %arg9[%mul3A_2, %dma_start3A] : memref<10240x16xf32, #tpu.memory_space<vmem_shared>> -> memref<640x16xf32, #tpu.memory_space<vmem_shared>>
      %dma_start3A_10 = arith.constant 0 : i32
      %dma_start3A_11 = tpu.memref_slice %arg9[%mul3A_2, %dma_start3A_10] : memref<10240x16xf32, #tpu.memory_space<vmem_shared>> -> memref<640x16xf32, #tpu.memory_space<vmem_shared>>
      tpu.enqueue_dma source(%arg8 : memref<640x16xf32, #tpu.memory_space<vmem>>) target(%dma_start3A_11 : memref<640x16xf32, #tpu.memory_space<vmem_shared>>) target_semaphore(%run_scoped3A : memref<!tpu.dma_semaphore, #tpu.memory_space<semaphore_mem>>)
      %dma_wait3A = arith.constant 0 : i32
      %dma_wait3A_12 = tpu.memref_slice %arg9[%mul3A_2, %dma_wait3A] : memref<10240x16xf32, #tpu.memory_space<vmem_shared>> -> memref<640x16xf32, #tpu.memory_space<vmem_shared>>
      %dma_wait3A_13 = arith.constant 0 : i32
      %dma_wait3A_14 = tpu.memref_slice %arg9[%mul3A_2, %dma_wait3A_13] : memref<10240x16xf32, #tpu.memory_space<vmem_shared>> -> memref<640x16xf32, #tpu.memory_space<vmem_shared>>
      tpu.wait_dma2 semaphore(%run_scoped3A : memref<!tpu.dma_semaphore, #tpu.memory_space<semaphore_mem>>) src(%arg8 : memref<640x16xf32, #tpu.memory_space<vmem>>) dst(%dma_wait3A_14 : memref<640x16xf32, #tpu.memory_space<vmem_shared>>)
      tpu.yield
    }) : () -> ()
    "tpu.region"() ({
      %run_scoped3A = tpu.sem_alloc : memref<!tpu.dma_semaphore, #tpu.memory_space<semaphore_mem>>
      tpu.enqueue_dma source(%arg3 : memref<128x16xf32, #tpu.memory_space<hbm>>) target(%arg7 : memref<128x16xf32, #tpu.memory_space<vmem>>) target_semaphore(%run_scoped3A : memref<!tpu.dma_semaphore, #tpu.memory_space<semaphore_mem>>)
      tpu.wait_dma2 semaphore(%run_scoped3A : memref<!tpu.dma_semaphore, #tpu.memory_space<semaphore_mem>>) src(%arg3 : memref<128x16xf32, #tpu.memory_space<hbm>>) dst(%arg7 : memref<128x16xf32, #tpu.memory_space<vmem>>)
      tpu.yield
    }) : () -> ()
    "tpu.region"() ({
      %run_scoped3A = tpu.sem_alloc : memref<!tpu.dma_semaphore, #tpu.memory_space<semaphore_mem>>
      %dma_start3A = arith.constant 0 : i32
      %dma_start3A_9 = arith.constant 0 : i32
      %dma_start3A_10 = tpu.memref_slice %arg2[%add3A, %dma_start3A, %dma_start3A_9] : memref<32x80x128xi32, #tpu.memory_space<hbm>> -> memref<1x80x128xi32, #tpu.memory_space<hbm>>
      %dma_start3A_11 = tpu.memref_squeeze %dma_start3A_10 : memref<1x80x128xi32, #tpu.memory_space<hbm>> -> memref<80x128xi32, #tpu.memory_space<hbm>>
      %dma_start3A_12 = arith.constant 0 : i32
      %dma_start3A_13 = arith.constant 0 : i32
      %dma_start3A_14 = tpu.memref_slice %arg2[%add3A, %dma_start3A_12, %dma_start3A_13] : memref<32x80x128xi32, #tpu.memory_space<hbm>> -> memref<1x80x128xi32, #tpu.memory_space<hbm>>
      %dma_start3A_15 = tpu.memref_squeeze %dma_start3A_14 : memref<1x80x128xi32, #tpu.memory_space<hbm>> -> memref<80x128xi32, #tpu.memory_space<hbm>>
      tpu.enqueue_dma source(%dma_start3A_15 : memref<80x128xi32, #tpu.memory_space<hbm>>) target(%arg6 : memref<80x128xi32, #tpu.memory_space<vmem>>) target_semaphore(%run_scoped3A : memref<!tpu.dma_semaphore, #tpu.memory_space<semaphore_mem>>)
      %dma_wait3A = arith.constant 0 : i32
      %dma_wait3A_16 = arith.constant 0 : i32
      %dma_wait3A_17 = tpu.memref_slice %arg2[%add3A, %dma_wait3A, %dma_wait3A_16] : memref<32x80x128xi32, #tpu.memory_space<hbm>> -> memref<1x80x128xi32, #tpu.memory_space<hbm>>
      %dma_wait3A_18 = tpu.memref_squeeze %dma_wait3A_17 : memref<1x80x128xi32, #tpu.memory_space<hbm>> -> memref<80x128xi32, #tpu.memory_space<hbm>>
      %dma_wait3A_19 = arith.constant 0 : i32
      %dma_wait3A_20 = arith.constant 0 : i32
      %dma_wait3A_21 = tpu.memref_slice %arg2[%add3A, %dma_wait3A_19, %dma_wait3A_20] : memref<32x80x128xi32, #tpu.memory_space<hbm>> -> memref<1x80x128xi32, #tpu.memory_space<hbm>>
      %dma_wait3A_22 = tpu.memref_squeeze %dma_wait3A_21 : memref<1x80x128xi32, #tpu.memory_space<hbm>> -> memref<80x128xi32, #tpu.memory_space<hbm>>
      tpu.wait_dma2 semaphore(%run_scoped3A : memref<!tpu.dma_semaphore, #tpu.memory_space<semaphore_mem>>) src(%dma_wait3A_22 : memref<80x128xi32, #tpu.memory_space<hbm>>) dst(%arg6 : memref<80x128xi32, #tpu.memory_space<vmem>>)
      tpu.yield
    }) : () -> ()
    %barrier3A = arith.constant 0 : index
    tpu.barrier barrier_id(%barrier3A)
    %scan3A = arith.constant 0 : i32
    %scan3A_3 = arith.constant 0 : i32
    %scan3A_4 = arith.constant 80 : i32
    %scan3A_5 = arith.addi %scan3A_3, %scan3A_4 : i32
    %scan3A_6 = arith.constant 1 : i32
    scf.for %scan3A_9 = %scan3A_3 to %scan3A_5 step %scan3A_6  : i32 {
      "tpu.region"() ({
        %run_scoped3A = tpu.sem_alloc : memref<!tpu.dma_semaphore, #tpu.memory_space<semaphore_mem>>
        %dma_start3A = arith.constant 0 : i32
        %dma_start3A_10 = tpu.memref_slice %arg6[%scan3A_9, %dma_start3A] : memref<80x128xi32, #tpu.memory_space<vmem>> -> memref<1x128xi32, #tpu.memory_space<vmem>>
        %dma_start3A_11 = tpu.memref_squeeze %dma_start3A_10 : memref<1x128xi32, #tpu.memory_space<vmem>> -> memref<128xi32, #tpu.memory_space<vmem>>
        %dma_start3A_12 = arith.constant 0 : i32
        %dma_start3A_13 = arith.constant 0 : i32
        %dma_start3A_14 = tpu.memref_slice %arg9[%dma_start3A_12, %dma_start3A_13] : memref<10240x16xf32, #tpu.memory_space<vmem_shared>> -> memref<10240x16xf32, #tpu.memory_space<vmem_shared>>
        tpu.enqueue_indirect_dma source(%arg7 : memref<128x16xf32, #tpu.memory_space<vmem>>) target(%dma_start3A_14 : memref<10240x16xf32, #tpu.memory_space<vmem_shared>>) offsets(%dma_start3A_11 : memref<128xi32, #tpu.memory_space<vmem>>) semaphore(%run_scoped3A : memref<!tpu.dma_semaphore, #tpu.memory_space<semaphore_mem>>) {add = true}
        %dma_wait3A = arith.constant 0 : i32
        %dma_wait3A_15 = tpu.memref_slice %arg6[%scan3A_9, %dma_wait3A] : memref<80x128xi32, #tpu.memory_space<vmem>> -> memref<1x128xi32, #tpu.memory_space<vmem>>
        %dma_wait3A_16 = tpu.memref_squeeze %dma_wait3A_15 : memref<1x128xi32, #tpu.memory_space<vmem>> -> memref<128xi32, #tpu.memory_space<vmem>>
        %dma_wait3A_17 = arith.constant 0 : i32
        %dma_wait3A_18 = arith.constant 0 : i32
        %dma_wait3A_19 = tpu.memref_slice %arg9[%dma_wait3A_17, %dma_wait3A_18] : memref<10240x16xf32, #tpu.memory_space<vmem_shared>> -> memref<10240x16xf32, #tpu.memory_space<vmem_shared>>
        tpu.wait_indirect_dma semaphore(%run_scoped3A : memref<!tpu.dma_semaphore, #tpu.memory_space<semaphore_mem>>) src(%arg7 : memref<128x16xf32, #tpu.memory_space<vmem>>) dst(%dma_wait3A_19 : memref<10240x16xf32, #tpu.memory_space<vmem_shared>>)
        tpu.yield
      }) : () -> ()
    }
    %scan3A_7 = arith.constant 80 : i32
    %barrier3A_8 = arith.constant 0 : index
    tpu.barrier barrier_id(%barrier3A_8)
    "tpu.region"() ({
      %run_scoped3A = tpu.sem_alloc : memref<!tpu.dma_semaphore, #tpu.memory_space<semaphore_mem>>
      %dma_start3A = arith.constant 0 : i32
      %dma_start3A_9 = tpu.memref_slice %arg9[%mul3A_2, %dma_start3A] : memref<10240x16xf32, #tpu.memory_space<vmem_shared>> -> memref<640x16xf32, #tpu.memory_space<vmem_shared>>
      %dma_start3A_10 = arith.constant 0 : i32
      %dma_start3A_11 = tpu.memref_slice %arg9[%mul3A_2, %dma_start3A_10] : memref<10240x16xf32, #tpu.memory_space<vmem_shared>> -> memref<640x16xf32, #tpu.memory_space<vmem_shared>>
      tpu.enqueue_dma source(%dma_start3A_11 : memref<640x16xf32, #tpu.memory_space<vmem_shared>>) target(%arg8 : memref<640x16xf32, #tpu.memory_space<vmem>>) target_semaphore(%run_scoped3A : memref<!tpu.dma_semaphore, #tpu.memory_space<semaphore_mem>>)
      %dma_wait3A = arith.constant 0 : i32
      %dma_wait3A_12 = tpu.memref_slice %arg9[%mul3A_2, %dma_wait3A] : memref<10240x16xf32, #tpu.memory_space<vmem_shared>> -> memref<640x16xf32, #tpu.memory_space<vmem_shared>>
      %dma_wait3A_13 = arith.constant 0 : i32
      %dma_wait3A_14 = tpu.memref_slice %arg9[%mul3A_2, %dma_wait3A_13] : memref<10240x16xf32, #tpu.memory_space<vmem_shared>> -> memref<640x16xf32, #tpu.memory_space<vmem_shared>>
      tpu.wait_dma2 semaphore(%run_scoped3A : memref<!tpu.dma_semaphore, #tpu.memory_space<semaphore_mem>>) src(%dma_wait3A_14 : memref<640x16xf32, #tpu.memory_space<vmem_shared>>) dst(%arg8 : memref<640x16xf32, #tpu.memory_space<vmem>>)
      tpu.yield
    }) : () -> ()
    "tpu.region"() ({
      %run_scoped3A = tpu.sem_alloc : memref<!tpu.dma_semaphore, #tpu.memory_space<semaphore_mem>>
      %dma_start3A = arith.constant 0 : i32
      %dma_start3A_9 = tpu.memref_slice %arg5[%arg0, %mul3A_2, %dma_start3A] : memref<2x10240x16xf32, #tpu.memory_space<hbm>> -> memref<1x640x16xf32, #tpu.memory_space<hbm>>
      %dma_start3A_10 = tpu.memref_squeeze %dma_start3A_9 : memref<1x640x16xf32, #tpu.memory_space<hbm>> -> memref<640x16xf32, #tpu.memory_space<hbm>>
      %dma_start3A_11 = arith.constant 0 : i32
      %dma_start3A_12 = tpu.memref_slice %arg5[%arg0, %mul3A_2, %dma_start3A_11] : memref<2x10240x16xf32, #tpu.memory_space<hbm>> -> memref<1x640x16xf32, #tpu.memory_space<hbm>>
      %dma_start3A_13 = tpu.memref_squeeze %dma_start3A_12 : memref<1x640x16xf32, #tpu.memory_space<hbm>> -> memref<640x16xf32, #tpu.memory_space<hbm>>
      tpu.enqueue_dma source(%arg8 : memref<640x16xf32, #tpu.memory_space<vmem>>) target(%dma_start3A_13 : memref<640x16xf32, #tpu.memory_space<hbm>>) target_semaphore(%run_scoped3A : memref<!tpu.dma_semaphore, #tpu.memory_space<semaphore_mem>>)
      %dma_wait3A = arith.constant 0 : i32
      %dma_wait3A_14 = tpu.memref_slice %arg5[%arg0, %mul3A_2, %dma_wait3A] : memref<2x10240x16xf32, #tpu.memory_space<hbm>> -> memref<1x640x16xf32, #tpu.memory_space<hbm>>
      %dma_wait3A_15 = tpu.memref_squeeze %dma_wait3A_14 : memref<1x640x16xf32, #tpu.memory_space<hbm>> -> memref<640x16xf32, #tpu.memory_space<hbm>>
      %dma_wait3A_16 = arith.constant 0 : i32
      %dma_wait3A_17 = tpu.memref_slice %arg5[%arg0, %mul3A_2, %dma_wait3A_16] : memref<2x10240x16xf32, #tpu.memory_space<hbm>> -> memref<1x640x16xf32, #tpu.memory_space<hbm>>
      %dma_wait3A_18 = tpu.memref_squeeze %dma_wait3A_17 : memref<1x640x16xf32, #tpu.memory_space<hbm>> -> memref<640x16xf32, #tpu.memory_space<hbm>>
      tpu.wait_dma2 semaphore(%run_scoped3A : memref<!tpu.dma_semaphore, #tpu.memory_space<semaphore_mem>>) src(%arg8 : memref<640x16xf32, #tpu.memory_space<vmem>>) dst(%dma_wait3A_18 : memref<640x16xf32, #tpu.memory_space<hbm>>)
      tpu.yield
    }) : () -> ()
    return
  }
}

#map = affine_map<(d0, d1) -> (0, 0)>
#map1 = affine_map<(d0, d1) -> (0, 0, 0)>
module attributes {stable_mosaic.version = 14 : i64} {
  func.func @_prop_kernel(%arg0: i32, %arg1: i32, %arg2: memref<10000x32xf32, #tpu.memory_space<hbm>>, %arg3: memref<32x80x128xi32, #tpu.memory_space<hbm>>, %arg4: memref<32x80x128xi32, #tpu.memory_space<hbm>>, %arg5: memref<10240x32xf32, #tpu.memory_space<hbm>>, %arg6: memref<2x10240x32xf32, #tpu.memory_space<hbm>>, %arg7: memref<80x128xi32, #tpu.memory_space<vmem>>, %arg8: memref<80x128xi32, #tpu.memory_space<vmem>>, %arg9: memref<4x128x32xf32, #tpu.memory_space<vmem>>, %arg10: memref<640x32xf32, #tpu.memory_space<vmem>>, %arg11: memref<10240x32xf32, #tpu.memory_space<vmem_shared>>, %arg12: memref<!tpu.dma_semaphore, #tpu.memory_space<semaphore_mem>>, %arg13: memref<!tpu.dma_semaphore, #tpu.memory_space<semaphore_mem>>, %arg14: memref<!tpu.dma_semaphore, #tpu.memory_space<semaphore_mem>>, %arg15: memref<!tpu.dma_semaphore, #tpu.memory_space<semaphore_mem>>, %arg16: memref<!tpu.dma_semaphore, #tpu.memory_space<semaphore_mem>>, %arg17: memref<!tpu.dma_semaphore, #tpu.memory_space<semaphore_mem>>, %arg18: memref<!tpu.dma_semaphore, #tpu.memory_space<semaphore_mem>>, %arg19: memref<!tpu.dma_semaphore, #tpu.memory_space<semaphore_mem>>) attributes {dimension_semantics = [#tpu.dimension_semantics<core_parallel>, #tpu.dimension_semantics<subcore_parallel>], iteration_bounds = array<i64: 2, 16>, scalar_prefetch = 0 : i64, scratch_operands = 13 : i64, tpu.core_type = #tpu.core_type<sc_vector_subcore>, window_params = [{transform_indices = #map}, {transform_indices = #map1}, {transform_indices = #map1}, {transform_indices = #map}, {transform_indices = #map1}]} {
    %mul3A = arith.constant 16 : i32
    %mul3A_0 = arith.muli %arg0, %mul3A : i32
    %add3A = arith.addi %mul3A_0, %arg1 : i32
    %mul3A_1 = arith.constant 640 : i32
    %mul3A_2 = arith.muli %arg1, %mul3A_1 : i32
    "tpu.region"() ({
      %run_scoped3A = tpu.sem_alloc : memref<!tpu.dma_semaphore, #tpu.memory_space<semaphore_mem>>
      %dma_start3A_107 = arith.constant 0 : i32
      %dma_start3A_108 = tpu.memref_slice %arg5[%mul3A_2, %dma_start3A_107] : memref<10240x32xf32, #tpu.memory_space<hbm>> -> memref<640x32xf32, #tpu.memory_space<hbm>>
      %dma_start3A_109 = arith.constant 0 : i32
      %dma_start3A_110 = tpu.memref_slice %arg5[%mul3A_2, %dma_start3A_109] : memref<10240x32xf32, #tpu.memory_space<hbm>> -> memref<640x32xf32, #tpu.memory_space<hbm>>
      tpu.enqueue_dma source(%dma_start3A_110 : memref<640x32xf32, #tpu.memory_space<hbm>>) target(%arg10 : memref<640x32xf32, #tpu.memory_space<vmem>>) target_semaphore(%run_scoped3A : memref<!tpu.dma_semaphore, #tpu.memory_space<semaphore_mem>>)
      %dma_wait3A_111 = arith.constant 0 : i32
      %dma_wait3A_112 = tpu.memref_slice %arg5[%mul3A_2, %dma_wait3A_111] : memref<10240x32xf32, #tpu.memory_space<hbm>> -> memref<640x32xf32, #tpu.memory_space<hbm>>
      %dma_wait3A_113 = arith.constant 0 : i32
      %dma_wait3A_114 = tpu.memref_slice %arg5[%mul3A_2, %dma_wait3A_113] : memref<10240x32xf32, #tpu.memory_space<hbm>> -> memref<640x32xf32, #tpu.memory_space<hbm>>
      tpu.wait_dma2 semaphore(%run_scoped3A : memref<!tpu.dma_semaphore, #tpu.memory_space<semaphore_mem>>) src(%dma_wait3A_114 : memref<640x32xf32, #tpu.memory_space<hbm>>) dst(%arg10 : memref<640x32xf32, #tpu.memory_space<vmem>>)
      tpu.yield
    }) : () -> ()
    "tpu.region"() ({
      %run_scoped3A = tpu.sem_alloc : memref<!tpu.dma_semaphore, #tpu.memory_space<semaphore_mem>>
      %dma_start3A_107 = arith.constant 0 : i32
      %dma_start3A_108 = tpu.memref_slice %arg11[%mul3A_2, %dma_start3A_107] : memref<10240x32xf32, #tpu.memory_space<vmem_shared>> -> memref<640x32xf32, #tpu.memory_space<vmem_shared>>
      %dma_start3A_109 = arith.constant 0 : i32
      %dma_start3A_110 = tpu.memref_slice %arg11[%mul3A_2, %dma_start3A_109] : memref<10240x32xf32, #tpu.memory_space<vmem_shared>> -> memref<640x32xf32, #tpu.memory_space<vmem_shared>>
      tpu.enqueue_dma source(%arg10 : memref<640x32xf32, #tpu.memory_space<vmem>>) target(%dma_start3A_110 : memref<640x32xf32, #tpu.memory_space<vmem_shared>>) target_semaphore(%run_scoped3A : memref<!tpu.dma_semaphore, #tpu.memory_space<semaphore_mem>>)
      %dma_wait3A_111 = arith.constant 0 : i32
      %dma_wait3A_112 = tpu.memref_slice %arg11[%mul3A_2, %dma_wait3A_111] : memref<10240x32xf32, #tpu.memory_space<vmem_shared>> -> memref<640x32xf32, #tpu.memory_space<vmem_shared>>
      %dma_wait3A_113 = arith.constant 0 : i32
      %dma_wait3A_114 = tpu.memref_slice %arg11[%mul3A_2, %dma_wait3A_113] : memref<10240x32xf32, #tpu.memory_space<vmem_shared>> -> memref<640x32xf32, #tpu.memory_space<vmem_shared>>
      tpu.wait_dma2 semaphore(%run_scoped3A : memref<!tpu.dma_semaphore, #tpu.memory_space<semaphore_mem>>) src(%arg10 : memref<640x32xf32, #tpu.memory_space<vmem>>) dst(%dma_wait3A_114 : memref<640x32xf32, #tpu.memory_space<vmem_shared>>)
      tpu.yield
    }) : () -> ()
    "tpu.region"() ({
      %run_scoped3A = tpu.sem_alloc : memref<!tpu.dma_semaphore, #tpu.memory_space<semaphore_mem>>
      %dma_start3A_107 = arith.constant 0 : i32
      %dma_start3A_108 = arith.constant 0 : i32
      %dma_start3A_109 = tpu.memref_slice %arg3[%add3A, %dma_start3A_107, %dma_start3A_108] : memref<32x80x128xi32, #tpu.memory_space<hbm>> -> memref<1x80x128xi32, #tpu.memory_space<hbm>>
      %dma_start3A_110 = tpu.memref_squeeze %dma_start3A_109 : memref<1x80x128xi32, #tpu.memory_space<hbm>> -> memref<80x128xi32, #tpu.memory_space<hbm>>
      %dma_start3A_111 = arith.constant 0 : i32
      %dma_start3A_112 = arith.constant 0 : i32
      %dma_start3A_113 = tpu.memref_slice %arg3[%add3A, %dma_start3A_111, %dma_start3A_112] : memref<32x80x128xi32, #tpu.memory_space<hbm>> -> memref<1x80x128xi32, #tpu.memory_space<hbm>>
      %dma_start3A_114 = tpu.memref_squeeze %dma_start3A_113 : memref<1x80x128xi32, #tpu.memory_space<hbm>> -> memref<80x128xi32, #tpu.memory_space<hbm>>
      tpu.enqueue_dma source(%dma_start3A_114 : memref<80x128xi32, #tpu.memory_space<hbm>>) target(%arg7 : memref<80x128xi32, #tpu.memory_space<vmem>>) target_semaphore(%run_scoped3A : memref<!tpu.dma_semaphore, #tpu.memory_space<semaphore_mem>>)
      %dma_wait3A_115 = arith.constant 0 : i32
      %dma_wait3A_116 = arith.constant 0 : i32
      %dma_wait3A_117 = tpu.memref_slice %arg3[%add3A, %dma_wait3A_115, %dma_wait3A_116] : memref<32x80x128xi32, #tpu.memory_space<hbm>> -> memref<1x80x128xi32, #tpu.memory_space<hbm>>
      %dma_wait3A_118 = tpu.memref_squeeze %dma_wait3A_117 : memref<1x80x128xi32, #tpu.memory_space<hbm>> -> memref<80x128xi32, #tpu.memory_space<hbm>>
      %dma_wait3A_119 = arith.constant 0 : i32
      %dma_wait3A_120 = arith.constant 0 : i32
      %dma_wait3A_121 = tpu.memref_slice %arg3[%add3A, %dma_wait3A_119, %dma_wait3A_120] : memref<32x80x128xi32, #tpu.memory_space<hbm>> -> memref<1x80x128xi32, #tpu.memory_space<hbm>>
      %dma_wait3A_122 = tpu.memref_squeeze %dma_wait3A_121 : memref<1x80x128xi32, #tpu.memory_space<hbm>> -> memref<80x128xi32, #tpu.memory_space<hbm>>
      tpu.wait_dma2 semaphore(%run_scoped3A : memref<!tpu.dma_semaphore, #tpu.memory_space<semaphore_mem>>) src(%dma_wait3A_122 : memref<80x128xi32, #tpu.memory_space<hbm>>) dst(%arg7 : memref<80x128xi32, #tpu.memory_space<vmem>>)
      tpu.yield
    }) : () -> ()
    "tpu.region"() ({
      %run_scoped3A = tpu.sem_alloc : memref<!tpu.dma_semaphore, #tpu.memory_space<semaphore_mem>>
      %dma_start3A_107 = arith.constant 0 : i32
      %dma_start3A_108 = arith.constant 0 : i32
      %dma_start3A_109 = tpu.memref_slice %arg4[%add3A, %dma_start3A_107, %dma_start3A_108] : memref<32x80x128xi32, #tpu.memory_space<hbm>> -> memref<1x80x128xi32, #tpu.memory_space<hbm>>
      %dma_start3A_110 = tpu.memref_squeeze %dma_start3A_109 : memref<1x80x128xi32, #tpu.memory_space<hbm>> -> memref<80x128xi32, #tpu.memory_space<hbm>>
      %dma_start3A_111 = arith.constant 0 : i32
      %dma_start3A_112 = arith.constant 0 : i32
      %dma_start3A_113 = tpu.memref_slice %arg4[%add3A, %dma_start3A_111, %dma_start3A_112] : memref<32x80x128xi32, #tpu.memory_space<hbm>> -> memref<1x80x128xi32, #tpu.memory_space<hbm>>
      %dma_start3A_114 = tpu.memref_squeeze %dma_start3A_113 : memref<1x80x128xi32, #tpu.memory_space<hbm>> -> memref<80x128xi32, #tpu.memory_space<hbm>>
      tpu.enqueue_dma source(%dma_start3A_114 : memref<80x128xi32, #tpu.memory_space<hbm>>) target(%arg8 : memref<80x128xi32, #tpu.memory_space<vmem>>) target_semaphore(%run_scoped3A : memref<!tpu.dma_semaphore, #tpu.memory_space<semaphore_mem>>)
      %dma_wait3A_115 = arith.constant 0 : i32
      %dma_wait3A_116 = arith.constant 0 : i32
      %dma_wait3A_117 = tpu.memref_slice %arg4[%add3A, %dma_wait3A_115, %dma_wait3A_116] : memref<32x80x128xi32, #tpu.memory_space<hbm>> -> memref<1x80x128xi32, #tpu.memory_space<hbm>>
      %dma_wait3A_118 = tpu.memref_squeeze %dma_wait3A_117 : memref<1x80x128xi32, #tpu.memory_space<hbm>> -> memref<80x128xi32, #tpu.memory_space<hbm>>
      %dma_wait3A_119 = arith.constant 0 : i32
      %dma_wait3A_120 = arith.constant 0 : i32
      %dma_wait3A_121 = tpu.memref_slice %arg4[%add3A, %dma_wait3A_119, %dma_wait3A_120] : memref<32x80x128xi32, #tpu.memory_space<hbm>> -> memref<1x80x128xi32, #tpu.memory_space<hbm>>
      %dma_wait3A_122 = tpu.memref_squeeze %dma_wait3A_121 : memref<1x80x128xi32, #tpu.memory_space<hbm>> -> memref<80x128xi32, #tpu.memory_space<hbm>>
      tpu.wait_dma2 semaphore(%run_scoped3A : memref<!tpu.dma_semaphore, #tpu.memory_space<semaphore_mem>>) src(%dma_wait3A_122 : memref<80x128xi32, #tpu.memory_space<hbm>>) dst(%arg8 : memref<80x128xi32, #tpu.memory_space<vmem>>)
      tpu.yield
    }) : () -> ()
    %barrier3A = arith.constant 0 : index
    tpu.barrier barrier_id(%barrier3A)
    %dma_start3A = arith.constant 0 : i32
    %dma_start3A_3 = arith.constant 0 : i32
    %dma_start3A_4 = arith.constant 0 : i32
    %dma_start3A_5 = arith.constant 0 : i32
    %dma_start3A_6 = tpu.memref_slice %arg9[%dma_start3A_3, %dma_start3A_4, %dma_start3A_5] : memref<4x128x32xf32, #tpu.memory_space<vmem>> -> memref<1x128x32xf32, #tpu.memory_space<vmem>>
    %dma_start3A_7 = tpu.memref_squeeze %dma_start3A_6 : memref<1x128x32xf32, #tpu.memory_space<vmem>> -> memref<128x32xf32, #tpu.memory_space<vmem>>
    %dma_start3A_8 = arith.constant 0 : i32
    %dma_start3A_9 = tpu.memref_slice %arg7[%dma_start3A, %dma_start3A_8] : memref<80x128xi32, #tpu.memory_space<vmem>> -> memref<1x128xi32, #tpu.memory_space<vmem>>
    %dma_start3A_10 = tpu.memref_squeeze %dma_start3A_9 : memref<1x128xi32, #tpu.memory_space<vmem>> -> memref<128xi32, #tpu.memory_space<vmem>>
    %dma_start3A_11 = arith.constant 0 : i32
    %dma_start3A_12 = arith.constant 0 : i32
    %dma_start3A_13 = tpu.memref_slice %arg2[%dma_start3A_11, %dma_start3A_12] : memref<10000x32xf32, #tpu.memory_space<hbm>> -> memref<10000x32xf32, #tpu.memory_space<hbm>>
    tpu.enqueue_indirect_dma source(%dma_start3A_13 : memref<10000x32xf32, #tpu.memory_space<hbm>>) target(%dma_start3A_7 : memref<128x32xf32, #tpu.memory_space<vmem>>) offsets(%dma_start3A_10 : memref<128xi32, #tpu.memory_space<vmem>>) semaphore(%arg12 : memref<!tpu.dma_semaphore, #tpu.memory_space<semaphore_mem>>)
    %dma_start3A_14 = arith.constant 1 : i32
    %dma_start3A_15 = arith.constant 1 : i32
    %dma_start3A_16 = arith.constant 0 : i32
    %dma_start3A_17 = arith.constant 0 : i32
    %dma_start3A_18 = tpu.memref_slice %arg9[%dma_start3A_15, %dma_start3A_16, %dma_start3A_17] : memref<4x128x32xf32, #tpu.memory_space<vmem>> -> memref<1x128x32xf32, #tpu.memory_space<vmem>>
    %dma_start3A_19 = tpu.memref_squeeze %dma_start3A_18 : memref<1x128x32xf32, #tpu.memory_space<vmem>> -> memref<128x32xf32, #tpu.memory_space<vmem>>
    %dma_start3A_20 = arith.constant 0 : i32
    %dma_start3A_21 = tpu.memref_slice %arg7[%dma_start3A_14, %dma_start3A_20] : memref<80x128xi32, #tpu.memory_space<vmem>> -> memref<1x128xi32, #tpu.memory_space<vmem>>
    %dma_start3A_22 = tpu.memref_squeeze %dma_start3A_21 : memref<1x128xi32, #tpu.memory_space<vmem>> -> memref<128xi32, #tpu.memory_space<vmem>>
    %dma_start3A_23 = arith.constant 0 : i32
    %dma_start3A_24 = arith.constant 0 : i32
    %dma_start3A_25 = tpu.memref_slice %arg2[%dma_start3A_23, %dma_start3A_24] : memref<10000x32xf32, #tpu.memory_space<hbm>> -> memref<10000x32xf32, #tpu.memory_space<hbm>>
    tpu.enqueue_indirect_dma source(%dma_start3A_25 : memref<10000x32xf32, #tpu.memory_space<hbm>>) target(%dma_start3A_19 : memref<128x32xf32, #tpu.memory_space<vmem>>) offsets(%dma_start3A_22 : memref<128xi32, #tpu.memory_space<vmem>>) semaphore(%arg13 : memref<!tpu.dma_semaphore, #tpu.memory_space<semaphore_mem>>)
    %dma_start3A_26 = arith.constant 2 : i32
    %dma_start3A_27 = arith.constant 2 : i32
    %dma_start3A_28 = arith.constant 0 : i32
    %dma_start3A_29 = arith.constant 0 : i32
    %dma_start3A_30 = tpu.memref_slice %arg9[%dma_start3A_27, %dma_start3A_28, %dma_start3A_29] : memref<4x128x32xf32, #tpu.memory_space<vmem>> -> memref<1x128x32xf32, #tpu.memory_space<vmem>>
    %dma_start3A_31 = tpu.memref_squeeze %dma_start3A_30 : memref<1x128x32xf32, #tpu.memory_space<vmem>> -> memref<128x32xf32, #tpu.memory_space<vmem>>
    %dma_start3A_32 = arith.constant 0 : i32
    %dma_start3A_33 = tpu.memref_slice %arg7[%dma_start3A_26, %dma_start3A_32] : memref<80x128xi32, #tpu.memory_space<vmem>> -> memref<1x128xi32, #tpu.memory_space<vmem>>
    %dma_start3A_34 = tpu.memref_squeeze %dma_start3A_33 : memref<1x128xi32, #tpu.memory_space<vmem>> -> memref<128xi32, #tpu.memory_space<vmem>>
    %dma_start3A_35 = arith.constant 0 : i32
    %dma_start3A_36 = arith.constant 0 : i32
    %dma_start3A_37 = tpu.memref_slice %arg2[%dma_start3A_35, %dma_start3A_36] : memref<10000x32xf32, #tpu.memory_space<hbm>> -> memref<10000x32xf32, #tpu.memory_space<hbm>>
    tpu.enqueue_indirect_dma source(%dma_start3A_37 : memref<10000x32xf32, #tpu.memory_space<hbm>>) target(%dma_start3A_31 : memref<128x32xf32, #tpu.memory_space<vmem>>) offsets(%dma_start3A_34 : memref<128xi32, #tpu.memory_space<vmem>>) semaphore(%arg14 : memref<!tpu.dma_semaphore, #tpu.memory_space<semaphore_mem>>)
    %dma_start3A_38 = arith.constant 3 : i32
    %dma_start3A_39 = arith.constant 3 : i32
    %dma_start3A_40 = arith.constant 0 : i32
    %dma_start3A_41 = arith.constant 0 : i32
    %dma_start3A_42 = tpu.memref_slice %arg9[%dma_start3A_39, %dma_start3A_40, %dma_start3A_41] : memref<4x128x32xf32, #tpu.memory_space<vmem>> -> memref<1x128x32xf32, #tpu.memory_space<vmem>>
    %dma_start3A_43 = tpu.memref_squeeze %dma_start3A_42 : memref<1x128x32xf32, #tpu.memory_space<vmem>> -> memref<128x32xf32, #tpu.memory_space<vmem>>
    %dma_start3A_44 = arith.constant 0 : i32
    %dma_start3A_45 = tpu.memref_slice %arg7[%dma_start3A_38, %dma_start3A_44] : memref<80x128xi32, #tpu.memory_space<vmem>> -> memref<1x128xi32, #tpu.memory_space<vmem>>
    %dma_start3A_46 = tpu.memref_squeeze %dma_start3A_45 : memref<1x128xi32, #tpu.memory_space<vmem>> -> memref<128xi32, #tpu.memory_space<vmem>>
    %dma_start3A_47 = arith.constant 0 : i32
    %dma_start3A_48 = arith.constant 0 : i32
    %dma_start3A_49 = tpu.memref_slice %arg2[%dma_start3A_47, %dma_start3A_48] : memref<10000x32xf32, #tpu.memory_space<hbm>> -> memref<10000x32xf32, #tpu.memory_space<hbm>>
    tpu.enqueue_indirect_dma source(%dma_start3A_49 : memref<10000x32xf32, #tpu.memory_space<hbm>>) target(%dma_start3A_43 : memref<128x32xf32, #tpu.memory_space<vmem>>) offsets(%dma_start3A_46 : memref<128xi32, #tpu.memory_space<vmem>>) semaphore(%arg15 : memref<!tpu.dma_semaphore, #tpu.memory_space<semaphore_mem>>)
    %scan3A = arith.constant 0 : i32
    %scan3A_50 = arith.constant 0 : i32
    %scan3A_51 = arith.constant 1 : i32
    %scan3A_52 = arith.constant 2 : i32
    %scan3A_53 = arith.constant 3 : i32
    %scan3A_54 = arith.constant 0 : i32
    %scan3A_55 = arith.constant 20 : i32
    %scan3A_56 = arith.addi %scan3A_54, %scan3A_55 : i32
    %scan3A_57 = arith.constant 1 : i32
    scf.for %scan3A_107 = %scan3A_54 to %scan3A_56 step %scan3A_57  : i32 {
      %mul3A_108 = arith.constant 4 : i32
      %mul3A_109 = arith.muli %mul3A_108, %scan3A_107 : i32
      %add3A_110 = arith.constant 0 : i32
      %add3A_111 = arith.addi %mul3A_109, %add3A_110 : i32
      %dma_wait3A_112 = arith.constant 0 : i32
      %dma_wait3A_113 = arith.constant 0 : i32
      %dma_wait3A_114 = tpu.memref_slice %arg9[%scan3A_50, %dma_wait3A_112, %dma_wait3A_113] : memref<4x128x32xf32, #tpu.memory_space<vmem>> -> memref<1x128x32xf32, #tpu.memory_space<vmem>>
      %dma_wait3A_115 = tpu.memref_squeeze %dma_wait3A_114 : memref<1x128x32xf32, #tpu.memory_space<vmem>> -> memref<128x32xf32, #tpu.memory_space<vmem>>
      %dma_wait3A_116 = arith.constant 0 : i32
      %dma_wait3A_117 = tpu.memref_slice %arg7[%add3A_111, %dma_wait3A_116] : memref<80x128xi32, #tpu.memory_space<vmem>> -> memref<1x128xi32, #tpu.memory_space<vmem>>
      %dma_wait3A_118 = tpu.memref_squeeze %dma_wait3A_117 : memref<1x128xi32, #tpu.memory_space<vmem>> -> memref<128xi32, #tpu.memory_space<vmem>>
      %dma_wait3A_119 = arith.constant 0 : i32
      %dma_wait3A_120 = arith.constant 0 : i32
      %dma_wait3A_121 = tpu.memref_slice %arg2[%dma_wait3A_119, %dma_wait3A_120] : memref<10000x32xf32, #tpu.memory_space<hbm>> -> memref<10000x32xf32, #tpu.memory_space<hbm>>
      tpu.wait_indirect_dma semaphore(%arg12 : memref<!tpu.dma_semaphore, #tpu.memory_space<semaphore_mem>>) src(%dma_wait3A_121 : memref<10000x32xf32, #tpu.memory_space<hbm>>) dst(%dma_wait3A_115 : memref<128x32xf32, #tpu.memory_space<vmem>>)
      %add3A_122 = arith.constant 0 : i32
      %add3A_123 = arith.addi %mul3A_109, %add3A_122 : i32
      %dma_start3A_124 = arith.constant 0 : i32
      %dma_start3A_125 = arith.constant 0 : i32
      %dma_start3A_126 = tpu.memref_slice %arg9[%scan3A_50, %dma_start3A_124, %dma_start3A_125] : memref<4x128x32xf32, #tpu.memory_space<vmem>> -> memref<1x128x32xf32, #tpu.memory_space<vmem>>
      %dma_start3A_127 = tpu.memref_squeeze %dma_start3A_126 : memref<1x128x32xf32, #tpu.memory_space<vmem>> -> memref<128x32xf32, #tpu.memory_space<vmem>>
      %dma_start3A_128 = arith.constant 0 : i32
      %dma_start3A_129 = tpu.memref_slice %arg8[%add3A_123, %dma_start3A_128] : memref<80x128xi32, #tpu.memory_space<vmem>> -> memref<1x128xi32, #tpu.memory_space<vmem>>
      %dma_start3A_130 = tpu.memref_squeeze %dma_start3A_129 : memref<1x128xi32, #tpu.memory_space<vmem>> -> memref<128xi32, #tpu.memory_space<vmem>>
      %dma_start3A_131 = arith.constant 0 : i32
      %dma_start3A_132 = arith.constant 0 : i32
      %dma_start3A_133 = tpu.memref_slice %arg11[%dma_start3A_131, %dma_start3A_132] : memref<10240x32xf32, #tpu.memory_space<vmem_shared>> -> memref<10240x32xf32, #tpu.memory_space<vmem_shared>>
      tpu.enqueue_indirect_dma source(%dma_start3A_127 : memref<128x32xf32, #tpu.memory_space<vmem>>) target(%dma_start3A_133 : memref<10240x32xf32, #tpu.memory_space<vmem_shared>>) offsets(%dma_start3A_130 : memref<128xi32, #tpu.memory_space<vmem>>) semaphore(%arg16 : memref<!tpu.dma_semaphore, #tpu.memory_space<semaphore_mem>>) {add = true}
      %add3A_134 = arith.constant 1 : i32
      %add3A_135 = arith.addi %mul3A_109, %add3A_134 : i32
      %dma_wait3A_136 = arith.constant 0 : i32
      %dma_wait3A_137 = arith.constant 0 : i32
      %dma_wait3A_138 = tpu.memref_slice %arg9[%scan3A_51, %dma_wait3A_136, %dma_wait3A_137] : memref<4x128x32xf32, #tpu.memory_space<vmem>> -> memref<1x128x32xf32, #tpu.memory_space<vmem>>
      %dma_wait3A_139 = tpu.memref_squeeze %dma_wait3A_138 : memref<1x128x32xf32, #tpu.memory_space<vmem>> -> memref<128x32xf32, #tpu.memory_space<vmem>>
      %dma_wait3A_140 = arith.constant 0 : i32
      %dma_wait3A_141 = tpu.memref_slice %arg7[%add3A_135, %dma_wait3A_140] : memref<80x128xi32, #tpu.memory_space<vmem>> -> memref<1x128xi32, #tpu.memory_space<vmem>>
      %dma_wait3A_142 = tpu.memref_squeeze %dma_wait3A_141 : memref<1x128xi32, #tpu.memory_space<vmem>> -> memref<128xi32, #tpu.memory_space<vmem>>
      %dma_wait3A_143 = arith.constant 0 : i32
      %dma_wait3A_144 = arith.constant 0 : i32
      %dma_wait3A_145 = tpu.memref_slice %arg2[%dma_wait3A_143, %dma_wait3A_144] : memref<10000x32xf32, #tpu.memory_space<hbm>> -> memref<10000x32xf32, #tpu.memory_space<hbm>>
      tpu.wait_indirect_dma semaphore(%arg13 : memref<!tpu.dma_semaphore, #tpu.memory_space<semaphore_mem>>) src(%dma_wait3A_145 : memref<10000x32xf32, #tpu.memory_space<hbm>>) dst(%dma_wait3A_139 : memref<128x32xf32, #tpu.memory_space<vmem>>)
      %add3A_146 = arith.constant 1 : i32
      %add3A_147 = arith.addi %mul3A_109, %add3A_146 : i32
      %dma_start3A_148 = arith.constant 0 : i32
      %dma_start3A_149 = arith.constant 0 : i32
      %dma_start3A_150 = tpu.memref_slice %arg9[%scan3A_51, %dma_start3A_148, %dma_start3A_149] : memref<4x128x32xf32, #tpu.memory_space<vmem>> -> memref<1x128x32xf32, #tpu.memory_space<vmem>>
      %dma_start3A_151 = tpu.memref_squeeze %dma_start3A_150 : memref<1x128x32xf32, #tpu.memory_space<vmem>> -> memref<128x32xf32, #tpu.memory_space<vmem>>
      %dma_start3A_152 = arith.constant 0 : i32
      %dma_start3A_153 = tpu.memref_slice %arg8[%add3A_147, %dma_start3A_152] : memref<80x128xi32, #tpu.memory_space<vmem>> -> memref<1x128xi32, #tpu.memory_space<vmem>>
      %dma_start3A_154 = tpu.memref_squeeze %dma_start3A_153 : memref<1x128xi32, #tpu.memory_space<vmem>> -> memref<128xi32, #tpu.memory_space<vmem>>
      %dma_start3A_155 = arith.constant 0 : i32
      %dma_start3A_156 = arith.constant 0 : i32
      %dma_start3A_157 = tpu.memref_slice %arg11[%dma_start3A_155, %dma_start3A_156] : memref<10240x32xf32, #tpu.memory_space<vmem_shared>> -> memref<10240x32xf32, #tpu.memory_space<vmem_shared>>
      tpu.enqueue_indirect_dma source(%dma_start3A_151 : memref<128x32xf32, #tpu.memory_space<vmem>>) target(%dma_start3A_157 : memref<10240x32xf32, #tpu.memory_space<vmem_shared>>) offsets(%dma_start3A_154 : memref<128xi32, #tpu.memory_space<vmem>>) semaphore(%arg17 : memref<!tpu.dma_semaphore, #tpu.memory_space<semaphore_mem>>) {add = true}
      %add3A_158 = arith.constant 2 : i32
      %add3A_159 = arith.addi %mul3A_109, %add3A_158 : i32
      %dma_wait3A_160 = arith.constant 0 : i32
      %dma_wait3A_161 = arith.constant 0 : i32
      %dma_wait3A_162 = tpu.memref_slice %arg9[%scan3A_52, %dma_wait3A_160, %dma_wait3A_161] : memref<4x128x32xf32, #tpu.memory_space<vmem>> -> memref<1x128x32xf32, #tpu.memory_space<vmem>>
      %dma_wait3A_163 = tpu.memref_squeeze %dma_wait3A_162 : memref<1x128x32xf32, #tpu.memory_space<vmem>> -> memref<128x32xf32, #tpu.memory_space<vmem>>
      %dma_wait3A_164 = arith.constant 0 : i32
      %dma_wait3A_165 = tpu.memref_slice %arg7[%add3A_159, %dma_wait3A_164] : memref<80x128xi32, #tpu.memory_space<vmem>> -> memref<1x128xi32, #tpu.memory_space<vmem>>
      %dma_wait3A_166 = tpu.memref_squeeze %dma_wait3A_165 : memref<1x128xi32, #tpu.memory_space<vmem>> -> memref<128xi32, #tpu.memory_space<vmem>>
      %dma_wait3A_167 = arith.constant 0 : i32
      %dma_wait3A_168 = arith.constant 0 : i32
      %dma_wait3A_169 = tpu.memref_slice %arg2[%dma_wait3A_167, %dma_wait3A_168] : memref<10000x32xf32, #tpu.memory_space<hbm>> -> memref<10000x32xf32, #tpu.memory_space<hbm>>
      tpu.wait_indirect_dma semaphore(%arg14 : memref<!tpu.dma_semaphore, #tpu.memory_space<semaphore_mem>>) src(%dma_wait3A_169 : memref<10000x32xf32, #tpu.memory_space<hbm>>) dst(%dma_wait3A_163 : memref<128x32xf32, #tpu.memory_space<vmem>>)
      %add3A_170 = arith.constant 2 : i32
      %add3A_171 = arith.addi %mul3A_109, %add3A_170 : i32
      %dma_start3A_172 = arith.constant 0 : i32
      %dma_start3A_173 = arith.constant 0 : i32
      %dma_start3A_174 = tpu.memref_slice %arg9[%scan3A_52, %dma_start3A_172, %dma_start3A_173] : memref<4x128x32xf32, #tpu.memory_space<vmem>> -> memref<1x128x32xf32, #tpu.memory_space<vmem>>
      %dma_start3A_175 = tpu.memref_squeeze %dma_start3A_174 : memref<1x128x32xf32, #tpu.memory_space<vmem>> -> memref<128x32xf32, #tpu.memory_space<vmem>>
      %dma_start3A_176 = arith.constant 0 : i32
      %dma_start3A_177 = tpu.memref_slice %arg8[%add3A_171, %dma_start3A_176] : memref<80x128xi32, #tpu.memory_space<vmem>> -> memref<1x128xi32, #tpu.memory_space<vmem>>
      %dma_start3A_178 = tpu.memref_squeeze %dma_start3A_177 : memref<1x128xi32, #tpu.memory_space<vmem>> -> memref<128xi32, #tpu.memory_space<vmem>>
      %dma_start3A_179 = arith.constant 0 : i32
      %dma_start3A_180 = arith.constant 0 : i32
      %dma_start3A_181 = tpu.memref_slice %arg11[%dma_start3A_179, %dma_start3A_180] : memref<10240x32xf32, #tpu.memory_space<vmem_shared>> -> memref<10240x32xf32, #tpu.memory_space<vmem_shared>>
      tpu.enqueue_indirect_dma source(%dma_start3A_175 : memref<128x32xf32, #tpu.memory_space<vmem>>) target(%dma_start3A_181 : memref<10240x32xf32, #tpu.memory_space<vmem_shared>>) offsets(%dma_start3A_178 : memref<128xi32, #tpu.memory_space<vmem>>) semaphore(%arg18 : memref<!tpu.dma_semaphore, #tpu.memory_space<semaphore_mem>>) {add = true}
      %add3A_182 = arith.constant 3 : i32
      %add3A_183 = arith.addi %mul3A_109, %add3A_182 : i32
      %dma_wait3A_184 = arith.constant 0 : i32
      %dma_wait3A_185 = arith.constant 0 : i32
      %dma_wait3A_186 = tpu.memref_slice %arg9[%scan3A_53, %dma_wait3A_184, %dma_wait3A_185] : memref<4x128x32xf32, #tpu.memory_space<vmem>> -> memref<1x128x32xf32, #tpu.memory_space<vmem>>
      %dma_wait3A_187 = tpu.memref_squeeze %dma_wait3A_186 : memref<1x128x32xf32, #tpu.memory_space<vmem>> -> memref<128x32xf32, #tpu.memory_space<vmem>>
      %dma_wait3A_188 = arith.constant 0 : i32
      %dma_wait3A_189 = tpu.memref_slice %arg7[%add3A_183, %dma_wait3A_188] : memref<80x128xi32, #tpu.memory_space<vmem>> -> memref<1x128xi32, #tpu.memory_space<vmem>>
      %dma_wait3A_190 = tpu.memref_squeeze %dma_wait3A_189 : memref<1x128xi32, #tpu.memory_space<vmem>> -> memref<128xi32, #tpu.memory_space<vmem>>
      %dma_wait3A_191 = arith.constant 0 : i32
      %dma_wait3A_192 = arith.constant 0 : i32
      %dma_wait3A_193 = tpu.memref_slice %arg2[%dma_wait3A_191, %dma_wait3A_192] : memref<10000x32xf32, #tpu.memory_space<hbm>> -> memref<10000x32xf32, #tpu.memory_space<hbm>>
      tpu.wait_indirect_dma semaphore(%arg15 : memref<!tpu.dma_semaphore, #tpu.memory_space<semaphore_mem>>) src(%dma_wait3A_193 : memref<10000x32xf32, #tpu.memory_space<hbm>>) dst(%dma_wait3A_187 : memref<128x32xf32, #tpu.memory_space<vmem>>)
      %add3A_194 = arith.constant 3 : i32
      %add3A_195 = arith.addi %mul3A_109, %add3A_194 : i32
      %dma_start3A_196 = arith.constant 0 : i32
      %dma_start3A_197 = arith.constant 0 : i32
      %dma_start3A_198 = tpu.memref_slice %arg9[%scan3A_53, %dma_start3A_196, %dma_start3A_197] : memref<4x128x32xf32, #tpu.memory_space<vmem>> -> memref<1x128x32xf32, #tpu.memory_space<vmem>>
      %dma_start3A_199 = tpu.memref_squeeze %dma_start3A_198 : memref<1x128x32xf32, #tpu.memory_space<vmem>> -> memref<128x32xf32, #tpu.memory_space<vmem>>
      %dma_start3A_200 = arith.constant 0 : i32
      %dma_start3A_201 = tpu.memref_slice %arg8[%add3A_195, %dma_start3A_200] : memref<80x128xi32, #tpu.memory_space<vmem>> -> memref<1x128xi32, #tpu.memory_space<vmem>>
      %dma_start3A_202 = tpu.memref_squeeze %dma_start3A_201 : memref<1x128xi32, #tpu.memory_space<vmem>> -> memref<128xi32, #tpu.memory_space<vmem>>
      %dma_start3A_203 = arith.constant 0 : i32
      %dma_start3A_204 = arith.constant 0 : i32
      %dma_start3A_205 = tpu.memref_slice %arg11[%dma_start3A_203, %dma_start3A_204] : memref<10240x32xf32, #tpu.memory_space<vmem_shared>> -> memref<10240x32xf32, #tpu.memory_space<vmem_shared>>
      tpu.enqueue_indirect_dma source(%dma_start3A_199 : memref<128x32xf32, #tpu.memory_space<vmem>>) target(%dma_start3A_205 : memref<10240x32xf32, #tpu.memory_space<vmem_shared>>) offsets(%dma_start3A_202 : memref<128xi32, #tpu.memory_space<vmem>>) semaphore(%arg19 : memref<!tpu.dma_semaphore, #tpu.memory_space<semaphore_mem>>) {add = true}
      %add3A_206 = arith.constant 0 : i32
      %add3A_207 = arith.addi %mul3A_109, %add3A_206 : i32
      %add3A_208 = arith.constant 4 : i32
      %add3A_209 = arith.addi %add3A_207, %add3A_208 : i32
      %lt3A = arith.constant 80 : i32
      %lt3A_210 = arith.cmpi slt, %add3A_209, %lt3A : i32
      %convert_element_type3A = arith.extui %lt3A_210 : i1 to i32
      %cond3A = arith.constant 0 : i32
      %cond3A_211 = arith.cmpi ne, %convert_element_type3A, %cond3A : i32
      scf.if %cond3A_211 {
        %add3A_239 = arith.constant 0 : i32
        %add3A_240 = arith.addi %mul3A_109, %add3A_239 : i32
        %dma_wait3A_241 = arith.constant 0 : i32
        %dma_wait3A_242 = arith.constant 0 : i32
        %dma_wait3A_243 = tpu.memref_slice %arg9[%scan3A_50, %dma_wait3A_241, %dma_wait3A_242] : memref<4x128x32xf32, #tpu.memory_space<vmem>> -> memref<1x128x32xf32, #tpu.memory_space<vmem>>
        %dma_wait3A_244 = tpu.memref_squeeze %dma_wait3A_243 : memref<1x128x32xf32, #tpu.memory_space<vmem>> -> memref<128x32xf32, #tpu.memory_space<vmem>>
        %dma_wait3A_245 = arith.constant 0 : i32
        %dma_wait3A_246 = tpu.memref_slice %arg8[%add3A_240, %dma_wait3A_245] : memref<80x128xi32, #tpu.memory_space<vmem>> -> memref<1x128xi32, #tpu.memory_space<vmem>>
        %dma_wait3A_247 = tpu.memref_squeeze %dma_wait3A_246 : memref<1x128xi32, #tpu.memory_space<vmem>> -> memref<128xi32, #tpu.memory_space<vmem>>
        %dma_wait3A_248 = arith.constant 0 : i32
        %dma_wait3A_249 = arith.constant 0 : i32
        %dma_wait3A_250 = tpu.memref_slice %arg11[%dma_wait3A_248, %dma_wait3A_249] : memref<10240x32xf32, #tpu.memory_space<vmem_shared>> -> memref<10240x32xf32, #tpu.memory_space<vmem_shared>>
        tpu.wait_indirect_dma semaphore(%arg16 : memref<!tpu.dma_semaphore, #tpu.memory_space<semaphore_mem>>) src(%dma_wait3A_244 : memref<128x32xf32, #tpu.memory_space<vmem>>) dst(%dma_wait3A_250 : memref<10240x32xf32, #tpu.memory_space<vmem_shared>>)
        %add3A_251 = arith.constant 0 : i32
        %add3A_252 = arith.addi %mul3A_109, %add3A_251 : i32
        %add3A_253 = arith.constant 4 : i32
        %add3A_254 = arith.addi %add3A_252, %add3A_253 : i32
        %dma_start3A_255 = arith.constant 0 : i32
        %dma_start3A_256 = arith.constant 0 : i32
        %dma_start3A_257 = tpu.memref_slice %arg9[%scan3A_50, %dma_start3A_255, %dma_start3A_256] : memref<4x128x32xf32, #tpu.memory_space<vmem>> -> memref<1x128x32xf32, #tpu.memory_space<vmem>>
        %dma_start3A_258 = tpu.memref_squeeze %dma_start3A_257 : memref<1x128x32xf32, #tpu.memory_space<vmem>> -> memref<128x32xf32, #tpu.memory_space<vmem>>
        %dma_start3A_259 = arith.constant 0 : i32
        %dma_start3A_260 = tpu.memref_slice %arg7[%add3A_254, %dma_start3A_259] : memref<80x128xi32, #tpu.memory_space<vmem>> -> memref<1x128xi32, #tpu.memory_space<vmem>>
        %dma_start3A_261 = tpu.memref_squeeze %dma_start3A_260 : memref<1x128xi32, #tpu.memory_space<vmem>> -> memref<128xi32, #tpu.memory_space<vmem>>
        %dma_start3A_262 = arith.constant 0 : i32
        %dma_start3A_263 = arith.constant 0 : i32
        %dma_start3A_264 = tpu.memref_slice %arg2[%dma_start3A_262, %dma_start3A_263] : memref<10000x32xf32, #tpu.memory_space<hbm>> -> memref<10000x32xf32, #tpu.memory_space<hbm>>
        tpu.enqueue_indirect_dma source(%dma_start3A_264 : memref<10000x32xf32, #tpu.memory_space<hbm>>) target(%dma_start3A_258 : memref<128x32xf32, #tpu.memory_space<vmem>>) offsets(%dma_start3A_261 : memref<128xi32, #tpu.memory_space<vmem>>) semaphore(%arg12 : memref<!tpu.dma_semaphore, #tpu.memory_space<semaphore_mem>>)
      } else {
      }
      %add3A_212 = arith.constant 1 : i32
      %add3A_213 = arith.addi %mul3A_109, %add3A_212 : i32
      %add3A_214 = arith.constant 4 : i32
      %add3A_215 = arith.addi %add3A_213, %add3A_214 : i32
      %lt3A_216 = arith.constant 80 : i32
      %lt3A_217 = arith.cmpi slt, %add3A_215, %lt3A_216 : i32
      %convert_element_type3A_218 = arith.extui %lt3A_217 : i1 to i32
      %cond3A_219 = arith.constant 0 : i32
      %cond3A_220 = arith.cmpi ne, %convert_element_type3A_218, %cond3A_219 : i32
      scf.if %cond3A_220 {
        %add3A_239 = arith.constant 1 : i32
        %add3A_240 = arith.addi %mul3A_109, %add3A_239 : i32
        %dma_wait3A_241 = arith.constant 0 : i32
        %dma_wait3A_242 = arith.constant 0 : i32
        %dma_wait3A_243 = tpu.memref_slice %arg9[%scan3A_51, %dma_wait3A_241, %dma_wait3A_242] : memref<4x128x32xf32, #tpu.memory_space<vmem>> -> memref<1x128x32xf32, #tpu.memory_space<vmem>>
        %dma_wait3A_244 = tpu.memref_squeeze %dma_wait3A_243 : memref<1x128x32xf32, #tpu.memory_space<vmem>> -> memref<128x32xf32, #tpu.memory_space<vmem>>
        %dma_wait3A_245 = arith.constant 0 : i32
        %dma_wait3A_246 = tpu.memref_slice %arg8[%add3A_240, %dma_wait3A_245] : memref<80x128xi32, #tpu.memory_space<vmem>> -> memref<1x128xi32, #tpu.memory_space<vmem>>
        %dma_wait3A_247 = tpu.memref_squeeze %dma_wait3A_246 : memref<1x128xi32, #tpu.memory_space<vmem>> -> memref<128xi32, #tpu.memory_space<vmem>>
        %dma_wait3A_248 = arith.constant 0 : i32
        %dma_wait3A_249 = arith.constant 0 : i32
        %dma_wait3A_250 = tpu.memref_slice %arg11[%dma_wait3A_248, %dma_wait3A_249] : memref<10240x32xf32, #tpu.memory_space<vmem_shared>> -> memref<10240x32xf32, #tpu.memory_space<vmem_shared>>
        tpu.wait_indirect_dma semaphore(%arg17 : memref<!tpu.dma_semaphore, #tpu.memory_space<semaphore_mem>>) src(%dma_wait3A_244 : memref<128x32xf32, #tpu.memory_space<vmem>>) dst(%dma_wait3A_250 : memref<10240x32xf32, #tpu.memory_space<vmem_shared>>)
        %add3A_251 = arith.constant 1 : i32
        %add3A_252 = arith.addi %mul3A_109, %add3A_251 : i32
        %add3A_253 = arith.constant 4 : i32
        %add3A_254 = arith.addi %add3A_252, %add3A_253 : i32
        %dma_start3A_255 = arith.constant 0 : i32
        %dma_start3A_256 = arith.constant 0 : i32
        %dma_start3A_257 = tpu.memref_slice %arg9[%scan3A_51, %dma_start3A_255, %dma_start3A_256] : memref<4x128x32xf32, #tpu.memory_space<vmem>> -> memref<1x128x32xf32, #tpu.memory_space<vmem>>
        %dma_start3A_258 = tpu.memref_squeeze %dma_start3A_257 : memref<1x128x32xf32, #tpu.memory_space<vmem>> -> memref<128x32xf32, #tpu.memory_space<vmem>>
        %dma_start3A_259 = arith.constant 0 : i32
        %dma_start3A_260 = tpu.memref_slice %arg7[%add3A_254, %dma_start3A_259] : memref<80x128xi32, #tpu.memory_space<vmem>> -> memref<1x128xi32, #tpu.memory_space<vmem>>
        %dma_start3A_261 = tpu.memref_squeeze %dma_start3A_260 : memref<1x128xi32, #tpu.memory_space<vmem>> -> memref<128xi32, #tpu.memory_space<vmem>>
        %dma_start3A_262 = arith.constant 0 : i32
        %dma_start3A_263 = arith.constant 0 : i32
        %dma_start3A_264 = tpu.memref_slice %arg2[%dma_start3A_262, %dma_start3A_263] : memref<10000x32xf32, #tpu.memory_space<hbm>> -> memref<10000x32xf32, #tpu.memory_space<hbm>>
        tpu.enqueue_indirect_dma source(%dma_start3A_264 : memref<10000x32xf32, #tpu.memory_space<hbm>>) target(%dma_start3A_258 : memref<128x32xf32, #tpu.memory_space<vmem>>) offsets(%dma_start3A_261 : memref<128xi32, #tpu.memory_space<vmem>>) semaphore(%arg13 : memref<!tpu.dma_semaphore, #tpu.memory_space<semaphore_mem>>)
      } else {
      }
      %add3A_221 = arith.constant 2 : i32
      %add3A_222 = arith.addi %mul3A_109, %add3A_221 : i32
      %add3A_223 = arith.constant 4 : i32
      %add3A_224 = arith.addi %add3A_222, %add3A_223 : i32
      %lt3A_225 = arith.constant 80 : i32
      %lt3A_226 = arith.cmpi slt, %add3A_224, %lt3A_225 : i32
      %convert_element_type3A_227 = arith.extui %lt3A_226 : i1 to i32
      %cond3A_228 = arith.constant 0 : i32
      %cond3A_229 = arith.cmpi ne, %convert_element_type3A_227, %cond3A_228 : i32
      scf.if %cond3A_229 {
        %add3A_239 = arith.constant 2 : i32
        %add3A_240 = arith.addi %mul3A_109, %add3A_239 : i32
        %dma_wait3A_241 = arith.constant 0 : i32
        %dma_wait3A_242 = arith.constant 0 : i32
        %dma_wait3A_243 = tpu.memref_slice %arg9[%scan3A_52, %dma_wait3A_241, %dma_wait3A_242] : memref<4x128x32xf32, #tpu.memory_space<vmem>> -> memref<1x128x32xf32, #tpu.memory_space<vmem>>
        %dma_wait3A_244 = tpu.memref_squeeze %dma_wait3A_243 : memref<1x128x32xf32, #tpu.memory_space<vmem>> -> memref<128x32xf32, #tpu.memory_space<vmem>>
        %dma_wait3A_245 = arith.constant 0 : i32
        %dma_wait3A_246 = tpu.memref_slice %arg8[%add3A_240, %dma_wait3A_245] : memref<80x128xi32, #tpu.memory_space<vmem>> -> memref<1x128xi32, #tpu.memory_space<vmem>>
        %dma_wait3A_247 = tpu.memref_squeeze %dma_wait3A_246 : memref<1x128xi32, #tpu.memory_space<vmem>> -> memref<128xi32, #tpu.memory_space<vmem>>
        %dma_wait3A_248 = arith.constant 0 : i32
        %dma_wait3A_249 = arith.constant 0 : i32
        %dma_wait3A_250 = tpu.memref_slice %arg11[%dma_wait3A_248, %dma_wait3A_249] : memref<10240x32xf32, #tpu.memory_space<vmem_shared>> -> memref<10240x32xf32, #tpu.memory_space<vmem_shared>>
        tpu.wait_indirect_dma semaphore(%arg18 : memref<!tpu.dma_semaphore, #tpu.memory_space<semaphore_mem>>) src(%dma_wait3A_244 : memref<128x32xf32, #tpu.memory_space<vmem>>) dst(%dma_wait3A_250 : memref<10240x32xf32, #tpu.memory_space<vmem_shared>>)
        %add3A_251 = arith.constant 2 : i32
        %add3A_252 = arith.addi %mul3A_109, %add3A_251 : i32
        %add3A_253 = arith.constant 4 : i32
        %add3A_254 = arith.addi %add3A_252, %add3A_253 : i32
        %dma_start3A_255 = arith.constant 0 : i32
        %dma_start3A_256 = arith.constant 0 : i32
        %dma_start3A_257 = tpu.memref_slice %arg9[%scan3A_52, %dma_start3A_255, %dma_start3A_256] : memref<4x128x32xf32, #tpu.memory_space<vmem>> -> memref<1x128x32xf32, #tpu.memory_space<vmem>>
        %dma_start3A_258 = tpu.memref_squeeze %dma_start3A_257 : memref<1x128x32xf32, #tpu.memory_space<vmem>> -> memref<128x32xf32, #tpu.memory_space<vmem>>
        %dma_start3A_259 = arith.constant 0 : i32
        %dma_start3A_260 = tpu.memref_slice %arg7[%add3A_254, %dma_start3A_259] : memref<80x128xi32, #tpu.memory_space<vmem>> -> memref<1x128xi32, #tpu.memory_space<vmem>>
        %dma_start3A_261 = tpu.memref_squeeze %dma_start3A_260 : memref<1x128xi32, #tpu.memory_space<vmem>> -> memref<128xi32, #tpu.memory_space<vmem>>
        %dma_start3A_262 = arith.constant 0 : i32
        %dma_start3A_263 = arith.constant 0 : i32
        %dma_start3A_264 = tpu.memref_slice %arg2[%dma_start3A_262, %dma_start3A_263] : memref<10000x32xf32, #tpu.memory_space<hbm>> -> memref<10000x32xf32, #tpu.memory_space<hbm>>
        tpu.enqueue_indirect_dma source(%dma_start3A_264 : memref<10000x32xf32, #tpu.memory_space<hbm>>) target(%dma_start3A_258 : memref<128x32xf32, #tpu.memory_space<vmem>>) offsets(%dma_start3A_261 : memref<128xi32, #tpu.memory_space<vmem>>) semaphore(%arg14 : memref<!tpu.dma_semaphore, #tpu.memory_space<semaphore_mem>>)
      } else {
      }
      %add3A_230 = arith.constant 3 : i32
      %add3A_231 = arith.addi %mul3A_109, %add3A_230 : i32
      %add3A_232 = arith.constant 4 : i32
      %add3A_233 = arith.addi %add3A_231, %add3A_232 : i32
      %lt3A_234 = arith.constant 80 : i32
      %lt3A_235 = arith.cmpi slt, %add3A_233, %lt3A_234 : i32
      %convert_element_type3A_236 = arith.extui %lt3A_235 : i1 to i32
      %cond3A_237 = arith.constant 0 : i32
      %cond3A_238 = arith.cmpi ne, %convert_element_type3A_236, %cond3A_237 : i32
      scf.if %cond3A_238 {
        %add3A_239 = arith.constant 3 : i32
        %add3A_240 = arith.addi %mul3A_109, %add3A_239 : i32
        %dma_wait3A_241 = arith.constant 0 : i32
        %dma_wait3A_242 = arith.constant 0 : i32
        %dma_wait3A_243 = tpu.memref_slice %arg9[%scan3A_53, %dma_wait3A_241, %dma_wait3A_242] : memref<4x128x32xf32, #tpu.memory_space<vmem>> -> memref<1x128x32xf32, #tpu.memory_space<vmem>>
        %dma_wait3A_244 = tpu.memref_squeeze %dma_wait3A_243 : memref<1x128x32xf32, #tpu.memory_space<vmem>> -> memref<128x32xf32, #tpu.memory_space<vmem>>
        %dma_wait3A_245 = arith.constant 0 : i32
        %dma_wait3A_246 = tpu.memref_slice %arg8[%add3A_240, %dma_wait3A_245] : memref<80x128xi32, #tpu.memory_space<vmem>> -> memref<1x128xi32, #tpu.memory_space<vmem>>
        %dma_wait3A_247 = tpu.memref_squeeze %dma_wait3A_246 : memref<1x128xi32, #tpu.memory_space<vmem>> -> memref<128xi32, #tpu.memory_space<vmem>>
        %dma_wait3A_248 = arith.constant 0 : i32
        %dma_wait3A_249 = arith.constant 0 : i32
        %dma_wait3A_250 = tpu.memref_slice %arg11[%dma_wait3A_248, %dma_wait3A_249] : memref<10240x32xf32, #tpu.memory_space<vmem_shared>> -> memref<10240x32xf32, #tpu.memory_space<vmem_shared>>
        tpu.wait_indirect_dma semaphore(%arg19 : memref<!tpu.dma_semaphore, #tpu.memory_space<semaphore_mem>>) src(%dma_wait3A_244 : memref<128x32xf32, #tpu.memory_space<vmem>>) dst(%dma_wait3A_250 : memref<10240x32xf32, #tpu.memory_space<vmem_shared>>)
        %add3A_251 = arith.constant 3 : i32
        %add3A_252 = arith.addi %mul3A_109, %add3A_251 : i32
        %add3A_253 = arith.constant 4 : i32
        %add3A_254 = arith.addi %add3A_252, %add3A_253 : i32
        %dma_start3A_255 = arith.constant 0 : i32
        %dma_start3A_256 = arith.constant 0 : i32
        %dma_start3A_257 = tpu.memref_slice %arg9[%scan3A_53, %dma_start3A_255, %dma_start3A_256] : memref<4x128x32xf32, #tpu.memory_space<vmem>> -> memref<1x128x32xf32, #tpu.memory_space<vmem>>
        %dma_start3A_258 = tpu.memref_squeeze %dma_start3A_257 : memref<1x128x32xf32, #tpu.memory_space<vmem>> -> memref<128x32xf32, #tpu.memory_space<vmem>>
        %dma_start3A_259 = arith.constant 0 : i32
        %dma_start3A_260 = tpu.memref_slice %arg7[%add3A_254, %dma_start3A_259] : memref<80x128xi32, #tpu.memory_space<vmem>> -> memref<1x128xi32, #tpu.memory_space<vmem>>
        %dma_start3A_261 = tpu.memref_squeeze %dma_start3A_260 : memref<1x128xi32, #tpu.memory_space<vmem>> -> memref<128xi32, #tpu.memory_space<vmem>>
        %dma_start3A_262 = arith.constant 0 : i32
        %dma_start3A_263 = arith.constant 0 : i32
        %dma_start3A_264 = tpu.memref_slice %arg2[%dma_start3A_262, %dma_start3A_263] : memref<10000x32xf32, #tpu.memory_space<hbm>> -> memref<10000x32xf32, #tpu.memory_space<hbm>>
        tpu.enqueue_indirect_dma source(%dma_start3A_264 : memref<10000x32xf32, #tpu.memory_space<hbm>>) target(%dma_start3A_258 : memref<128x32xf32, #tpu.memory_space<vmem>>) offsets(%dma_start3A_261 : memref<128xi32, #tpu.memory_space<vmem>>) semaphore(%arg15 : memref<!tpu.dma_semaphore, #tpu.memory_space<semaphore_mem>>)
      } else {
      }
    }
    %scan3A_58 = arith.constant 20 : i32
    %dma_wait3A = arith.constant 0 : i32
    %dma_wait3A_59 = arith.constant 76 : i32
    %dma_wait3A_60 = arith.constant 0 : i32
    %dma_wait3A_61 = arith.constant 0 : i32
    %dma_wait3A_62 = tpu.memref_slice %arg9[%dma_wait3A, %dma_wait3A_60, %dma_wait3A_61] : memref<4x128x32xf32, #tpu.memory_space<vmem>> -> memref<1x128x32xf32, #tpu.memory_space<vmem>>
    %dma_wait3A_63 = tpu.memref_squeeze %dma_wait3A_62 : memref<1x128x32xf32, #tpu.memory_space<vmem>> -> memref<128x32xf32, #tpu.memory_space<vmem>>
    %dma_wait3A_64 = arith.constant 0 : i32
    %dma_wait3A_65 = tpu.memref_slice %arg8[%dma_wait3A_59, %dma_wait3A_64] : memref<80x128xi32, #tpu.memory_space<vmem>> -> memref<1x128xi32, #tpu.memory_space<vmem>>
    %dma_wait3A_66 = tpu.memref_squeeze %dma_wait3A_65 : memref<1x128xi32, #tpu.memory_space<vmem>> -> memref<128xi32, #tpu.memory_space<vmem>>
    %dma_wait3A_67 = arith.constant 0 : i32
    %dma_wait3A_68 = arith.constant 0 : i32
    %dma_wait3A_69 = tpu.memref_slice %arg11[%dma_wait3A_67, %dma_wait3A_68] : memref<10240x32xf32, #tpu.memory_space<vmem_shared>> -> memref<10240x32xf32, #tpu.memory_space<vmem_shared>>
    tpu.wait_indirect_dma semaphore(%arg16 : memref<!tpu.dma_semaphore, #tpu.memory_space<semaphore_mem>>) src(%dma_wait3A_63 : memref<128x32xf32, #tpu.memory_space<vmem>>) dst(%dma_wait3A_69 : memref<10240x32xf32, #tpu.memory_space<vmem_shared>>)
    %dma_wait3A_70 = arith.constant 1 : i32
    %dma_wait3A_71 = arith.constant 77 : i32
    %dma_wait3A_72 = arith.constant 0 : i32
    %dma_wait3A_73 = arith.constant 0 : i32
    %dma_wait3A_74 = tpu.memref_slice %arg9[%dma_wait3A_70, %dma_wait3A_72, %dma_wait3A_73] : memref<4x128x32xf32, #tpu.memory_space<vmem>> -> memref<1x128x32xf32, #tpu.memory_space<vmem>>
    %dma_wait3A_75 = tpu.memref_squeeze %dma_wait3A_74 : memref<1x128x32xf32, #tpu.memory_space<vmem>> -> memref<128x32xf32, #tpu.memory_space<vmem>>
    %dma_wait3A_76 = arith.constant 0 : i32
    %dma_wait3A_77 = tpu.memref_slice %arg8[%dma_wait3A_71, %dma_wait3A_76] : memref<80x128xi32, #tpu.memory_space<vmem>> -> memref<1x128xi32, #tpu.memory_space<vmem>>
    %dma_wait3A_78 = tpu.memref_squeeze %dma_wait3A_77 : memref<1x128xi32, #tpu.memory_space<vmem>> -> memref<128xi32, #tpu.memory_space<vmem>>
    %dma_wait3A_79 = arith.constant 0 : i32
    %dma_wait3A_80 = arith.constant 0 : i32
    %dma_wait3A_81 = tpu.memref_slice %arg11[%dma_wait3A_79, %dma_wait3A_80] : memref<10240x32xf32, #tpu.memory_space<vmem_shared>> -> memref<10240x32xf32, #tpu.memory_space<vmem_shared>>
    tpu.wait_indirect_dma semaphore(%arg17 : memref<!tpu.dma_semaphore, #tpu.memory_space<semaphore_mem>>) src(%dma_wait3A_75 : memref<128x32xf32, #tpu.memory_space<vmem>>) dst(%dma_wait3A_81 : memref<10240x32xf32, #tpu.memory_space<vmem_shared>>)
    %dma_wait3A_82 = arith.constant 2 : i32
    %dma_wait3A_83 = arith.constant 78 : i32
    %dma_wait3A_84 = arith.constant 0 : i32
    %dma_wait3A_85 = arith.constant 0 : i32
    %dma_wait3A_86 = tpu.memref_slice %arg9[%dma_wait3A_82, %dma_wait3A_84, %dma_wait3A_85] : memref<4x128x32xf32, #tpu.memory_space<vmem>> -> memref<1x128x32xf32, #tpu.memory_space<vmem>>
    %dma_wait3A_87 = tpu.memref_squeeze %dma_wait3A_86 : memref<1x128x32xf32, #tpu.memory_space<vmem>> -> memref<128x32xf32, #tpu.memory_space<vmem>>
    %dma_wait3A_88 = arith.constant 0 : i32
    %dma_wait3A_89 = tpu.memref_slice %arg8[%dma_wait3A_83, %dma_wait3A_88] : memref<80x128xi32, #tpu.memory_space<vmem>> -> memref<1x128xi32, #tpu.memory_space<vmem>>
    %dma_wait3A_90 = tpu.memref_squeeze %dma_wait3A_89 : memref<1x128xi32, #tpu.memory_space<vmem>> -> memref<128xi32, #tpu.memory_space<vmem>>
    %dma_wait3A_91 = arith.constant 0 : i32
    %dma_wait3A_92 = arith.constant 0 : i32
    %dma_wait3A_93 = tpu.memref_slice %arg11[%dma_wait3A_91, %dma_wait3A_92] : memref<10240x32xf32, #tpu.memory_space<vmem_shared>> -> memref<10240x32xf32, #tpu.memory_space<vmem_shared>>
    tpu.wait_indirect_dma semaphore(%arg18 : memref<!tpu.dma_semaphore, #tpu.memory_space<semaphore_mem>>) src(%dma_wait3A_87 : memref<128x32xf32, #tpu.memory_space<vmem>>) dst(%dma_wait3A_93 : memref<10240x32xf32, #tpu.memory_space<vmem_shared>>)
    %dma_wait3A_94 = arith.constant 3 : i32
    %dma_wait3A_95 = arith.constant 79 : i32
    %dma_wait3A_96 = arith.constant 0 : i32
    %dma_wait3A_97 = arith.constant 0 : i32
    %dma_wait3A_98 = tpu.memref_slice %arg9[%dma_wait3A_94, %dma_wait3A_96, %dma_wait3A_97] : memref<4x128x32xf32, #tpu.memory_space<vmem>> -> memref<1x128x32xf32, #tpu.memory_space<vmem>>
    %dma_wait3A_99 = tpu.memref_squeeze %dma_wait3A_98 : memref<1x128x32xf32, #tpu.memory_space<vmem>> -> memref<128x32xf32, #tpu.memory_space<vmem>>
    %dma_wait3A_100 = arith.constant 0 : i32
    %dma_wait3A_101 = tpu.memref_slice %arg8[%dma_wait3A_95, %dma_wait3A_100] : memref<80x128xi32, #tpu.memory_space<vmem>> -> memref<1x128xi32, #tpu.memory_space<vmem>>
    %dma_wait3A_102 = tpu.memref_squeeze %dma_wait3A_101 : memref<1x128xi32, #tpu.memory_space<vmem>> -> memref<128xi32, #tpu.memory_space<vmem>>
    %dma_wait3A_103 = arith.constant 0 : i32
    %dma_wait3A_104 = arith.constant 0 : i32
    %dma_wait3A_105 = tpu.memref_slice %arg11[%dma_wait3A_103, %dma_wait3A_104] : memref<10240x32xf32, #tpu.memory_space<vmem_shared>> -> memref<10240x32xf32, #tpu.memory_space<vmem_shared>>
    tpu.wait_indirect_dma semaphore(%arg19 : memref<!tpu.dma_semaphore, #tpu.memory_space<semaphore_mem>>) src(%dma_wait3A_99 : memref<128x32xf32, #tpu.memory_space<vmem>>) dst(%dma_wait3A_105 : memref<10240x32xf32, #tpu.memory_space<vmem_shared>>)
    %barrier3A_106 = arith.constant 0 : index
    tpu.barrier barrier_id(%barrier3A_106)
    "tpu.region"() ({
      %run_scoped3A = tpu.sem_alloc : memref<!tpu.dma_semaphore, #tpu.memory_space<semaphore_mem>>
      %dma_start3A_107 = arith.constant 0 : i32
      %dma_start3A_108 = tpu.memref_slice %arg11[%mul3A_2, %dma_start3A_107] : memref<10240x32xf32, #tpu.memory_space<vmem_shared>> -> memref<640x32xf32, #tpu.memory_space<vmem_shared>>
      %dma_start3A_109 = arith.constant 0 : i32
      %dma_start3A_110 = tpu.memref_slice %arg11[%mul3A_2, %dma_start3A_109] : memref<10240x32xf32, #tpu.memory_space<vmem_shared>> -> memref<640x32xf32, #tpu.memory_space<vmem_shared>>
      tpu.enqueue_dma source(%dma_start3A_110 : memref<640x32xf32, #tpu.memory_space<vmem_shared>>) target(%arg10 : memref<640x32xf32, #tpu.memory_space<vmem>>) target_semaphore(%run_scoped3A : memref<!tpu.dma_semaphore, #tpu.memory_space<semaphore_mem>>)
      %dma_wait3A_111 = arith.constant 0 : i32
      %dma_wait3A_112 = tpu.memref_slice %arg11[%mul3A_2, %dma_wait3A_111] : memref<10240x32xf32, #tpu.memory_space<vmem_shared>> -> memref<640x32xf32, #tpu.memory_space<vmem_shared>>
      %dma_wait3A_113 = arith.constant 0 : i32
      %dma_wait3A_114 = tpu.memref_slice %arg11[%mul3A_2, %dma_wait3A_113] : memref<10240x32xf32, #tpu.memory_space<vmem_shared>> -> memref<640x32xf32, #tpu.memory_space<vmem_shared>>
      tpu.wait_dma2 semaphore(%run_scoped3A : memref<!tpu.dma_semaphore, #tpu.memory_space<semaphore_mem>>) src(%dma_wait3A_114 : memref<640x32xf32, #tpu.memory_space<vmem_shared>>) dst(%arg10 : memref<640x32xf32, #tpu.memory_space<vmem>>)
      tpu.yield
    }) : () -> ()
    "tpu.region"() ({
      %run_scoped3A = tpu.sem_alloc : memref<!tpu.dma_semaphore, #tpu.memory_space<semaphore_mem>>
      %dma_start3A_107 = arith.constant 0 : i32
      %dma_start3A_108 = tpu.memref_slice %arg6[%arg0, %mul3A_2, %dma_start3A_107] : memref<2x10240x32xf32, #tpu.memory_space<hbm>> -> memref<1x640x32xf32, #tpu.memory_space<hbm>>
      %dma_start3A_109 = tpu.memref_squeeze %dma_start3A_108 : memref<1x640x32xf32, #tpu.memory_space<hbm>> -> memref<640x32xf32, #tpu.memory_space<hbm>>
      %dma_start3A_110 = arith.constant 0 : i32
      %dma_start3A_111 = tpu.memref_slice %arg6[%arg0, %mul3A_2, %dma_start3A_110] : memref<2x10240x32xf32, #tpu.memory_space<hbm>> -> memref<1x640x32xf32, #tpu.memory_space<hbm>>
      %dma_start3A_112 = tpu.memref_squeeze %dma_start3A_111 : memref<1x640x32xf32, #tpu.memory_space<hbm>> -> memref<640x32xf32, #tpu.memory_space<hbm>>
      tpu.enqueue_dma source(%arg10 : memref<640x32xf32, #tpu.memory_space<vmem>>) target(%dma_start3A_112 : memref<640x32xf32, #tpu.memory_space<hbm>>) target_semaphore(%run_scoped3A : memref<!tpu.dma_semaphore, #tpu.memory_space<semaphore_mem>>)
      %dma_wait3A_113 = arith.constant 0 : i32
      %dma_wait3A_114 = tpu.memref_slice %arg6[%arg0, %mul3A_2, %dma_wait3A_113] : memref<2x10240x32xf32, #tpu.memory_space<hbm>> -> memref<1x640x32xf32, #tpu.memory_space<hbm>>
      %dma_wait3A_115 = tpu.memref_squeeze %dma_wait3A_114 : memref<1x640x32xf32, #tpu.memory_space<hbm>> -> memref<640x32xf32, #tpu.memory_space<hbm>>
      %dma_wait3A_116 = arith.constant 0 : i32
      %dma_wait3A_117 = tpu.memref_slice %arg6[%arg0, %mul3A_2, %dma_wait3A_116] : memref<2x10240x32xf32, #tpu.memory_space<hbm>> -> memref<1x640x32xf32, #tpu.memory_space<hbm>>
      %dma_wait3A_118 = tpu.memref_squeeze %dma_wait3A_117 : memref<1x640x32xf32, #tpu.memory_space<hbm>> -> memref<640x32xf32, #tpu.memory_space<hbm>>
      tpu.wait_dma2 semaphore(%run_scoped3A : memref<!tpu.dma_semaphore, #tpu.memory_space<semaphore_mem>>) src(%arg10 : memref<640x32xf32, #tpu.memory_space<vmem>>) dst(%dma_wait3A_118 : memref<640x32xf32, #tpu.memory_space<hbm>>)
      tpu.yield
    }) : () -> ()
    return
  }
}

#map = affine_map<(d0, d1) -> (0, 0)>
#map1 = affine_map<(d0, d1) -> (0, 0, 0)>
module attributes {stable_mosaic.version = 14 : i64} {
  func.func @_prop_kernel(%arg0: i32, %arg1: i32, %arg2: memref<10000x32xf32, #tpu.memory_space<hbm>>, %arg3: memref<32x80x128xi32, #tpu.memory_space<hbm>>, %arg4: memref<32x80x128xi32, #tpu.memory_space<hbm>>, %arg5: memref<10240x32xf32, #tpu.memory_space<hbm>>, %arg6: memref<2x10240x32xf32, #tpu.memory_space<hbm>>, %arg7: memref<80x128xi32, #tpu.memory_space<vmem>>, %arg8: memref<80x128xi32, #tpu.memory_space<vmem>>, %arg9: memref<4x128x32xf32, #tpu.memory_space<vmem>>, %arg10: memref<640x32xf32, #tpu.memory_space<vmem>>, %arg11: memref<10240x32xf32, #tpu.memory_space<vmem_shared>>, %arg12: memref<!tpu.dma_semaphore, #tpu.memory_space<semaphore_mem>>, %arg13: memref<!tpu.dma_semaphore, #tpu.memory_space<semaphore_mem>>, %arg14: memref<!tpu.dma_semaphore, #tpu.memory_space<semaphore_mem>>, %arg15: memref<!tpu.dma_semaphore, #tpu.memory_space<semaphore_mem>>, %arg16: memref<!tpu.dma_semaphore, #tpu.memory_space<semaphore_mem>>, %arg17: memref<!tpu.dma_semaphore, #tpu.memory_space<semaphore_mem>>, %arg18: memref<!tpu.dma_semaphore, #tpu.memory_space<semaphore_mem>>, %arg19: memref<!tpu.dma_semaphore, #tpu.memory_space<semaphore_mem>>) attributes {dimension_semantics = [#tpu.dimension_semantics<core_parallel>, #tpu.dimension_semantics<subcore_parallel>], iteration_bounds = array<i64: 2, 16>, scalar_prefetch = 0 : i64, scratch_operands = 13 : i64, tpu.core_type = #tpu.core_type<sc_vector_subcore>, window_params = [{transform_indices = #map}, {transform_indices = #map1}, {transform_indices = #map1}, {transform_indices = #map}, {transform_indices = #map1}]} {
    %mul3A = arith.constant 16 : i32
    %mul3A_0 = arith.muli %arg0, %mul3A : i32
    %add3A = arith.addi %mul3A_0, %arg1 : i32
    %mul3A_1 = arith.constant 640 : i32
    %mul3A_2 = arith.muli %arg1, %mul3A_1 : i32
    "tpu.region"() ({
      %run_scoped3A = tpu.sem_alloc : memref<!tpu.dma_semaphore, #tpu.memory_space<semaphore_mem>>
      %dma_start3A_107 = arith.constant 0 : i32
      %dma_start3A_108 = tpu.memref_slice %arg5[%mul3A_2, %dma_start3A_107] : memref<10240x32xf32, #tpu.memory_space<hbm>> -> memref<640x32xf32, #tpu.memory_space<hbm>>
      %dma_start3A_109 = arith.constant 0 : i32
      %dma_start3A_110 = tpu.memref_slice %arg5[%mul3A_2, %dma_start3A_109] : memref<10240x32xf32, #tpu.memory_space<hbm>> -> memref<640x32xf32, #tpu.memory_space<hbm>>
      tpu.enqueue_dma source(%dma_start3A_110 : memref<640x32xf32, #tpu.memory_space<hbm>>) target(%arg10 : memref<640x32xf32, #tpu.memory_space<vmem>>) target_semaphore(%run_scoped3A : memref<!tpu.dma_semaphore, #tpu.memory_space<semaphore_mem>>)
      %dma_wait3A_111 = arith.constant 0 : i32
      %dma_wait3A_112 = tpu.memref_slice %arg5[%mul3A_2, %dma_wait3A_111] : memref<10240x32xf32, #tpu.memory_space<hbm>> -> memref<640x32xf32, #tpu.memory_space<hbm>>
      %dma_wait3A_113 = arith.constant 0 : i32
      %dma_wait3A_114 = tpu.memref_slice %arg5[%mul3A_2, %dma_wait3A_113] : memref<10240x32xf32, #tpu.memory_space<hbm>> -> memref<640x32xf32, #tpu.memory_space<hbm>>
      tpu.wait_dma2 semaphore(%run_scoped3A : memref<!tpu.dma_semaphore, #tpu.memory_space<semaphore_mem>>) src(%dma_wait3A_114 : memref<640x32xf32, #tpu.memory_space<hbm>>) dst(%arg10 : memref<640x32xf32, #tpu.memory_space<vmem>>)
      tpu.yield
    }) : () -> ()
    "tpu.region"() ({
      %run_scoped3A = tpu.sem_alloc : memref<!tpu.dma_semaphore, #tpu.memory_space<semaphore_mem>>
      %dma_start3A_107 = arith.constant 0 : i32
      %dma_start3A_108 = tpu.memref_slice %arg11[%mul3A_2, %dma_start3A_107] : memref<10240x32xf32, #tpu.memory_space<vmem_shared>> -> memref<640x32xf32, #tpu.memory_space<vmem_shared>>
      %dma_start3A_109 = arith.constant 0 : i32
      %dma_start3A_110 = tpu.memref_slice %arg11[%mul3A_2, %dma_start3A_109] : memref<10240x32xf32, #tpu.memory_space<vmem_shared>> -> memref<640x32xf32, #tpu.memory_space<vmem_shared>>
      tpu.enqueue_dma source(%arg10 : memref<640x32xf32, #tpu.memory_space<vmem>>) target(%dma_start3A_110 : memref<640x32xf32, #tpu.memory_space<vmem_shared>>) target_semaphore(%run_scoped3A : memref<!tpu.dma_semaphore, #tpu.memory_space<semaphore_mem>>)
      %dma_wait3A_111 = arith.constant 0 : i32
      %dma_wait3A_112 = tpu.memref_slice %arg11[%mul3A_2, %dma_wait3A_111] : memref<10240x32xf32, #tpu.memory_space<vmem_shared>> -> memref<640x32xf32, #tpu.memory_space<vmem_shared>>
      %dma_wait3A_113 = arith.constant 0 : i32
      %dma_wait3A_114 = tpu.memref_slice %arg11[%mul3A_2, %dma_wait3A_113] : memref<10240x32xf32, #tpu.memory_space<vmem_shared>> -> memref<640x32xf32, #tpu.memory_space<vmem_shared>>
      tpu.wait_dma2 semaphore(%run_scoped3A : memref<!tpu.dma_semaphore, #tpu.memory_space<semaphore_mem>>) src(%arg10 : memref<640x32xf32, #tpu.memory_space<vmem>>) dst(%dma_wait3A_114 : memref<640x32xf32, #tpu.memory_space<vmem_shared>>)
      tpu.yield
    }) : () -> ()
    "tpu.region"() ({
      %run_scoped3A = tpu.sem_alloc : memref<!tpu.dma_semaphore, #tpu.memory_space<semaphore_mem>>
      %dma_start3A_107 = arith.constant 0 : i32
      %dma_start3A_108 = arith.constant 0 : i32
      %dma_start3A_109 = tpu.memref_slice %arg3[%add3A, %dma_start3A_107, %dma_start3A_108] : memref<32x80x128xi32, #tpu.memory_space<hbm>> -> memref<1x80x128xi32, #tpu.memory_space<hbm>>
      %dma_start3A_110 = tpu.memref_squeeze %dma_start3A_109 : memref<1x80x128xi32, #tpu.memory_space<hbm>> -> memref<80x128xi32, #tpu.memory_space<hbm>>
      %dma_start3A_111 = arith.constant 0 : i32
      %dma_start3A_112 = arith.constant 0 : i32
      %dma_start3A_113 = tpu.memref_slice %arg3[%add3A, %dma_start3A_111, %dma_start3A_112] : memref<32x80x128xi32, #tpu.memory_space<hbm>> -> memref<1x80x128xi32, #tpu.memory_space<hbm>>
      %dma_start3A_114 = tpu.memref_squeeze %dma_start3A_113 : memref<1x80x128xi32, #tpu.memory_space<hbm>> -> memref<80x128xi32, #tpu.memory_space<hbm>>
      tpu.enqueue_dma source(%dma_start3A_114 : memref<80x128xi32, #tpu.memory_space<hbm>>) target(%arg7 : memref<80x128xi32, #tpu.memory_space<vmem>>) target_semaphore(%run_scoped3A : memref<!tpu.dma_semaphore, #tpu.memory_space<semaphore_mem>>)
      %dma_wait3A_115 = arith.constant 0 : i32
      %dma_wait3A_116 = arith.constant 0 : i32
      %dma_wait3A_117 = tpu.memref_slice %arg3[%add3A, %dma_wait3A_115, %dma_wait3A_116] : memref<32x80x128xi32, #tpu.memory_space<hbm>> -> memref<1x80x128xi32, #tpu.memory_space<hbm>>
      %dma_wait3A_118 = tpu.memref_squeeze %dma_wait3A_117 : memref<1x80x128xi32, #tpu.memory_space<hbm>> -> memref<80x128xi32, #tpu.memory_space<hbm>>
      %dma_wait3A_119 = arith.constant 0 : i32
      %dma_wait3A_120 = arith.constant 0 : i32
      %dma_wait3A_121 = tpu.memref_slice %arg3[%add3A, %dma_wait3A_119, %dma_wait3A_120] : memref<32x80x128xi32, #tpu.memory_space<hbm>> -> memref<1x80x128xi32, #tpu.memory_space<hbm>>
      %dma_wait3A_122 = tpu.memref_squeeze %dma_wait3A_121 : memref<1x80x128xi32, #tpu.memory_space<hbm>> -> memref<80x128xi32, #tpu.memory_space<hbm>>
      tpu.wait_dma2 semaphore(%run_scoped3A : memref<!tpu.dma_semaphore, #tpu.memory_space<semaphore_mem>>) src(%dma_wait3A_122 : memref<80x128xi32, #tpu.memory_space<hbm>>) dst(%arg7 : memref<80x128xi32, #tpu.memory_space<vmem>>)
      tpu.yield
    }) : () -> ()
    "tpu.region"() ({
      %run_scoped3A = tpu.sem_alloc : memref<!tpu.dma_semaphore, #tpu.memory_space<semaphore_mem>>
      %dma_start3A_107 = arith.constant 0 : i32
      %dma_start3A_108 = arith.constant 0 : i32
      %dma_start3A_109 = tpu.memref_slice %arg4[%add3A, %dma_start3A_107, %dma_start3A_108] : memref<32x80x128xi32, #tpu.memory_space<hbm>> -> memref<1x80x128xi32, #tpu.memory_space<hbm>>
      %dma_start3A_110 = tpu.memref_squeeze %dma_start3A_109 : memref<1x80x128xi32, #tpu.memory_space<hbm>> -> memref<80x128xi32, #tpu.memory_space<hbm>>
      %dma_start3A_111 = arith.constant 0 : i32
      %dma_start3A_112 = arith.constant 0 : i32
      %dma_start3A_113 = tpu.memref_slice %arg4[%add3A, %dma_start3A_111, %dma_start3A_112] : memref<32x80x128xi32, #tpu.memory_space<hbm>> -> memref<1x80x128xi32, #tpu.memory_space<hbm>>
      %dma_start3A_114 = tpu.memref_squeeze %dma_start3A_113 : memref<1x80x128xi32, #tpu.memory_space<hbm>> -> memref<80x128xi32, #tpu.memory_space<hbm>>
      tpu.enqueue_dma source(%dma_start3A_114 : memref<80x128xi32, #tpu.memory_space<hbm>>) target(%arg8 : memref<80x128xi32, #tpu.memory_space<vmem>>) target_semaphore(%run_scoped3A : memref<!tpu.dma_semaphore, #tpu.memory_space<semaphore_mem>>)
      %dma_wait3A_115 = arith.constant 0 : i32
      %dma_wait3A_116 = arith.constant 0 : i32
      %dma_wait3A_117 = tpu.memref_slice %arg4[%add3A, %dma_wait3A_115, %dma_wait3A_116] : memref<32x80x128xi32, #tpu.memory_space<hbm>> -> memref<1x80x128xi32, #tpu.memory_space<hbm>>
      %dma_wait3A_118 = tpu.memref_squeeze %dma_wait3A_117 : memref<1x80x128xi32, #tpu.memory_space<hbm>> -> memref<80x128xi32, #tpu.memory_space<hbm>>
      %dma_wait3A_119 = arith.constant 0 : i32
      %dma_wait3A_120 = arith.constant 0 : i32
      %dma_wait3A_121 = tpu.memref_slice %arg4[%add3A, %dma_wait3A_119, %dma_wait3A_120] : memref<32x80x128xi32, #tpu.memory_space<hbm>> -> memref<1x80x128xi32, #tpu.memory_space<hbm>>
      %dma_wait3A_122 = tpu.memref_squeeze %dma_wait3A_121 : memref<1x80x128xi32, #tpu.memory_space<hbm>> -> memref<80x128xi32, #tpu.memory_space<hbm>>
      tpu.wait_dma2 semaphore(%run_scoped3A : memref<!tpu.dma_semaphore, #tpu.memory_space<semaphore_mem>>) src(%dma_wait3A_122 : memref<80x128xi32, #tpu.memory_space<hbm>>) dst(%arg8 : memref<80x128xi32, #tpu.memory_space<vmem>>)
      tpu.yield
    }) : () -> ()
    %barrier3A = arith.constant 0 : index
    tpu.barrier barrier_id(%barrier3A)
    %dma_start3A = arith.constant 0 : i32
    %dma_start3A_3 = arith.constant 0 : i32
    %dma_start3A_4 = arith.constant 0 : i32
    %dma_start3A_5 = arith.constant 0 : i32
    %dma_start3A_6 = tpu.memref_slice %arg9[%dma_start3A_3, %dma_start3A_4, %dma_start3A_5] : memref<4x128x32xf32, #tpu.memory_space<vmem>> -> memref<1x128x32xf32, #tpu.memory_space<vmem>>
    %dma_start3A_7 = tpu.memref_squeeze %dma_start3A_6 : memref<1x128x32xf32, #tpu.memory_space<vmem>> -> memref<128x32xf32, #tpu.memory_space<vmem>>
    %dma_start3A_8 = arith.constant 0 : i32
    %dma_start3A_9 = tpu.memref_slice %arg7[%dma_start3A, %dma_start3A_8] : memref<80x128xi32, #tpu.memory_space<vmem>> -> memref<1x128xi32, #tpu.memory_space<vmem>>
    %dma_start3A_10 = tpu.memref_squeeze %dma_start3A_9 : memref<1x128xi32, #tpu.memory_space<vmem>> -> memref<128xi32, #tpu.memory_space<vmem>>
    %dma_start3A_11 = arith.constant 0 : i32
    %dma_start3A_12 = arith.constant 0 : i32
    %dma_start3A_13 = tpu.memref_slice %arg2[%dma_start3A_11, %dma_start3A_12] : memref<10000x32xf32, #tpu.memory_space<hbm>> -> memref<10000x32xf32, #tpu.memory_space<hbm>>
    tpu.enqueue_indirect_dma source(%dma_start3A_13 : memref<10000x32xf32, #tpu.memory_space<hbm>>) target(%dma_start3A_7 : memref<128x32xf32, #tpu.memory_space<vmem>>) offsets(%dma_start3A_10 : memref<128xi32, #tpu.memory_space<vmem>>) semaphore(%arg12 : memref<!tpu.dma_semaphore, #tpu.memory_space<semaphore_mem>>)
    %dma_start3A_14 = arith.constant 1 : i32
    %dma_start3A_15 = arith.constant 1 : i32
    %dma_start3A_16 = arith.constant 0 : i32
    %dma_start3A_17 = arith.constant 0 : i32
    %dma_start3A_18 = tpu.memref_slice %arg9[%dma_start3A_15, %dma_start3A_16, %dma_start3A_17] : memref<4x128x32xf32, #tpu.memory_space<vmem>> -> memref<1x128x32xf32, #tpu.memory_space<vmem>>
    %dma_start3A_19 = tpu.memref_squeeze %dma_start3A_18 : memref<1x128x32xf32, #tpu.memory_space<vmem>> -> memref<128x32xf32, #tpu.memory_space<vmem>>
    %dma_start3A_20 = arith.constant 0 : i32
    %dma_start3A_21 = tpu.memref_slice %arg7[%dma_start3A_14, %dma_start3A_20] : memref<80x128xi32, #tpu.memory_space<vmem>> -> memref<1x128xi32, #tpu.memory_space<vmem>>
    %dma_start3A_22 = tpu.memref_squeeze %dma_start3A_21 : memref<1x128xi32, #tpu.memory_space<vmem>> -> memref<128xi32, #tpu.memory_space<vmem>>
    %dma_start3A_23 = arith.constant 0 : i32
    %dma_start3A_24 = arith.constant 0 : i32
    %dma_start3A_25 = tpu.memref_slice %arg2[%dma_start3A_23, %dma_start3A_24] : memref<10000x32xf32, #tpu.memory_space<hbm>> -> memref<10000x32xf32, #tpu.memory_space<hbm>>
    tpu.enqueue_indirect_dma source(%dma_start3A_25 : memref<10000x32xf32, #tpu.memory_space<hbm>>) target(%dma_start3A_19 : memref<128x32xf32, #tpu.memory_space<vmem>>) offsets(%dma_start3A_22 : memref<128xi32, #tpu.memory_space<vmem>>) semaphore(%arg13 : memref<!tpu.dma_semaphore, #tpu.memory_space<semaphore_mem>>)
    %dma_start3A_26 = arith.constant 2 : i32
    %dma_start3A_27 = arith.constant 2 : i32
    %dma_start3A_28 = arith.constant 0 : i32
    %dma_start3A_29 = arith.constant 0 : i32
    %dma_start3A_30 = tpu.memref_slice %arg9[%dma_start3A_27, %dma_start3A_28, %dma_start3A_29] : memref<4x128x32xf32, #tpu.memory_space<vmem>> -> memref<1x128x32xf32, #tpu.memory_space<vmem>>
    %dma_start3A_31 = tpu.memref_squeeze %dma_start3A_30 : memref<1x128x32xf32, #tpu.memory_space<vmem>> -> memref<128x32xf32, #tpu.memory_space<vmem>>
    %dma_start3A_32 = arith.constant 0 : i32
    %dma_start3A_33 = tpu.memref_slice %arg7[%dma_start3A_26, %dma_start3A_32] : memref<80x128xi32, #tpu.memory_space<vmem>> -> memref<1x128xi32, #tpu.memory_space<vmem>>
    %dma_start3A_34 = tpu.memref_squeeze %dma_start3A_33 : memref<1x128xi32, #tpu.memory_space<vmem>> -> memref<128xi32, #tpu.memory_space<vmem>>
    %dma_start3A_35 = arith.constant 0 : i32
    %dma_start3A_36 = arith.constant 0 : i32
    %dma_start3A_37 = tpu.memref_slice %arg2[%dma_start3A_35, %dma_start3A_36] : memref<10000x32xf32, #tpu.memory_space<hbm>> -> memref<10000x32xf32, #tpu.memory_space<hbm>>
    tpu.enqueue_indirect_dma source(%dma_start3A_37 : memref<10000x32xf32, #tpu.memory_space<hbm>>) target(%dma_start3A_31 : memref<128x32xf32, #tpu.memory_space<vmem>>) offsets(%dma_start3A_34 : memref<128xi32, #tpu.memory_space<vmem>>) semaphore(%arg14 : memref<!tpu.dma_semaphore, #tpu.memory_space<semaphore_mem>>)
    %dma_start3A_38 = arith.constant 3 : i32
    %dma_start3A_39 = arith.constant 3 : i32
    %dma_start3A_40 = arith.constant 0 : i32
    %dma_start3A_41 = arith.constant 0 : i32
    %dma_start3A_42 = tpu.memref_slice %arg9[%dma_start3A_39, %dma_start3A_40, %dma_start3A_41] : memref<4x128x32xf32, #tpu.memory_space<vmem>> -> memref<1x128x32xf32, #tpu.memory_space<vmem>>
    %dma_start3A_43 = tpu.memref_squeeze %dma_start3A_42 : memref<1x128x32xf32, #tpu.memory_space<vmem>> -> memref<128x32xf32, #tpu.memory_space<vmem>>
    %dma_start3A_44 = arith.constant 0 : i32
    %dma_start3A_45 = tpu.memref_slice %arg7[%dma_start3A_38, %dma_start3A_44] : memref<80x128xi32, #tpu.memory_space<vmem>> -> memref<1x128xi32, #tpu.memory_space<vmem>>
    %dma_start3A_46 = tpu.memref_squeeze %dma_start3A_45 : memref<1x128xi32, #tpu.memory_space<vmem>> -> memref<128xi32, #tpu.memory_space<vmem>>
    %dma_start3A_47 = arith.constant 0 : i32
    %dma_start3A_48 = arith.constant 0 : i32
    %dma_start3A_49 = tpu.memref_slice %arg2[%dma_start3A_47, %dma_start3A_48] : memref<10000x32xf32, #tpu.memory_space<hbm>> -> memref<10000x32xf32, #tpu.memory_space<hbm>>
    tpu.enqueue_indirect_dma source(%dma_start3A_49 : memref<10000x32xf32, #tpu.memory_space<hbm>>) target(%dma_start3A_43 : memref<128x32xf32, #tpu.memory_space<vmem>>) offsets(%dma_start3A_46 : memref<128xi32, #tpu.memory_space<vmem>>) semaphore(%arg15 : memref<!tpu.dma_semaphore, #tpu.memory_space<semaphore_mem>>)
    %scan3A = arith.constant 0 : i32
    %scan3A_50 = arith.constant 0 : i32
    %scan3A_51 = arith.constant 1 : i32
    %scan3A_52 = arith.constant 2 : i32
    %scan3A_53 = arith.constant 3 : i32
    %scan3A_54 = arith.constant 0 : i32
    %scan3A_55 = arith.constant 20 : i32
    %scan3A_56 = arith.addi %scan3A_54, %scan3A_55 : i32
    %scan3A_57 = arith.constant 1 : i32
    scf.for %scan3A_107 = %scan3A_54 to %scan3A_56 step %scan3A_57  : i32 {
      %mul3A_108 = arith.constant 4 : i32
      %mul3A_109 = arith.muli %mul3A_108, %scan3A_107 : i32
      %add3A_110 = arith.constant 0 : i32
      %add3A_111 = arith.addi %mul3A_109, %add3A_110 : i32
      %dma_wait3A_112 = arith.constant 0 : i32
      %dma_wait3A_113 = arith.constant 0 : i32
      %dma_wait3A_114 = tpu.memref_slice %arg9[%scan3A_50, %dma_wait3A_112, %dma_wait3A_113] : memref<4x128x32xf32, #tpu.memory_space<vmem>> -> memref<1x128x32xf32, #tpu.memory_space<vmem>>
      %dma_wait3A_115 = tpu.memref_squeeze %dma_wait3A_114 : memref<1x128x32xf32, #tpu.memory_space<vmem>> -> memref<128x32xf32, #tpu.memory_space<vmem>>
      %dma_wait3A_116 = arith.constant 0 : i32
      %dma_wait3A_117 = tpu.memref_slice %arg7[%add3A_111, %dma_wait3A_116] : memref<80x128xi32, #tpu.memory_space<vmem>> -> memref<1x128xi32, #tpu.memory_space<vmem>>
      %dma_wait3A_118 = tpu.memref_squeeze %dma_wait3A_117 : memref<1x128xi32, #tpu.memory_space<vmem>> -> memref<128xi32, #tpu.memory_space<vmem>>
      %dma_wait3A_119 = arith.constant 0 : i32
      %dma_wait3A_120 = arith.constant 0 : i32
      %dma_wait3A_121 = tpu.memref_slice %arg2[%dma_wait3A_119, %dma_wait3A_120] : memref<10000x32xf32, #tpu.memory_space<hbm>> -> memref<10000x32xf32, #tpu.memory_space<hbm>>
      tpu.wait_indirect_dma semaphore(%arg12 : memref<!tpu.dma_semaphore, #tpu.memory_space<semaphore_mem>>) src(%dma_wait3A_121 : memref<10000x32xf32, #tpu.memory_space<hbm>>) dst(%dma_wait3A_115 : memref<128x32xf32, #tpu.memory_space<vmem>>)
      %add3A_122 = arith.constant 0 : i32
      %add3A_123 = arith.addi %mul3A_109, %add3A_122 : i32
      %dma_start3A_124 = arith.constant 0 : i32
      %dma_start3A_125 = arith.constant 0 : i32
      %dma_start3A_126 = tpu.memref_slice %arg9[%scan3A_50, %dma_start3A_124, %dma_start3A_125] : memref<4x128x32xf32, #tpu.memory_space<vmem>> -> memref<1x128x32xf32, #tpu.memory_space<vmem>>
      %dma_start3A_127 = tpu.memref_squeeze %dma_start3A_126 : memref<1x128x32xf32, #tpu.memory_space<vmem>> -> memref<128x32xf32, #tpu.memory_space<vmem>>
      %dma_start3A_128 = arith.constant 0 : i32
      %dma_start3A_129 = tpu.memref_slice %arg8[%add3A_123, %dma_start3A_128] : memref<80x128xi32, #tpu.memory_space<vmem>> -> memref<1x128xi32, #tpu.memory_space<vmem>>
      %dma_start3A_130 = tpu.memref_squeeze %dma_start3A_129 : memref<1x128xi32, #tpu.memory_space<vmem>> -> memref<128xi32, #tpu.memory_space<vmem>>
      %dma_start3A_131 = arith.constant 0 : i32
      %dma_start3A_132 = arith.constant 0 : i32
      %dma_start3A_133 = tpu.memref_slice %arg11[%dma_start3A_131, %dma_start3A_132] : memref<10240x32xf32, #tpu.memory_space<vmem_shared>> -> memref<10240x32xf32, #tpu.memory_space<vmem_shared>>
      tpu.enqueue_indirect_dma source(%dma_start3A_127 : memref<128x32xf32, #tpu.memory_space<vmem>>) target(%dma_start3A_133 : memref<10240x32xf32, #tpu.memory_space<vmem_shared>>) offsets(%dma_start3A_130 : memref<128xi32, #tpu.memory_space<vmem>>) semaphore(%arg16 : memref<!tpu.dma_semaphore, #tpu.memory_space<semaphore_mem>>) {add = true}
      %add3A_134 = arith.constant 1 : i32
      %add3A_135 = arith.addi %mul3A_109, %add3A_134 : i32
      %dma_wait3A_136 = arith.constant 0 : i32
      %dma_wait3A_137 = arith.constant 0 : i32
      %dma_wait3A_138 = tpu.memref_slice %arg9[%scan3A_51, %dma_wait3A_136, %dma_wait3A_137] : memref<4x128x32xf32, #tpu.memory_space<vmem>> -> memref<1x128x32xf32, #tpu.memory_space<vmem>>
      %dma_wait3A_139 = tpu.memref_squeeze %dma_wait3A_138 : memref<1x128x32xf32, #tpu.memory_space<vmem>> -> memref<128x32xf32, #tpu.memory_space<vmem>>
      %dma_wait3A_140 = arith.constant 0 : i32
      %dma_wait3A_141 = tpu.memref_slice %arg7[%add3A_135, %dma_wait3A_140] : memref<80x128xi32, #tpu.memory_space<vmem>> -> memref<1x128xi32, #tpu.memory_space<vmem>>
      %dma_wait3A_142 = tpu.memref_squeeze %dma_wait3A_141 : memref<1x128xi32, #tpu.memory_space<vmem>> -> memref<128xi32, #tpu.memory_space<vmem>>
      %dma_wait3A_143 = arith.constant 0 : i32
      %dma_wait3A_144 = arith.constant 0 : i32
      %dma_wait3A_145 = tpu.memref_slice %arg2[%dma_wait3A_143, %dma_wait3A_144] : memref<10000x32xf32, #tpu.memory_space<hbm>> -> memref<10000x32xf32, #tpu.memory_space<hbm>>
      tpu.wait_indirect_dma semaphore(%arg13 : memref<!tpu.dma_semaphore, #tpu.memory_space<semaphore_mem>>) src(%dma_wait3A_145 : memref<10000x32xf32, #tpu.memory_space<hbm>>) dst(%dma_wait3A_139 : memref<128x32xf32, #tpu.memory_space<vmem>>)
      %add3A_146 = arith.constant 1 : i32
      %add3A_147 = arith.addi %mul3A_109, %add3A_146 : i32
      %dma_start3A_148 = arith.constant 0 : i32
      %dma_start3A_149 = arith.constant 0 : i32
      %dma_start3A_150 = tpu.memref_slice %arg9[%scan3A_51, %dma_start3A_148, %dma_start3A_149] : memref<4x128x32xf32, #tpu.memory_space<vmem>> -> memref<1x128x32xf32, #tpu.memory_space<vmem>>
      %dma_start3A_151 = tpu.memref_squeeze %dma_start3A_150 : memref<1x128x32xf32, #tpu.memory_space<vmem>> -> memref<128x32xf32, #tpu.memory_space<vmem>>
      %dma_start3A_152 = arith.constant 0 : i32
      %dma_start3A_153 = tpu.memref_slice %arg8[%add3A_147, %dma_start3A_152] : memref<80x128xi32, #tpu.memory_space<vmem>> -> memref<1x128xi32, #tpu.memory_space<vmem>>
      %dma_start3A_154 = tpu.memref_squeeze %dma_start3A_153 : memref<1x128xi32, #tpu.memory_space<vmem>> -> memref<128xi32, #tpu.memory_space<vmem>>
      %dma_start3A_155 = arith.constant 0 : i32
      %dma_start3A_156 = arith.constant 0 : i32
      %dma_start3A_157 = tpu.memref_slice %arg11[%dma_start3A_155, %dma_start3A_156] : memref<10240x32xf32, #tpu.memory_space<vmem_shared>> -> memref<10240x32xf32, #tpu.memory_space<vmem_shared>>
      tpu.enqueue_indirect_dma source(%dma_start3A_151 : memref<128x32xf32, #tpu.memory_space<vmem>>) target(%dma_start3A_157 : memref<10240x32xf32, #tpu.memory_space<vmem_shared>>) offsets(%dma_start3A_154 : memref<128xi32, #tpu.memory_space<vmem>>) semaphore(%arg17 : memref<!tpu.dma_semaphore, #tpu.memory_space<semaphore_mem>>) {add = true}
      %add3A_158 = arith.constant 2 : i32
      %add3A_159 = arith.addi %mul3A_109, %add3A_158 : i32
      %dma_wait3A_160 = arith.constant 0 : i32
      %dma_wait3A_161 = arith.constant 0 : i32
      %dma_wait3A_162 = tpu.memref_slice %arg9[%scan3A_52, %dma_wait3A_160, %dma_wait3A_161] : memref<4x128x32xf32, #tpu.memory_space<vmem>> -> memref<1x128x32xf32, #tpu.memory_space<vmem>>
      %dma_wait3A_163 = tpu.memref_squeeze %dma_wait3A_162 : memref<1x128x32xf32, #tpu.memory_space<vmem>> -> memref<128x32xf32, #tpu.memory_space<vmem>>
      %dma_wait3A_164 = arith.constant 0 : i32
      %dma_wait3A_165 = tpu.memref_slice %arg7[%add3A_159, %dma_wait3A_164] : memref<80x128xi32, #tpu.memory_space<vmem>> -> memref<1x128xi32, #tpu.memory_space<vmem>>
      %dma_wait3A_166 = tpu.memref_squeeze %dma_wait3A_165 : memref<1x128xi32, #tpu.memory_space<vmem>> -> memref<128xi32, #tpu.memory_space<vmem>>
      %dma_wait3A_167 = arith.constant 0 : i32
      %dma_wait3A_168 = arith.constant 0 : i32
      %dma_wait3A_169 = tpu.memref_slice %arg2[%dma_wait3A_167, %dma_wait3A_168] : memref<10000x32xf32, #tpu.memory_space<hbm>> -> memref<10000x32xf32, #tpu.memory_space<hbm>>
      tpu.wait_indirect_dma semaphore(%arg14 : memref<!tpu.dma_semaphore, #tpu.memory_space<semaphore_mem>>) src(%dma_wait3A_169 : memref<10000x32xf32, #tpu.memory_space<hbm>>) dst(%dma_wait3A_163 : memref<128x32xf32, #tpu.memory_space<vmem>>)
      %add3A_170 = arith.constant 2 : i32
      %add3A_171 = arith.addi %mul3A_109, %add3A_170 : i32
      %dma_start3A_172 = arith.constant 0 : i32
      %dma_start3A_173 = arith.constant 0 : i32
      %dma_start3A_174 = tpu.memref_slice %arg9[%scan3A_52, %dma_start3A_172, %dma_start3A_173] : memref<4x128x32xf32, #tpu.memory_space<vmem>> -> memref<1x128x32xf32, #tpu.memory_space<vmem>>
      %dma_start3A_175 = tpu.memref_squeeze %dma_start3A_174 : memref<1x128x32xf32, #tpu.memory_space<vmem>> -> memref<128x32xf32, #tpu.memory_space<vmem>>
      %dma_start3A_176 = arith.constant 0 : i32
      %dma_start3A_177 = tpu.memref_slice %arg8[%add3A_171, %dma_start3A_176] : memref<80x128xi32, #tpu.memory_space<vmem>> -> memref<1x128xi32, #tpu.memory_space<vmem>>
      %dma_start3A_178 = tpu.memref_squeeze %dma_start3A_177 : memref<1x128xi32, #tpu.memory_space<vmem>> -> memref<128xi32, #tpu.memory_space<vmem>>
      %dma_start3A_179 = arith.constant 0 : i32
      %dma_start3A_180 = arith.constant 0 : i32
      %dma_start3A_181 = tpu.memref_slice %arg11[%dma_start3A_179, %dma_start3A_180] : memref<10240x32xf32, #tpu.memory_space<vmem_shared>> -> memref<10240x32xf32, #tpu.memory_space<vmem_shared>>
      tpu.enqueue_indirect_dma source(%dma_start3A_175 : memref<128x32xf32, #tpu.memory_space<vmem>>) target(%dma_start3A_181 : memref<10240x32xf32, #tpu.memory_space<vmem_shared>>) offsets(%dma_start3A_178 : memref<128xi32, #tpu.memory_space<vmem>>) semaphore(%arg18 : memref<!tpu.dma_semaphore, #tpu.memory_space<semaphore_mem>>) {add = true}
      %add3A_182 = arith.constant 3 : i32
      %add3A_183 = arith.addi %mul3A_109, %add3A_182 : i32
      %dma_wait3A_184 = arith.constant 0 : i32
      %dma_wait3A_185 = arith.constant 0 : i32
      %dma_wait3A_186 = tpu.memref_slice %arg9[%scan3A_53, %dma_wait3A_184, %dma_wait3A_185] : memref<4x128x32xf32, #tpu.memory_space<vmem>> -> memref<1x128x32xf32, #tpu.memory_space<vmem>>
      %dma_wait3A_187 = tpu.memref_squeeze %dma_wait3A_186 : memref<1x128x32xf32, #tpu.memory_space<vmem>> -> memref<128x32xf32, #tpu.memory_space<vmem>>
      %dma_wait3A_188 = arith.constant 0 : i32
      %dma_wait3A_189 = tpu.memref_slice %arg7[%add3A_183, %dma_wait3A_188] : memref<80x128xi32, #tpu.memory_space<vmem>> -> memref<1x128xi32, #tpu.memory_space<vmem>>
      %dma_wait3A_190 = tpu.memref_squeeze %dma_wait3A_189 : memref<1x128xi32, #tpu.memory_space<vmem>> -> memref<128xi32, #tpu.memory_space<vmem>>
      %dma_wait3A_191 = arith.constant 0 : i32
      %dma_wait3A_192 = arith.constant 0 : i32
      %dma_wait3A_193 = tpu.memref_slice %arg2[%dma_wait3A_191, %dma_wait3A_192] : memref<10000x32xf32, #tpu.memory_space<hbm>> -> memref<10000x32xf32, #tpu.memory_space<hbm>>
      tpu.wait_indirect_dma semaphore(%arg15 : memref<!tpu.dma_semaphore, #tpu.memory_space<semaphore_mem>>) src(%dma_wait3A_193 : memref<10000x32xf32, #tpu.memory_space<hbm>>) dst(%dma_wait3A_187 : memref<128x32xf32, #tpu.memory_space<vmem>>)
      %add3A_194 = arith.constant 3 : i32
      %add3A_195 = arith.addi %mul3A_109, %add3A_194 : i32
      %dma_start3A_196 = arith.constant 0 : i32
      %dma_start3A_197 = arith.constant 0 : i32
      %dma_start3A_198 = tpu.memref_slice %arg9[%scan3A_53, %dma_start3A_196, %dma_start3A_197] : memref<4x128x32xf32, #tpu.memory_space<vmem>> -> memref<1x128x32xf32, #tpu.memory_space<vmem>>
      %dma_start3A_199 = tpu.memref_squeeze %dma_start3A_198 : memref<1x128x32xf32, #tpu.memory_space<vmem>> -> memref<128x32xf32, #tpu.memory_space<vmem>>
      %dma_start3A_200 = arith.constant 0 : i32
      %dma_start3A_201 = tpu.memref_slice %arg8[%add3A_195, %dma_start3A_200] : memref<80x128xi32, #tpu.memory_space<vmem>> -> memref<1x128xi32, #tpu.memory_space<vmem>>
      %dma_start3A_202 = tpu.memref_squeeze %dma_start3A_201 : memref<1x128xi32, #tpu.memory_space<vmem>> -> memref<128xi32, #tpu.memory_space<vmem>>
      %dma_start3A_203 = arith.constant 0 : i32
      %dma_start3A_204 = arith.constant 0 : i32
      %dma_start3A_205 = tpu.memref_slice %arg11[%dma_start3A_203, %dma_start3A_204] : memref<10240x32xf32, #tpu.memory_space<vmem_shared>> -> memref<10240x32xf32, #tpu.memory_space<vmem_shared>>
      tpu.enqueue_indirect_dma source(%dma_start3A_199 : memref<128x32xf32, #tpu.memory_space<vmem>>) target(%dma_start3A_205 : memref<10240x32xf32, #tpu.memory_space<vmem_shared>>) offsets(%dma_start3A_202 : memref<128xi32, #tpu.memory_space<vmem>>) semaphore(%arg19 : memref<!tpu.dma_semaphore, #tpu.memory_space<semaphore_mem>>) {add = true}
      %add3A_206 = arith.constant 0 : i32
      %add3A_207 = arith.addi %mul3A_109, %add3A_206 : i32
      %add3A_208 = arith.constant 4 : i32
      %add3A_209 = arith.addi %add3A_207, %add3A_208 : i32
      %lt3A = arith.constant 80 : i32
      %lt3A_210 = arith.cmpi slt, %add3A_209, %lt3A : i32
      %convert_element_type3A = arith.extui %lt3A_210 : i1 to i32
      %cond3A = arith.constant 0 : i32
      %cond3A_211 = arith.cmpi ne, %convert_element_type3A, %cond3A : i32
      scf.if %cond3A_211 {
        %add3A_239 = arith.constant 0 : i32
        %add3A_240 = arith.addi %mul3A_109, %add3A_239 : i32
        %dma_wait3A_241 = arith.constant 0 : i32
        %dma_wait3A_242 = arith.constant 0 : i32
        %dma_wait3A_243 = tpu.memref_slice %arg9[%scan3A_50, %dma_wait3A_241, %dma_wait3A_242] : memref<4x128x32xf32, #tpu.memory_space<vmem>> -> memref<1x128x32xf32, #tpu.memory_space<vmem>>
        %dma_wait3A_244 = tpu.memref_squeeze %dma_wait3A_243 : memref<1x128x32xf32, #tpu.memory_space<vmem>> -> memref<128x32xf32, #tpu.memory_space<vmem>>
        %dma_wait3A_245 = arith.constant 0 : i32
        %dma_wait3A_246 = tpu.memref_slice %arg8[%add3A_240, %dma_wait3A_245] : memref<80x128xi32, #tpu.memory_space<vmem>> -> memref<1x128xi32, #tpu.memory_space<vmem>>
        %dma_wait3A_247 = tpu.memref_squeeze %dma_wait3A_246 : memref<1x128xi32, #tpu.memory_space<vmem>> -> memref<128xi32, #tpu.memory_space<vmem>>
        %dma_wait3A_248 = arith.constant 0 : i32
        %dma_wait3A_249 = arith.constant 0 : i32
        %dma_wait3A_250 = tpu.memref_slice %arg11[%dma_wait3A_248, %dma_wait3A_249] : memref<10240x32xf32, #tpu.memory_space<vmem_shared>> -> memref<10240x32xf32, #tpu.memory_space<vmem_shared>>
        tpu.wait_indirect_dma semaphore(%arg16 : memref<!tpu.dma_semaphore, #tpu.memory_space<semaphore_mem>>) src(%dma_wait3A_244 : memref<128x32xf32, #tpu.memory_space<vmem>>) dst(%dma_wait3A_250 : memref<10240x32xf32, #tpu.memory_space<vmem_shared>>)
        %add3A_251 = arith.constant 0 : i32
        %add3A_252 = arith.addi %mul3A_109, %add3A_251 : i32
        %add3A_253 = arith.constant 4 : i32
        %add3A_254 = arith.addi %add3A_252, %add3A_253 : i32
        %dma_start3A_255 = arith.constant 0 : i32
        %dma_start3A_256 = arith.constant 0 : i32
        %dma_start3A_257 = tpu.memref_slice %arg9[%scan3A_50, %dma_start3A_255, %dma_start3A_256] : memref<4x128x32xf32, #tpu.memory_space<vmem>> -> memref<1x128x32xf32, #tpu.memory_space<vmem>>
        %dma_start3A_258 = tpu.memref_squeeze %dma_start3A_257 : memref<1x128x32xf32, #tpu.memory_space<vmem>> -> memref<128x32xf32, #tpu.memory_space<vmem>>
        %dma_start3A_259 = arith.constant 0 : i32
        %dma_start3A_260 = tpu.memref_slice %arg7[%add3A_254, %dma_start3A_259] : memref<80x128xi32, #tpu.memory_space<vmem>> -> memref<1x128xi32, #tpu.memory_space<vmem>>
        %dma_start3A_261 = tpu.memref_squeeze %dma_start3A_260 : memref<1x128xi32, #tpu.memory_space<vmem>> -> memref<128xi32, #tpu.memory_space<vmem>>
        %dma_start3A_262 = arith.constant 0 : i32
        %dma_start3A_263 = arith.constant 0 : i32
        %dma_start3A_264 = tpu.memref_slice %arg2[%dma_start3A_262, %dma_start3A_263] : memref<10000x32xf32, #tpu.memory_space<hbm>> -> memref<10000x32xf32, #tpu.memory_space<hbm>>
        tpu.enqueue_indirect_dma source(%dma_start3A_264 : memref<10000x32xf32, #tpu.memory_space<hbm>>) target(%dma_start3A_258 : memref<128x32xf32, #tpu.memory_space<vmem>>) offsets(%dma_start3A_261 : memref<128xi32, #tpu.memory_space<vmem>>) semaphore(%arg12 : memref<!tpu.dma_semaphore, #tpu.memory_space<semaphore_mem>>)
      } else {
      }
      %add3A_212 = arith.constant 1 : i32
      %add3A_213 = arith.addi %mul3A_109, %add3A_212 : i32
      %add3A_214 = arith.constant 4 : i32
      %add3A_215 = arith.addi %add3A_213, %add3A_214 : i32
      %lt3A_216 = arith.constant 80 : i32
      %lt3A_217 = arith.cmpi slt, %add3A_215, %lt3A_216 : i32
      %convert_element_type3A_218 = arith.extui %lt3A_217 : i1 to i32
      %cond3A_219 = arith.constant 0 : i32
      %cond3A_220 = arith.cmpi ne, %convert_element_type3A_218, %cond3A_219 : i32
      scf.if %cond3A_220 {
        %add3A_239 = arith.constant 1 : i32
        %add3A_240 = arith.addi %mul3A_109, %add3A_239 : i32
        %dma_wait3A_241 = arith.constant 0 : i32
        %dma_wait3A_242 = arith.constant 0 : i32
        %dma_wait3A_243 = tpu.memref_slice %arg9[%scan3A_51, %dma_wait3A_241, %dma_wait3A_242] : memref<4x128x32xf32, #tpu.memory_space<vmem>> -> memref<1x128x32xf32, #tpu.memory_space<vmem>>
        %dma_wait3A_244 = tpu.memref_squeeze %dma_wait3A_243 : memref<1x128x32xf32, #tpu.memory_space<vmem>> -> memref<128x32xf32, #tpu.memory_space<vmem>>
        %dma_wait3A_245 = arith.constant 0 : i32
        %dma_wait3A_246 = tpu.memref_slice %arg8[%add3A_240, %dma_wait3A_245] : memref<80x128xi32, #tpu.memory_space<vmem>> -> memref<1x128xi32, #tpu.memory_space<vmem>>
        %dma_wait3A_247 = tpu.memref_squeeze %dma_wait3A_246 : memref<1x128xi32, #tpu.memory_space<vmem>> -> memref<128xi32, #tpu.memory_space<vmem>>
        %dma_wait3A_248 = arith.constant 0 : i32
        %dma_wait3A_249 = arith.constant 0 : i32
        %dma_wait3A_250 = tpu.memref_slice %arg11[%dma_wait3A_248, %dma_wait3A_249] : memref<10240x32xf32, #tpu.memory_space<vmem_shared>> -> memref<10240x32xf32, #tpu.memory_space<vmem_shared>>
        tpu.wait_indirect_dma semaphore(%arg17 : memref<!tpu.dma_semaphore, #tpu.memory_space<semaphore_mem>>) src(%dma_wait3A_244 : memref<128x32xf32, #tpu.memory_space<vmem>>) dst(%dma_wait3A_250 : memref<10240x32xf32, #tpu.memory_space<vmem_shared>>)
        %add3A_251 = arith.constant 1 : i32
        %add3A_252 = arith.addi %mul3A_109, %add3A_251 : i32
        %add3A_253 = arith.constant 4 : i32
        %add3A_254 = arith.addi %add3A_252, %add3A_253 : i32
        %dma_start3A_255 = arith.constant 0 : i32
        %dma_start3A_256 = arith.constant 0 : i32
        %dma_start3A_257 = tpu.memref_slice %arg9[%scan3A_51, %dma_start3A_255, %dma_start3A_256] : memref<4x128x32xf32, #tpu.memory_space<vmem>> -> memref<1x128x32xf32, #tpu.memory_space<vmem>>
        %dma_start3A_258 = tpu.memref_squeeze %dma_start3A_257 : memref<1x128x32xf32, #tpu.memory_space<vmem>> -> memref<128x32xf32, #tpu.memory_space<vmem>>
        %dma_start3A_259 = arith.constant 0 : i32
        %dma_start3A_260 = tpu.memref_slice %arg7[%add3A_254, %dma_start3A_259] : memref<80x128xi32, #tpu.memory_space<vmem>> -> memref<1x128xi32, #tpu.memory_space<vmem>>
        %dma_start3A_261 = tpu.memref_squeeze %dma_start3A_260 : memref<1x128xi32, #tpu.memory_space<vmem>> -> memref<128xi32, #tpu.memory_space<vmem>>
        %dma_start3A_262 = arith.constant 0 : i32
        %dma_start3A_263 = arith.constant 0 : i32
        %dma_start3A_264 = tpu.memref_slice %arg2[%dma_start3A_262, %dma_start3A_263] : memref<10000x32xf32, #tpu.memory_space<hbm>> -> memref<10000x32xf32, #tpu.memory_space<hbm>>
        tpu.enqueue_indirect_dma source(%dma_start3A_264 : memref<10000x32xf32, #tpu.memory_space<hbm>>) target(%dma_start3A_258 : memref<128x32xf32, #tpu.memory_space<vmem>>) offsets(%dma_start3A_261 : memref<128xi32, #tpu.memory_space<vmem>>) semaphore(%arg13 : memref<!tpu.dma_semaphore, #tpu.memory_space<semaphore_mem>>)
      } else {
      }
      %add3A_221 = arith.constant 2 : i32
      %add3A_222 = arith.addi %mul3A_109, %add3A_221 : i32
      %add3A_223 = arith.constant 4 : i32
      %add3A_224 = arith.addi %add3A_222, %add3A_223 : i32
      %lt3A_225 = arith.constant 80 : i32
      %lt3A_226 = arith.cmpi slt, %add3A_224, %lt3A_225 : i32
      %convert_element_type3A_227 = arith.extui %lt3A_226 : i1 to i32
      %cond3A_228 = arith.constant 0 : i32
      %cond3A_229 = arith.cmpi ne, %convert_element_type3A_227, %cond3A_228 : i32
      scf.if %cond3A_229 {
        %add3A_239 = arith.constant 2 : i32
        %add3A_240 = arith.addi %mul3A_109, %add3A_239 : i32
        %dma_wait3A_241 = arith.constant 0 : i32
        %dma_wait3A_242 = arith.constant 0 : i32
        %dma_wait3A_243 = tpu.memref_slice %arg9[%scan3A_52, %dma_wait3A_241, %dma_wait3A_242] : memref<4x128x32xf32, #tpu.memory_space<vmem>> -> memref<1x128x32xf32, #tpu.memory_space<vmem>>
        %dma_wait3A_244 = tpu.memref_squeeze %dma_wait3A_243 : memref<1x128x32xf32, #tpu.memory_space<vmem>> -> memref<128x32xf32, #tpu.memory_space<vmem>>
        %dma_wait3A_245 = arith.constant 0 : i32
        %dma_wait3A_246 = tpu.memref_slice %arg8[%add3A_240, %dma_wait3A_245] : memref<80x128xi32, #tpu.memory_space<vmem>> -> memref<1x128xi32, #tpu.memory_space<vmem>>
        %dma_wait3A_247 = tpu.memref_squeeze %dma_wait3A_246 : memref<1x128xi32, #tpu.memory_space<vmem>> -> memref<128xi32, #tpu.memory_space<vmem>>
        %dma_wait3A_248 = arith.constant 0 : i32
        %dma_wait3A_249 = arith.constant 0 : i32
        %dma_wait3A_250 = tpu.memref_slice %arg11[%dma_wait3A_248, %dma_wait3A_249] : memref<10240x32xf32, #tpu.memory_space<vmem_shared>> -> memref<10240x32xf32, #tpu.memory_space<vmem_shared>>
        tpu.wait_indirect_dma semaphore(%arg18 : memref<!tpu.dma_semaphore, #tpu.memory_space<semaphore_mem>>) src(%dma_wait3A_244 : memref<128x32xf32, #tpu.memory_space<vmem>>) dst(%dma_wait3A_250 : memref<10240x32xf32, #tpu.memory_space<vmem_shared>>)
        %add3A_251 = arith.constant 2 : i32
        %add3A_252 = arith.addi %mul3A_109, %add3A_251 : i32
        %add3A_253 = arith.constant 4 : i32
        %add3A_254 = arith.addi %add3A_252, %add3A_253 : i32
        %dma_start3A_255 = arith.constant 0 : i32
        %dma_start3A_256 = arith.constant 0 : i32
        %dma_start3A_257 = tpu.memref_slice %arg9[%scan3A_52, %dma_start3A_255, %dma_start3A_256] : memref<4x128x32xf32, #tpu.memory_space<vmem>> -> memref<1x128x32xf32, #tpu.memory_space<vmem>>
        %dma_start3A_258 = tpu.memref_squeeze %dma_start3A_257 : memref<1x128x32xf32, #tpu.memory_space<vmem>> -> memref<128x32xf32, #tpu.memory_space<vmem>>
        %dma_start3A_259 = arith.constant 0 : i32
        %dma_start3A_260 = tpu.memref_slice %arg7[%add3A_254, %dma_start3A_259] : memref<80x128xi32, #tpu.memory_space<vmem>> -> memref<1x128xi32, #tpu.memory_space<vmem>>
        %dma_start3A_261 = tpu.memref_squeeze %dma_start3A_260 : memref<1x128xi32, #tpu.memory_space<vmem>> -> memref<128xi32, #tpu.memory_space<vmem>>
        %dma_start3A_262 = arith.constant 0 : i32
        %dma_start3A_263 = arith.constant 0 : i32
        %dma_start3A_264 = tpu.memref_slice %arg2[%dma_start3A_262, %dma_start3A_263] : memref<10000x32xf32, #tpu.memory_space<hbm>> -> memref<10000x32xf32, #tpu.memory_space<hbm>>
        tpu.enqueue_indirect_dma source(%dma_start3A_264 : memref<10000x32xf32, #tpu.memory_space<hbm>>) target(%dma_start3A_258 : memref<128x32xf32, #tpu.memory_space<vmem>>) offsets(%dma_start3A_261 : memref<128xi32, #tpu.memory_space<vmem>>) semaphore(%arg14 : memref<!tpu.dma_semaphore, #tpu.memory_space<semaphore_mem>>)
      } else {
      }
      %add3A_230 = arith.constant 3 : i32
      %add3A_231 = arith.addi %mul3A_109, %add3A_230 : i32
      %add3A_232 = arith.constant 4 : i32
      %add3A_233 = arith.addi %add3A_231, %add3A_232 : i32
      %lt3A_234 = arith.constant 80 : i32
      %lt3A_235 = arith.cmpi slt, %add3A_233, %lt3A_234 : i32
      %convert_element_type3A_236 = arith.extui %lt3A_235 : i1 to i32
      %cond3A_237 = arith.constant 0 : i32
      %cond3A_238 = arith.cmpi ne, %convert_element_type3A_236, %cond3A_237 : i32
      scf.if %cond3A_238 {
        %add3A_239 = arith.constant 3 : i32
        %add3A_240 = arith.addi %mul3A_109, %add3A_239 : i32
        %dma_wait3A_241 = arith.constant 0 : i32
        %dma_wait3A_242 = arith.constant 0 : i32
        %dma_wait3A_243 = tpu.memref_slice %arg9[%scan3A_53, %dma_wait3A_241, %dma_wait3A_242] : memref<4x128x32xf32, #tpu.memory_space<vmem>> -> memref<1x128x32xf32, #tpu.memory_space<vmem>>
        %dma_wait3A_244 = tpu.memref_squeeze %dma_wait3A_243 : memref<1x128x32xf32, #tpu.memory_space<vmem>> -> memref<128x32xf32, #tpu.memory_space<vmem>>
        %dma_wait3A_245 = arith.constant 0 : i32
        %dma_wait3A_246 = tpu.memref_slice %arg8[%add3A_240, %dma_wait3A_245] : memref<80x128xi32, #tpu.memory_space<vmem>> -> memref<1x128xi32, #tpu.memory_space<vmem>>
        %dma_wait3A_247 = tpu.memref_squeeze %dma_wait3A_246 : memref<1x128xi32, #tpu.memory_space<vmem>> -> memref<128xi32, #tpu.memory_space<vmem>>
        %dma_wait3A_248 = arith.constant 0 : i32
        %dma_wait3A_249 = arith.constant 0 : i32
        %dma_wait3A_250 = tpu.memref_slice %arg11[%dma_wait3A_248, %dma_wait3A_249] : memref<10240x32xf32, #tpu.memory_space<vmem_shared>> -> memref<10240x32xf32, #tpu.memory_space<vmem_shared>>
        tpu.wait_indirect_dma semaphore(%arg19 : memref<!tpu.dma_semaphore, #tpu.memory_space<semaphore_mem>>) src(%dma_wait3A_244 : memref<128x32xf32, #tpu.memory_space<vmem>>) dst(%dma_wait3A_250 : memref<10240x32xf32, #tpu.memory_space<vmem_shared>>)
        %add3A_251 = arith.constant 3 : i32
        %add3A_252 = arith.addi %mul3A_109, %add3A_251 : i32
        %add3A_253 = arith.constant 4 : i32
        %add3A_254 = arith.addi %add3A_252, %add3A_253 : i32
        %dma_start3A_255 = arith.constant 0 : i32
        %dma_start3A_256 = arith.constant 0 : i32
        %dma_start3A_257 = tpu.memref_slice %arg9[%scan3A_53, %dma_start3A_255, %dma_start3A_256] : memref<4x128x32xf32, #tpu.memory_space<vmem>> -> memref<1x128x32xf32, #tpu.memory_space<vmem>>
        %dma_start3A_258 = tpu.memref_squeeze %dma_start3A_257 : memref<1x128x32xf32, #tpu.memory_space<vmem>> -> memref<128x32xf32, #tpu.memory_space<vmem>>
        %dma_start3A_259 = arith.constant 0 : i32
        %dma_start3A_260 = tpu.memref_slice %arg7[%add3A_254, %dma_start3A_259] : memref<80x128xi32, #tpu.memory_space<vmem>> -> memref<1x128xi32, #tpu.memory_space<vmem>>
        %dma_start3A_261 = tpu.memref_squeeze %dma_start3A_260 : memref<1x128xi32, #tpu.memory_space<vmem>> -> memref<128xi32, #tpu.memory_space<vmem>>
        %dma_start3A_262 = arith.constant 0 : i32
        %dma_start3A_263 = arith.constant 0 : i32
        %dma_start3A_264 = tpu.memref_slice %arg2[%dma_start3A_262, %dma_start3A_263] : memref<10000x32xf32, #tpu.memory_space<hbm>> -> memref<10000x32xf32, #tpu.memory_space<hbm>>
        tpu.enqueue_indirect_dma source(%dma_start3A_264 : memref<10000x32xf32, #tpu.memory_space<hbm>>) target(%dma_start3A_258 : memref<128x32xf32, #tpu.memory_space<vmem>>) offsets(%dma_start3A_261 : memref<128xi32, #tpu.memory_space<vmem>>) semaphore(%arg15 : memref<!tpu.dma_semaphore, #tpu.memory_space<semaphore_mem>>)
      } else {
      }
    }
    %scan3A_58 = arith.constant 20 : i32
    %dma_wait3A = arith.constant 0 : i32
    %dma_wait3A_59 = arith.constant 76 : i32
    %dma_wait3A_60 = arith.constant 0 : i32
    %dma_wait3A_61 = arith.constant 0 : i32
    %dma_wait3A_62 = tpu.memref_slice %arg9[%dma_wait3A, %dma_wait3A_60, %dma_wait3A_61] : memref<4x128x32xf32, #tpu.memory_space<vmem>> -> memref<1x128x32xf32, #tpu.memory_space<vmem>>
    %dma_wait3A_63 = tpu.memref_squeeze %dma_wait3A_62 : memref<1x128x32xf32, #tpu.memory_space<vmem>> -> memref<128x32xf32, #tpu.memory_space<vmem>>
    %dma_wait3A_64 = arith.constant 0 : i32
    %dma_wait3A_65 = tpu.memref_slice %arg8[%dma_wait3A_59, %dma_wait3A_64] : memref<80x128xi32, #tpu.memory_space<vmem>> -> memref<1x128xi32, #tpu.memory_space<vmem>>
    %dma_wait3A_66 = tpu.memref_squeeze %dma_wait3A_65 : memref<1x128xi32, #tpu.memory_space<vmem>> -> memref<128xi32, #tpu.memory_space<vmem>>
    %dma_wait3A_67 = arith.constant 0 : i32
    %dma_wait3A_68 = arith.constant 0 : i32
    %dma_wait3A_69 = tpu.memref_slice %arg11[%dma_wait3A_67, %dma_wait3A_68] : memref<10240x32xf32, #tpu.memory_space<vmem_shared>> -> memref<10240x32xf32, #tpu.memory_space<vmem_shared>>
    tpu.wait_indirect_dma semaphore(%arg16 : memref<!tpu.dma_semaphore, #tpu.memory_space<semaphore_mem>>) src(%dma_wait3A_63 : memref<128x32xf32, #tpu.memory_space<vmem>>) dst(%dma_wait3A_69 : memref<10240x32xf32, #tpu.memory_space<vmem_shared>>)
    %dma_wait3A_70 = arith.constant 1 : i32
    %dma_wait3A_71 = arith.constant 77 : i32
    %dma_wait3A_72 = arith.constant 0 : i32
    %dma_wait3A_73 = arith.constant 0 : i32
    %dma_wait3A_74 = tpu.memref_slice %arg9[%dma_wait3A_70, %dma_wait3A_72, %dma_wait3A_73] : memref<4x128x32xf32, #tpu.memory_space<vmem>> -> memref<1x128x32xf32, #tpu.memory_space<vmem>>
    %dma_wait3A_75 = tpu.memref_squeeze %dma_wait3A_74 : memref<1x128x32xf32, #tpu.memory_space<vmem>> -> memref<128x32xf32, #tpu.memory_space<vmem>>
    %dma_wait3A_76 = arith.constant 0 : i32
    %dma_wait3A_77 = tpu.memref_slice %arg8[%dma_wait3A_71, %dma_wait3A_76] : memref<80x128xi32, #tpu.memory_space<vmem>> -> memref<1x128xi32, #tpu.memory_space<vmem>>
    %dma_wait3A_78 = tpu.memref_squeeze %dma_wait3A_77 : memref<1x128xi32, #tpu.memory_space<vmem>> -> memref<128xi32, #tpu.memory_space<vmem>>
    %dma_wait3A_79 = arith.constant 0 : i32
    %dma_wait3A_80 = arith.constant 0 : i32
    %dma_wait3A_81 = tpu.memref_slice %arg11[%dma_wait3A_79, %dma_wait3A_80] : memref<10240x32xf32, #tpu.memory_space<vmem_shared>> -> memref<10240x32xf32, #tpu.memory_space<vmem_shared>>
    tpu.wait_indirect_dma semaphore(%arg17 : memref<!tpu.dma_semaphore, #tpu.memory_space<semaphore_mem>>) src(%dma_wait3A_75 : memref<128x32xf32, #tpu.memory_space<vmem>>) dst(%dma_wait3A_81 : memref<10240x32xf32, #tpu.memory_space<vmem_shared>>)
    %dma_wait3A_82 = arith.constant 2 : i32
    %dma_wait3A_83 = arith.constant 78 : i32
    %dma_wait3A_84 = arith.constant 0 : i32
    %dma_wait3A_85 = arith.constant 0 : i32
    %dma_wait3A_86 = tpu.memref_slice %arg9[%dma_wait3A_82, %dma_wait3A_84, %dma_wait3A_85] : memref<4x128x32xf32, #tpu.memory_space<vmem>> -> memref<1x128x32xf32, #tpu.memory_space<vmem>>
    %dma_wait3A_87 = tpu.memref_squeeze %dma_wait3A_86 : memref<1x128x32xf32, #tpu.memory_space<vmem>> -> memref<128x32xf32, #tpu.memory_space<vmem>>
    %dma_wait3A_88 = arith.constant 0 : i32
    %dma_wait3A_89 = tpu.memref_slice %arg8[%dma_wait3A_83, %dma_wait3A_88] : memref<80x128xi32, #tpu.memory_space<vmem>> -> memref<1x128xi32, #tpu.memory_space<vmem>>
    %dma_wait3A_90 = tpu.memref_squeeze %dma_wait3A_89 : memref<1x128xi32, #tpu.memory_space<vmem>> -> memref<128xi32, #tpu.memory_space<vmem>>
    %dma_wait3A_91 = arith.constant 0 : i32
    %dma_wait3A_92 = arith.constant 0 : i32
    %dma_wait3A_93 = tpu.memref_slice %arg11[%dma_wait3A_91, %dma_wait3A_92] : memref<10240x32xf32, #tpu.memory_space<vmem_shared>> -> memref<10240x32xf32, #tpu.memory_space<vmem_shared>>
    tpu.wait_indirect_dma semaphore(%arg18 : memref<!tpu.dma_semaphore, #tpu.memory_space<semaphore_mem>>) src(%dma_wait3A_87 : memref<128x32xf32, #tpu.memory_space<vmem>>) dst(%dma_wait3A_93 : memref<10240x32xf32, #tpu.memory_space<vmem_shared>>)
    %dma_wait3A_94 = arith.constant 3 : i32
    %dma_wait3A_95 = arith.constant 79 : i32
    %dma_wait3A_96 = arith.constant 0 : i32
    %dma_wait3A_97 = arith.constant 0 : i32
    %dma_wait3A_98 = tpu.memref_slice %arg9[%dma_wait3A_94, %dma_wait3A_96, %dma_wait3A_97] : memref<4x128x32xf32, #tpu.memory_space<vmem>> -> memref<1x128x32xf32, #tpu.memory_space<vmem>>
    %dma_wait3A_99 = tpu.memref_squeeze %dma_wait3A_98 : memref<1x128x32xf32, #tpu.memory_space<vmem>> -> memref<128x32xf32, #tpu.memory_space<vmem>>
    %dma_wait3A_100 = arith.constant 0 : i32
    %dma_wait3A_101 = tpu.memref_slice %arg8[%dma_wait3A_95, %dma_wait3A_100] : memref<80x128xi32, #tpu.memory_space<vmem>> -> memref<1x128xi32, #tpu.memory_space<vmem>>
    %dma_wait3A_102 = tpu.memref_squeeze %dma_wait3A_101 : memref<1x128xi32, #tpu.memory_space<vmem>> -> memref<128xi32, #tpu.memory_space<vmem>>
    %dma_wait3A_103 = arith.constant 0 : i32
    %dma_wait3A_104 = arith.constant 0 : i32
    %dma_wait3A_105 = tpu.memref_slice %arg11[%dma_wait3A_103, %dma_wait3A_104] : memref<10240x32xf32, #tpu.memory_space<vmem_shared>> -> memref<10240x32xf32, #tpu.memory_space<vmem_shared>>
    tpu.wait_indirect_dma semaphore(%arg19 : memref<!tpu.dma_semaphore, #tpu.memory_space<semaphore_mem>>) src(%dma_wait3A_99 : memref<128x32xf32, #tpu.memory_space<vmem>>) dst(%dma_wait3A_105 : memref<10240x32xf32, #tpu.memory_space<vmem_shared>>)
    %barrier3A_106 = arith.constant 0 : index
    tpu.barrier barrier_id(%barrier3A_106)
    "tpu.region"() ({
      %run_scoped3A = tpu.sem_alloc : memref<!tpu.dma_semaphore, #tpu.memory_space<semaphore_mem>>
      %dma_start3A_107 = arith.constant 0 : i32
      %dma_start3A_108 = tpu.memref_slice %arg11[%mul3A_2, %dma_start3A_107] : memref<10240x32xf32, #tpu.memory_space<vmem_shared>> -> memref<640x32xf32, #tpu.memory_space<vmem_shared>>
      %dma_start3A_109 = arith.constant 0 : i32
      %dma_start3A_110 = tpu.memref_slice %arg11[%mul3A_2, %dma_start3A_109] : memref<10240x32xf32, #tpu.memory_space<vmem_shared>> -> memref<640x32xf32, #tpu.memory_space<vmem_shared>>
      tpu.enqueue_dma source(%dma_start3A_110 : memref<640x32xf32, #tpu.memory_space<vmem_shared>>) target(%arg10 : memref<640x32xf32, #tpu.memory_space<vmem>>) target_semaphore(%run_scoped3A : memref<!tpu.dma_semaphore, #tpu.memory_space<semaphore_mem>>)
      %dma_wait3A_111 = arith.constant 0 : i32
      %dma_wait3A_112 = tpu.memref_slice %arg11[%mul3A_2, %dma_wait3A_111] : memref<10240x32xf32, #tpu.memory_space<vmem_shared>> -> memref<640x32xf32, #tpu.memory_space<vmem_shared>>
      %dma_wait3A_113 = arith.constant 0 : i32
      %dma_wait3A_114 = tpu.memref_slice %arg11[%mul3A_2, %dma_wait3A_113] : memref<10240x32xf32, #tpu.memory_space<vmem_shared>> -> memref<640x32xf32, #tpu.memory_space<vmem_shared>>
      tpu.wait_dma2 semaphore(%run_scoped3A : memref<!tpu.dma_semaphore, #tpu.memory_space<semaphore_mem>>) src(%dma_wait3A_114 : memref<640x32xf32, #tpu.memory_space<vmem_shared>>) dst(%arg10 : memref<640x32xf32, #tpu.memory_space<vmem>>)
      tpu.yield
    }) : () -> ()
    "tpu.region"() ({
      %run_scoped3A = tpu.sem_alloc : memref<!tpu.dma_semaphore, #tpu.memory_space<semaphore_mem>>
      %dma_start3A_107 = arith.constant 0 : i32
      %dma_start3A_108 = tpu.memref_slice %arg6[%arg0, %mul3A_2, %dma_start3A_107] : memref<2x10240x32xf32, #tpu.memory_space<hbm>> -> memref<1x640x32xf32, #tpu.memory_space<hbm>>
      %dma_start3A_109 = tpu.memref_squeeze %dma_start3A_108 : memref<1x640x32xf32, #tpu.memory_space<hbm>> -> memref<640x32xf32, #tpu.memory_space<hbm>>
      %dma_start3A_110 = arith.constant 0 : i32
      %dma_start3A_111 = tpu.memref_slice %arg6[%arg0, %mul3A_2, %dma_start3A_110] : memref<2x10240x32xf32, #tpu.memory_space<hbm>> -> memref<1x640x32xf32, #tpu.memory_space<hbm>>
      %dma_start3A_112 = tpu.memref_squeeze %dma_start3A_111 : memref<1x640x32xf32, #tpu.memory_space<hbm>> -> memref<640x32xf32, #tpu.memory_space<hbm>>
      tpu.enqueue_dma source(%arg10 : memref<640x32xf32, #tpu.memory_space<vmem>>) target(%dma_start3A_112 : memref<640x32xf32, #tpu.memory_space<hbm>>) target_semaphore(%run_scoped3A : memref<!tpu.dma_semaphore, #tpu.memory_space<semaphore_mem>>)
      %dma_wait3A_113 = arith.constant 0 : i32
      %dma_wait3A_114 = tpu.memref_slice %arg6[%arg0, %mul3A_2, %dma_wait3A_113] : memref<2x10240x32xf32, #tpu.memory_space<hbm>> -> memref<1x640x32xf32, #tpu.memory_space<hbm>>
      %dma_wait3A_115 = tpu.memref_squeeze %dma_wait3A_114 : memref<1x640x32xf32, #tpu.memory_space<hbm>> -> memref<640x32xf32, #tpu.memory_space<hbm>>
      %dma_wait3A_116 = arith.constant 0 : i32
      %dma_wait3A_117 = tpu.memref_slice %arg6[%arg0, %mul3A_2, %dma_wait3A_116] : memref<2x10240x32xf32, #tpu.memory_space<hbm>> -> memref<1x640x32xf32, #tpu.memory_space<hbm>>
      %dma_wait3A_118 = tpu.memref_squeeze %dma_wait3A_117 : memref<1x640x32xf32, #tpu.memory_space<hbm>> -> memref<640x32xf32, #tpu.memory_space<hbm>>
      tpu.wait_dma2 semaphore(%run_scoped3A : memref<!tpu.dma_semaphore, #tpu.memory_space<semaphore_mem>>) src(%arg10 : memref<640x32xf32, #tpu.memory_space<vmem>>) dst(%dma_wait3A_118 : memref<640x32xf32, #tpu.memory_space<hbm>>)
      tpu.yield
    }) : () -> ()
    return
  }
}

module attributes {stable_mosaic.version = 14 : i64} {
  func.func @_tc_scale_body(%arg0: i32, %arg1: memref<2000x128xf32, #tpu.memory_space<vmem>>, %arg2: memref<128x32xf32, #tpu.memory_space<vmem>>, %arg3: memref<1x2000x16xf32, #tpu.memory_space<vmem>>, %arg4: memref<1x2000x16xf32, #tpu.memory_space<vmem>>, %arg5: memref<2000x32xf32, #tpu.memory_space<vmem>>) attributes {dimension_semantics = [#tpu.dimension_semantics<arbitrary>], iteration_bounds = array<i64: 5>, scalar_prefetch = 0 : i64, scratch_operands = 0 : i64, tpu.core_type = #tpu.core_type<tc>, window_params = [{transform_indices = @transform_0, window_bounds = array<i64: 2000, 128>}, {pipeline_mode = #tpu.pipeline_mode<synchronous>, transform_indices = @transform_1, window_bounds = array<i64: 128, 32>}, {transform_indices = @transform_2, window_bounds = array<i64: 1, 2000, 16>}, {transform_indices = @transform_3, window_bounds = array<i64: 1, 2000, 16>}, {transform_indices = @transform_4, window_bounds = array<i64: 2000, 32>}]} {
    %get3A = arith.constant 0 : index
    %get3A_0 = arith.constant 0 : index
    %get3A_1 = arith.constant 0 : index
    %get3A_2 = vector.load %arg3[%get3A, %get3A_0, %get3A_1] : memref<1x2000x16xf32, #tpu.memory_space<vmem>>, vector<1x2000x16xf32>
    %get3A_3 = vector.shape_cast %get3A_2 : vector<1x2000x16xf32> to vector<2000x16xf32>
    %slice3A = vector.extract_strided_slice %get3A_3 {offsets = [0, 0], sizes = [2000, 1], strides = [1, 1]} : vector<2000x16xf32> to vector<2000x1xf32>
    %get3A_4 = arith.constant 0 : index
    %get3A_5 = arith.constant 0 : index
    %get3A_6 = arith.constant 0 : index
    %get3A_7 = vector.load %arg4[%get3A_4, %get3A_5, %get3A_6] : memref<1x2000x16xf32, #tpu.memory_space<vmem>>, vector<1x2000x16xf32>
    %get3A_8 = vector.shape_cast %get3A_7 : vector<1x2000x16xf32> to vector<2000x16xf32>
    %slice3A_9 = vector.extract_strided_slice %get3A_8 {offsets = [0, 0], sizes = [2000, 1], strides = [1, 1]} : vector<2000x16xf32> to vector<2000x1xf32>
    %add3A = arith.addf %slice3A, %slice3A_9 : vector<2000x1xf32>
    %add3A_10 = arith.constant 1.000000e+00 : f32
    %add3A_11 = vector.broadcast %add3A_10 : f32 to vector<2000x1xf32>
    %add3A_12 = arith.addf %add3A, %add3A_11 : vector<2000x1xf32>
    %rsqrt3A = math.rsqrt %add3A_12 : vector<2000x1xf32>
    %get3A_13 = arith.constant 0 : index
    %get3A_14 = arith.constant 0 : index
    %get3A_15 = vector.load %arg1[%get3A_13, %get3A_14] : memref<2000x128xf32, #tpu.memory_space<vmem>>, vector<2000x128xf32>
    %get3A_16 = arith.constant 0 : index
    %get3A_17 = arith.constant 0 : index
    %get3A_18 = vector.load %arg2[%get3A_16, %get3A_17] : memref<128x32xf32, #tpu.memory_space<vmem>>, vector<128x32xf32>
    %dot_general3A = arith.constant dense<0.000000e+00> : vector<2000x32xf32>
    %dot_general3A_19 = tpu.matmul %get3A_15, %get3A_18, %dot_general3A {dimension_numbers = #tpu.dot_dimension_numbers<[1], [0], [0], [1], [0, 0, 1, 1], [], []>, transpose_lhs_hint = false} : vector<2000x128xf32>, vector<128x32xf32>, vector<2000x32xf32> -> vector<2000x32xf32>
    %mul3A = vector.broadcast %rsqrt3A : vector<2000x1xf32> to vector<2000x32xf32>
    %mul3A_20 = arith.mulf %dot_general3A_19, %mul3A : vector<2000x32xf32>
    %swap3A = arith.constant 0 : index
    %swap3A_21 = arith.constant 0 : index
    %swap3A_22 = vector.load %arg5[%swap3A, %swap3A_21] : memref<2000x32xf32, #tpu.memory_space<vmem>>, vector<2000x32xf32>
    tpu.vector_store %arg5[%swap3A, %swap3A_21], %mul3A_20 {strides = array<i32>} : memref<2000x32xf32, #tpu.memory_space<vmem>>, vector<2000x32xf32>,
    return
  }
  func.func @transform_0(%arg0: i32) -> (i32, i32) {
    %c0_i32 = arith.constant 0 : i32
    %c0_i32_0 = arith.constant 0 : i32
    return %arg0, %c0_i32 : i32, i32
  }
  func.func @transform_1(%arg0: i32) -> (i32, i32) {
    %c0_i32 = arith.constant 0 : i32
    %c0_i32_0 = arith.constant 0 : i32
    %c0_i32_1 = arith.constant 0 : i32
    return %c0_i32, %c0_i32_0 : i32, i32
  }
  func.func @transform_2(%arg0: i32) -> (i32, i32, i32) {
    %c0_i32 = arith.constant 0 : i32
    %c0_i32_0 = arith.constant 0 : i32
    %c0_i32_1 = arith.constant 0 : i32
    return %c0_i32, %arg0, %c0_i32_0 : i32, i32, i32
  }
  func.func @transform_3(%arg0: i32) -> (i32, i32, i32) {
    %c1_i32 = arith.constant 1 : i32
    %c0_i32 = arith.constant 0 : i32
    %c0_i32_0 = arith.constant 0 : i32
    return %c1_i32, %arg0, %c0_i32 : i32, i32, i32
  }
  func.func @transform_4(%arg0: i32) -> (i32, i32) {
    %c0_i32 = arith.constant 0 : i32
    %c0_i32_0 = arith.constant 0 : i32
    return %arg0, %c0_i32 : i32, i32
  }
}

module attributes {stable_mosaic.version = 14 : i64} {
  func.func @_tc_hidden_body(%arg0: i32, %arg1: memref<1x2000x32xf32, #tpu.memory_space<vmem>>, %arg2: memref<1x2000x32xf32, #tpu.memory_space<vmem>>, %arg3: memref<2000x32xf32, #tpu.memory_space<vmem>>, %arg4: memref<1x2000x16xf32, #tpu.memory_space<vmem>>, %arg5: memref<1x2000x16xf32, #tpu.memory_space<vmem>>, %arg6: memref<2000x32xf32, #tpu.memory_space<vmem>>) attributes {dimension_semantics = [#tpu.dimension_semantics<arbitrary>], iteration_bounds = array<i64: 5>, scalar_prefetch = 0 : i64, scratch_operands = 0 : i64, tpu.core_type = #tpu.core_type<tc>, window_params = [{transform_indices = @transform_0, window_bounds = array<i64: 1, 2000, 32>}, {transform_indices = @transform_1, window_bounds = array<i64: 1, 2000, 32>}, {transform_indices = @transform_2, window_bounds = array<i64: 2000, 32>}, {transform_indices = @transform_3, window_bounds = array<i64: 1, 2000, 16>}, {transform_indices = @transform_4, window_bounds = array<i64: 1, 2000, 16>}, {transform_indices = @transform_5, window_bounds = array<i64: 2000, 32>}]} {
    %get3A = arith.constant 0 : index
    %get3A_0 = arith.constant 0 : index
    %get3A_1 = arith.constant 0 : index
    %get3A_2 = vector.load %arg4[%get3A, %get3A_0, %get3A_1] : memref<1x2000x16xf32, #tpu.memory_space<vmem>>, vector<1x2000x16xf32>
    %get3A_3 = vector.shape_cast %get3A_2 : vector<1x2000x16xf32> to vector<2000x16xf32>
    %slice3A = vector.extract_strided_slice %get3A_3 {offsets = [0, 0], sizes = [2000, 1], strides = [1, 1]} : vector<2000x16xf32> to vector<2000x1xf32>
    %get3A_4 = arith.constant 0 : index
    %get3A_5 = arith.constant 0 : index
    %get3A_6 = arith.constant 0 : index
    %get3A_7 = vector.load %arg5[%get3A_4, %get3A_5, %get3A_6] : memref<1x2000x16xf32, #tpu.memory_space<vmem>>, vector<1x2000x16xf32>
    %get3A_8 = vector.shape_cast %get3A_7 : vector<1x2000x16xf32> to vector<2000x16xf32>
    %slice3A_9 = vector.extract_strided_slice %get3A_8 {offsets = [0, 0], sizes = [2000, 1], strides = [1, 1]} : vector<2000x16xf32> to vector<2000x1xf32>
    %add3A = arith.addf %slice3A, %slice3A_9 : vector<2000x1xf32>
    %add3A_10 = arith.constant 1.000000e+00 : f32
    %add3A_11 = vector.broadcast %add3A_10 : f32 to vector<2000x1xf32>
    %add3A_12 = arith.addf %add3A, %add3A_11 : vector<2000x1xf32>
    %rsqrt3A = math.rsqrt %add3A_12 : vector<2000x1xf32>
    %get3A_13 = arith.constant 0 : index
    %get3A_14 = arith.constant 0 : index
    %get3A_15 = arith.constant 0 : index
    %get3A_16 = vector.load %arg1[%get3A_13, %get3A_14, %get3A_15] : memref<1x2000x32xf32, #tpu.memory_space<vmem>>, vector<1x2000x32xf32>
    %get3A_17 = vector.shape_cast %get3A_16 : vector<1x2000x32xf32> to vector<2000x32xf32>
    %get3A_18 = arith.constant 0 : index
    %get3A_19 = arith.constant 0 : index
    %get3A_20 = arith.constant 0 : index
    %get3A_21 = vector.load %arg2[%get3A_18, %get3A_19, %get3A_20] : memref<1x2000x32xf32, #tpu.memory_space<vmem>>, vector<1x2000x32xf32>
    %get3A_22 = vector.shape_cast %get3A_21 : vector<1x2000x32xf32> to vector<2000x32xf32>
    %add3A_23 = arith.addf %get3A_17, %get3A_22 : vector<2000x32xf32>
    %get3A_24 = arith.constant 0 : index
    %get3A_25 = arith.constant 0 : index
    %get3A_26 = vector.load %arg3[%get3A_24, %get3A_25] : memref<2000x32xf32, #tpu.memory_space<vmem>>, vector<2000x32xf32>
    %add3A_27 = arith.addf %add3A_23, %get3A_26 : vector<2000x32xf32>
    %mul3A = vector.broadcast %rsqrt3A : vector<2000x1xf32> to vector<2000x32xf32>
    %mul3A_28 = arith.mulf %mul3A, %add3A_27 : vector<2000x32xf32>
    %max3A = arith.constant 0.000000e+00 : f32
    %max3A_29 = vector.broadcast %max3A : f32 to vector<2000x32xf32>
    %max3A_30 = arith.maximumf %mul3A_28, %max3A_29 : vector<2000x32xf32>
    %mul3A_31 = vector.broadcast %rsqrt3A : vector<2000x1xf32> to vector<2000x32xf32>
    %mul3A_32 = arith.mulf %mul3A_31, %max3A_30 : vector<2000x32xf32>
    %swap3A = arith.constant 0 : index
    %swap3A_33 = arith.constant 0 : index
    %swap3A_34 = vector.load %arg6[%swap3A, %swap3A_33] : memref<2000x32xf32, #tpu.memory_space<vmem>>, vector<2000x32xf32>
    tpu.vector_store %arg6[%swap3A, %swap3A_33], %mul3A_32 {strides = array<i32>} : memref<2000x32xf32, #tpu.memory_space<vmem>>, vector<2000x32xf32>,
    return
  }
  func.func @transform_0(%arg0: i32) -> (i32, i32, i32) {
    %c0_i32 = arith.constant 0 : i32
    %c0_i32_0 = arith.constant 0 : i32
    %c0_i32_1 = arith.constant 0 : i32
    return %c0_i32, %arg0, %c0_i32_0 : i32, i32, i32
  }
  func.func @transform_1(%arg0: i32) -> (i32, i32, i32) {
    %c1_i32 = arith.constant 1 : i32
    %c0_i32 = arith.constant 0 : i32
    %c0_i32_0 = arith.constant 0 : i32
    return %c1_i32, %arg0, %c0_i32 : i32, i32, i32
  }
  func.func @transform_2(%arg0: i32) -> (i32, i32) {
    %c0_i32 = arith.constant 0 : i32
    %c0_i32_0 = arith.constant 0 : i32
    return %arg0, %c0_i32 : i32, i32
  }
  func.func @transform_3(%arg0: i32) -> (i32, i32, i32) {
    %c0_i32 = arith.constant 0 : i32
    %c0_i32_0 = arith.constant 0 : i32
    %c0_i32_1 = arith.constant 0 : i32
    return %c0_i32, %arg0, %c0_i32_0 : i32, i32, i32
  }
  func.func @transform_4(%arg0: i32) -> (i32, i32, i32) {
    %c1_i32 = arith.constant 1 : i32
    %c0_i32 = arith.constant 0 : i32
    %c0_i32_0 = arith.constant 0 : i32
    return %c1_i32, %arg0, %c0_i32 : i32, i32, i32
  }
  func.func @transform_5(%arg0: i32) -> (i32, i32) {
    %c0_i32 = arith.constant 0 : i32
    %c0_i32_0 = arith.constant 0 : i32
    return %arg0, %c0_i32 : i32, i32
  }
}

module attributes {stable_mosaic.version = 14 : i64} {
  func.func @_tc_z_body(%arg0: i32, %arg1: memref<1x2000x32xf32, #tpu.memory_space<vmem>>, %arg2: memref<1x2000x32xf32, #tpu.memory_space<vmem>>, %arg3: memref<2000x32xf32, #tpu.memory_space<vmem>>, %arg4: memref<1x2000x16xf32, #tpu.memory_space<vmem>>, %arg5: memref<1x2000x16xf32, #tpu.memory_space<vmem>>, %arg6: memref<32x16xf32, #tpu.memory_space<vmem>>, %arg7: memref<32x16xf32, #tpu.memory_space<vmem>>, %arg8: memref<2000x16xf32, #tpu.memory_space<vmem>>, %arg9: memref<2000x16xf32, #tpu.memory_space<vmem>>) attributes {dimension_semantics = [#tpu.dimension_semantics<arbitrary>], iteration_bounds = array<i64: 5>, scalar_prefetch = 0 : i64, scratch_operands = 0 : i64, tpu.core_type = #tpu.core_type<tc>, window_params = [{transform_indices = @transform_0, window_bounds = array<i64: 1, 2000, 32>}, {transform_indices = @transform_1, window_bounds = array<i64: 1, 2000, 32>}, {transform_indices = @transform_2, window_bounds = array<i64: 2000, 32>}, {transform_indices = @transform_3, window_bounds = array<i64: 1, 2000, 16>}, {transform_indices = @transform_4, window_bounds = array<i64: 1, 2000, 16>}, {pipeline_mode = #tpu.pipeline_mode<synchronous>, transform_indices = @transform_5, window_bounds = array<i64: 32, 16>}, {pipeline_mode = #tpu.pipeline_mode<synchronous>, transform_indices = @transform_6, window_bounds = array<i64: 32, 16>}, {transform_indices = @transform_7, window_bounds = array<i64: 2000, 16>}, {transform_indices = @transform_8, window_bounds = array<i64: 2000, 16>}]} {
    %get3A = arith.constant 0 : index
    %get3A_0 = arith.constant 0 : index
    %get3A_1 = arith.constant 0 : index
    %get3A_2 = vector.load %arg4[%get3A, %get3A_0, %get3A_1] : memref<1x2000x16xf32, #tpu.memory_space<vmem>>, vector<1x2000x16xf32>
    %get3A_3 = vector.shape_cast %get3A_2 : vector<1x2000x16xf32> to vector<2000x16xf32>
    %slice3A = vector.extract_strided_slice %get3A_3 {offsets = [0, 0], sizes = [2000, 1], strides = [1, 1]} : vector<2000x16xf32> to vector<2000x1xf32>
    %get3A_4 = arith.constant 0 : index
    %get3A_5 = arith.constant 0 : index
    %get3A_6 = arith.constant 0 : index
    %get3A_7 = vector.load %arg5[%get3A_4, %get3A_5, %get3A_6] : memref<1x2000x16xf32, #tpu.memory_space<vmem>>, vector<1x2000x16xf32>
    %get3A_8 = vector.shape_cast %get3A_7 : vector<1x2000x16xf32> to vector<2000x16xf32>
    %slice3A_9 = vector.extract_strided_slice %get3A_8 {offsets = [0, 0], sizes = [2000, 1], strides = [1, 1]} : vector<2000x16xf32> to vector<2000x1xf32>
    %add3A = arith.addf %slice3A, %slice3A_9 : vector<2000x1xf32>
    %add3A_10 = arith.constant 1.000000e+00 : f32
    %add3A_11 = vector.broadcast %add3A_10 : f32 to vector<2000x1xf32>
    %add3A_12 = arith.addf %add3A, %add3A_11 : vector<2000x1xf32>
    %rsqrt3A = math.rsqrt %add3A_12 : vector<2000x1xf32>
    %get3A_13 = arith.constant 0 : index
    %get3A_14 = arith.constant 0 : index
    %get3A_15 = arith.constant 0 : index
    %get3A_16 = vector.load %arg1[%get3A_13, %get3A_14, %get3A_15] : memref<1x2000x32xf32, #tpu.memory_space<vmem>>, vector<1x2000x32xf32>
    %get3A_17 = vector.shape_cast %get3A_16 : vector<1x2000x32xf32> to vector<2000x32xf32>
    %get3A_18 = arith.constant 0 : index
    %get3A_19 = arith.constant 0 : index
    %get3A_20 = arith.constant 0 : index
    %get3A_21 = vector.load %arg2[%get3A_18, %get3A_19, %get3A_20] : memref<1x2000x32xf32, #tpu.memory_space<vmem>>, vector<1x2000x32xf32>
    %get3A_22 = vector.shape_cast %get3A_21 : vector<1x2000x32xf32> to vector<2000x32xf32>
    %add3A_23 = arith.addf %get3A_17, %get3A_22 : vector<2000x32xf32>
    %get3A_24 = arith.constant 0 : index
    %get3A_25 = arith.constant 0 : index
    %get3A_26 = vector.load %arg3[%get3A_24, %get3A_25] : memref<2000x32xf32, #tpu.memory_space<vmem>>, vector<2000x32xf32>
    %add3A_27 = arith.addf %add3A_23, %get3A_26 : vector<2000x32xf32>
    %mul3A = vector.broadcast %rsqrt3A : vector<2000x1xf32> to vector<2000x32xf32>
    %mul3A_28 = arith.mulf %mul3A, %add3A_27 : vector<2000x32xf32>
    %get3A_29 = arith.constant 0 : index
    %get3A_30 = arith.constant 0 : index
    %get3A_31 = vector.load %arg6[%get3A_29, %get3A_30] : memref<32x16xf32, #tpu.memory_space<vmem>>, vector<32x16xf32>
    %dot_general3A = arith.constant dense<0.000000e+00> : vector<2000x16xf32>
    %dot_general3A_32 = tpu.matmul %mul3A_28, %get3A_31, %dot_general3A {dimension_numbers = #tpu.dot_dimension_numbers<[1], [0], [0], [1], [0, 0, 1, 1], [], []>, transpose_lhs_hint = false} : vector<2000x32xf32>, vector<32x16xf32>, vector<2000x16xf32> -> vector<2000x16xf32>
    %get3A_33 = arith.constant 0 : index
    %get3A_34 = arith.constant 0 : index
    %get3A_35 = vector.load %arg7[%get3A_33, %get3A_34] : memref<32x16xf32, #tpu.memory_space<vmem>>, vector<32x16xf32>
    %dot_general3A_36 = arith.constant dense<0.000000e+00> : vector<2000x16xf32>
    %dot_general3A_37 = tpu.matmul %mul3A_28, %get3A_35, %dot_general3A_36 {dimension_numbers = #tpu.dot_dimension_numbers<[1], [0], [0], [1], [0, 0, 1, 1], [], []>, transpose_lhs_hint = false} : vector<2000x32xf32>, vector<32x16xf32>, vector<2000x16xf32> -> vector<2000x16xf32>
    %get3A_38 = arith.constant 0 : index
    %get3A_39 = arith.constant 0 : index
    %get3A_40 = vector.load %arg8[%get3A_38, %get3A_39] : memref<2000x16xf32, #tpu.memory_space<vmem>>, vector<2000x16xf32>
    %exp3A = math.exp %dot_general3A_37 : vector<2000x16xf32>
    %mul3A_41 = arith.mulf %get3A_40, %exp3A : vector<2000x16xf32>
    %add3A_42 = arith.addf %dot_general3A_32, %mul3A_41 : vector<2000x16xf32>
    %swap3A = arith.constant 0 : index
    %swap3A_43 = arith.constant 0 : index
    %swap3A_44 = vector.load %arg9[%swap3A, %swap3A_43] : memref<2000x16xf32, #tpu.memory_space<vmem>>, vector<2000x16xf32>
    tpu.vector_store %arg9[%swap3A, %swap3A_43], %add3A_42 {strides = array<i32>} : memref<2000x16xf32, #tpu.memory_space<vmem>>, vector<2000x16xf32>,
    return
  }
  func.func @transform_0(%arg0: i32) -> (i32, i32, i32) {
    %c0_i32 = arith.constant 0 : i32
    %c0_i32_0 = arith.constant 0 : i32
    %c0_i32_1 = arith.constant 0 : i32
    return %c0_i32, %arg0, %c0_i32_0 : i32, i32, i32
  }
  func.func @transform_1(%arg0: i32) -> (i32, i32, i32) {
    %c1_i32 = arith.constant 1 : i32
    %c0_i32 = arith.constant 0 : i32
    %c0_i32_0 = arith.constant 0 : i32
    return %c1_i32, %arg0, %c0_i32 : i32, i32, i32
  }
  func.func @transform_2(%arg0: i32) -> (i32, i32) {
    %c0_i32 = arith.constant 0 : i32
    %c0_i32_0 = arith.constant 0 : i32
    return %arg0, %c0_i32 : i32, i32
  }
  func.func @transform_3(%arg0: i32) -> (i32, i32, i32) {
    %c0_i32 = arith.constant 0 : i32
    %c0_i32_0 = arith.constant 0 : i32
    %c0_i32_1 = arith.constant 0 : i32
    return %c0_i32, %arg0, %c0_i32_0 : i32, i32, i32
  }
  func.func @transform_4(%arg0: i32) -> (i32, i32, i32) {
    %c1_i32 = arith.constant 1 : i32
    %c0_i32 = arith.constant 0 : i32
    %c0_i32_0 = arith.constant 0 : i32
    return %c1_i32, %arg0, %c0_i32 : i32, i32, i32
  }
  func.func @transform_5(%arg0: i32) -> (i32, i32) {
    %c0_i32 = arith.constant 0 : i32
    %c0_i32_0 = arith.constant 0 : i32
    %c0_i32_1 = arith.constant 0 : i32
    return %c0_i32, %c0_i32_0 : i32, i32
  }
  func.func @transform_6(%arg0: i32) -> (i32, i32) {
    %c0_i32 = arith.constant 0 : i32
    %c0_i32_0 = arith.constant 0 : i32
    %c0_i32_1 = arith.constant 0 : i32
    return %c0_i32, %c0_i32_0 : i32, i32
  }
  func.func @transform_7(%arg0: i32) -> (i32, i32) {
    %c0_i32 = arith.constant 0 : i32
    %c0_i32_0 = arith.constant 0 : i32
    return %arg0, %c0_i32 : i32, i32
  }
  func.func @transform_8(%arg0: i32) -> (i32, i32) {
    %c0_i32 = arith.constant 0 : i32
    %c0_i32_0 = arith.constant 0 : i32
    return %arg0, %c0_i32 : i32, i32
  }
}

module attributes {stable_mosaic.version = 14 : i64} {
  func.func @_dec_body(%arg0: i32, %arg1: memref<400x16xf32, #tpu.memory_space<vmem>>, %arg2: memref<10000x16xf32, #tpu.memory_space<vmem>>, %arg3: memref<400x10000xf32, #tpu.memory_space<vmem>>) attributes {dimension_semantics = [#tpu.dimension_semantics<arbitrary>], iteration_bounds = array<i64: 25>, scalar_prefetch = 0 : i64, scratch_operands = 0 : i64, tpu.core_type = #tpu.core_type<tc>, window_params = [{transform_indices = @transform_0, window_bounds = array<i64: 400, 16>}, {pipeline_mode = #tpu.pipeline_mode<synchronous>, transform_indices = @transform_1, window_bounds = array<i64: 10000, 16>}, {transform_indices = @transform_2, window_bounds = array<i64: 400, 10000>}]} {
    %get3A = arith.constant 0 : index
    %get3A_0 = arith.constant 0 : index
    %get3A_1 = vector.load %arg1[%get3A, %get3A_0] : memref<400x16xf32, #tpu.memory_space<vmem>>, vector<400x16xf32>
    %get3A_2 = arith.constant 0 : index
    %get3A_3 = arith.constant 0 : index
    %get3A_4 = vector.load %arg2[%get3A_2, %get3A_3] : memref<10000x16xf32, #tpu.memory_space<vmem>>, vector<10000x16xf32>
    %dot_general3A = arith.constant dense<0.000000e+00> : vector<400x10000xf32>
    %dot_general3A_5 = tpu.matmul %get3A_1, %get3A_4, %dot_general3A {dimension_numbers = #tpu.dot_dimension_numbers<[1], [1], [0], [0], [0, 0, 1, 0], [], []>, transpose_lhs_hint = false} : vector<400x16xf32>, vector<10000x16xf32>, vector<400x10000xf32> -> vector<400x10000xf32>
    %swap3A = arith.constant 0 : index
    %swap3A_6 = arith.constant 0 : index
    %swap3A_7 = vector.load %arg3[%swap3A, %swap3A_6] : memref<400x10000xf32, #tpu.memory_space<vmem>>, vector<400x10000xf32>
    tpu.vector_store %arg3[%swap3A, %swap3A_6], %dot_general3A_5 {strides = array<i32>} : memref<400x10000xf32, #tpu.memory_space<vmem>>, vector<400x10000xf32>,
    return
  }
  func.func @transform_0(%arg0: i32) -> (i32, i32) {
    %c0_i32 = arith.constant 0 : i32
    %c0_i32_0 = arith.constant 0 : i32
    return %arg0, %c0_i32 : i32, i32
  }
  func.func @transform_1(%arg0: i32) -> (i32, i32) {
    %c0_i32 = arith.constant 0 : i32
    %c0_i32_0 = arith.constant 0 : i32
    %c0_i32_1 = arith.constant 0 : i32
    return %c0_i32, %c0_i32_0 : i32, i32
  }
  func.func @transform_2(%arg0: i32) -> (i32, i32) {
    %c0_i32 = arith.constant 0 : i32
    %c0_i32_0 = arith.constant 0 : i32
    return %arg0, %c0_i32 : i32, i32
  }
}

</mosaic_0001>

<sc_bundles>
// kernel: kernel.12.cloned.1.call-start
scs
__scs_entry_jumppad:
0x0: {  	(pc) =	sbr.rel $0x88, $3  }
0x1: {  	(tag) =	ssettag $0x0;
	lr =	simm.s32 $0x1  }
0x2: {  	[smem:$0x3F9B] =	sst lr;
	_ =	strace $0xD0000000  }
0x3: {  	_ = 	snop  }
0x4: {  	_ = 	snop  }
0x5: {  	_ = 	snop  }
0x6: {  	_ = 	snop  }
0x7: {  	_ = 	snop  }
__scs_overlays_trampoline_lowered:
0x8: {  	[smem:$0x3FAA] =	sst s0  }
0x9: {  	[smem:$0x3FAB] =	sst s1  }
0xa: {  	[smem:$0x3FAC] =	sst s2  }
0xb: {  	[smem:$0x3FAD] =	sst s3  }
0xc: {  	[smem:$0x3FAE] =	sst s4  }
0xd: {  	[smem:$0x3FAF] =	sst s5  }
0xe: {  	[smem:$0x3FB0] =	sst s6  }
0xf: {  	[smem:$0x3FB1] =	sst s7  }
0x10: {  	[smem:$0x3FB2] =	sst s8  }
0x11: {  	[smem:$0x3FB3] =	sst s9;
	s0 =	simm.s32 @!p0 $0x0  }
0x12: {  	s1 =	sld [smem:$0x3F99];
	s0 =	simm.s32 @p0 $0x1  }
0x13: {  	[smem:$0x3FB4] =	sst s0;
	s0 =	simm.s32 @!p1 $0x0  }
0x14: {  	s2 =	sld [smem:$0x3F98];
	s0 =	simm.s32 @p1 $0x1  }
0x15: {  	[smem:$0x3FB5] =	sst s0;
	s0 =	simm.s32 @!p2 $0x0  }
0x16: {  	s3 =	sld [smem:$0x3FDB];
	s0 =	simm.s32 @p2 $0x1  }
0x17: {  	s4 =	simm.s32 $0x1BF5;
	[smem:$0x3FB7] =	sst s0  }
0x18: {  	s0 =	sld [smem:$0x3F9A];
	_ =	swait.ge [sflag:s4], $0x0  }
0x19: {  	s7 =	sld [smem:$0x3F9B]  }
0x1a: {  	s8 =	sadd.s32 $0xFFFFE003, lr  }
0x1b: {  	s9 =	sadd.s32 $0xFFFFFEF7, lr;
	s5 =	simm.s32 $0xFFFFFFFF;
	p2 =	slt.u32 s8, $0xFFFFF086  }
0x1c: {  	p1 =	slt.u32 s9, $0xF7A;
	s5 =	simm.s32 @!p2 $0x0  }
0x1d: {  	s5 =	simm.s32 @p1 $0x1;
	p0 =	seq.s32 s7, s2  }
0x1e: {  	s7 =	smul.u32 @!p0 $0xF7A, s2;
	p2 =	seq.s32 @!p0 s5, $0x0  }
0x1f: {  	s9 =	smul.u32 $0xF7A, s1;
	s8 =	simm.s32 @!p0 $0x1BF5;
	p2 =	por !p2, p0  }
0x20: {  	[sflag:s8] =	ssyncset.s32 @!p0 $0xFFFFF086;
	s6 =	sadd.s32 @!p0 s3, s7;
	s7 =	simm.s32 @!p0 $0x108  }
0x21: {  	s3 =	sadd.s32 s3, s9;
	s6 =	sadd.s32 @!p0 $0x88, s6;
	s7 =	simm.s32 @p2 $0x1082  }
0x22: {  	[simem:s7], [sflag:s8] =	dma.local @!p0 [hbm:s6], $0xF7A  }
0x23: {  	s9 =	sor.u32 $0xD0000000, s2;
	s6 =	simm.s32 $0x108;
	_ =	swait.ge @!p0 [sflag:s8], $0x0  }
0x24: {  	s3 =	sadd.s32 $0x88, s3;
	s6 =	simm.s32 @!p1 $0x1082;
	[sflag:s4] =	ssyncset.s32 $0xFFFFF086  }
0x25: {  	[simem:s6], [sflag:s4] =	dma.local [hbm:s3], $0xF7A  }
0x26: {  	[smem:$0x3F9B] =	sst s1;
	(tag) =	ssettag s2;
	_ =	strace s9  }
0x27: {  	s1 =	sld [smem:$0x3FAB]  }
0x28: {  	s2 =	sld [smem:$0x3FAC]  }
0x29: {  	s4 =	sld [smem:$0x3FAE]  }
0x2a: {  	p0 =	seq.s32 s5, $0x0;
	s5 =	sld [smem:$0x3FAF]  }
0x2b: {  	s6 =	sld [smem:$0x3FB0]  }
0x2c: {  	s7 =	sld [smem:$0x3FB1]  }
0x2d: {  	s3 =	simm.s32 $0x108;
	s8 =	sld [smem:$0x3FB2]  }
0x2e: {  	s3 =	simm.s32 @!p0 $0x1082;
	s9 =	sld [smem:$0x3FB3]  }
0x2f: {  	lr =	sadd.s32 s0, s3;
	s0 =	sld [smem:$0x3FAA]  }
0x30: {  	s3 =	sld [smem:$0x3FAD]  }
0x31: {  	[smem:$0x3FB6] =	sst s10  }
0x32: {  	s10 =	sld [smem:$0x3FB4];
	_ =	sdelay $0x3  }
0x33: {  	p0 =	seq.s32 s10, $0x1;
	s10 =	sld [smem:$0x3FB6];
	_ =	sdelay $0x3  }
0x34: {  	[smem:$0x3FB6] =	sst s10  }
0x35: {  	s10 =	sld [smem:$0x3FB5];
	_ =	sdelay $0x3  }
0x36: {  	p1 =	seq.s32 s10, $0x1;
	s10 =	sld [smem:$0x3FB6];
	_ =	sdelay $0x3  }
0x37: {  	[smem:$0x3FB6] =	sst s10  }
0x38: {  	s10 =	sld [smem:$0x3FB7]  }
0x39: {  	_ = 	snop;
	(pc) =	sbr.ind lr, $3  }
0x3a: {  	_ = 	snop  }
0x3b: {  	_ = 	snop  }
0x3c: {  	p2 =	seq.s32 s10, $0x1;
	s10 =	sld [smem:$0x3FB6]  }
0x3d: {  	_ =	shalt  }
0x3e: {  	_ =	shalt  }
0x3f: {  	_ =	shalt  }
0x40: {  	_ =	shalt  }
0x41: {  	_ =	shalt  }
0x42: {  	_ =	shalt  }
0x43: {  	_ =	shalt  }
0x44: {  	_ =	shalt  }
0x45: {  	_ =	shalt  }
0x46: {  	_ =	shalt  }
0x47: {  	_ =	shalt  }
0x48: {  	_ =	shalt  }
0x49: {  	_ =	shalt  }
0x4a: {  	_ =	shalt  }
0x4b: {  	_ =	shalt  }
0x4c: {  	_ =	shalt  }
0x4d: {  	_ =	shalt  }
0x4e: {  	_ =	shalt  }
0x4f: {  	_ =	shalt  }
0x50: {  	_ =	shalt  }
0x51: {  	_ =	shalt  }
0x52: {  	_ =	shalt  }
0x53: {  	_ =	shalt  }
0x54: {  	_ =	shalt  }
0x55: {  	_ =	shalt  }
0x56: {  	_ =	shalt  }
0x57: {  	_ =	shalt  }
0x58: {  	_ =	shalt  }
0x59: {  	_ =	shalt  }
0x5a: {  	_ =	shalt  }
0x5b: {  	_ =	shalt  }
0x5c: {  	_ =	shalt  }
0x5d: {  	_ =	shalt  }
0x5e: {  	_ =	shalt  }
0x5f: {  	_ =	shalt  }
0x60: {  	_ =	shalt  }
0x61: {  	_ =	shalt  }
0x62: {  	_ =	shalt  }
0x63: {  	_ =	shalt  }
0x64: {  	_ =	shalt  }
0x65: {  	_ =	shalt  }
0x66: {  	_ =	shalt  }
0x67: {  	_ =	shalt  }
0x68: {  	_ =	shalt  }
0x69: {  	_ =	shalt  }
0x6a: {  	_ =	shalt  }
0x6b: {  	_ =	shalt  }
0x6c: {  	_ =	shalt  }
0x6d: {  	_ =	shalt  }
0x6e: {  	_ =	shalt  }
0x6f: {  	_ =	shalt  }
0x70: {  	_ =	shalt  }
0x71: {  	_ =	shalt  }
0x72: {  	_ =	shalt  }
0x73: {  	_ =	shalt  }
0x74: {  	_ =	shalt  }
0x75: {  	_ =	shalt  }
0x76: {  	_ =	shalt  }
0x77: {  	_ =	shalt  }
0x78: {  	_ =	shalt  }
0x79: {  	_ =	shalt  }
0x7a: {  	_ =	shalt  }
0x7b: {  	_ =	shalt  }
0x7c: {  	_ =	shalt  }
0x7d: {  	_ =	shalt  }
0x7e: {  	_ =	shalt  }
0x7f: {  	_ =	shalt  }
0x80: {  	_ =	shalt  }
0x81: {  	_ =	shalt  }
0x82: {  	_ =	shalt  }
0x83: {  	_ =	shalt  }
0x84: {  	_ =	shalt  }
0x85: {  	_ =	shalt  }
0x86: {  	_ =	shalt  }
0x87: {  	_ =	shalt  }
.Lfunc_end0:
.L_simem_size_0:
called_computation.1_lowered:
.L_overlay_start_0:
0x88: {  	s2 =	sld [smem:$0x3FD9]  }
0x89: {  	s3 =	sld [smem:$0x3FFE];
	_ =	sdelay $0x1  }
0x8a: {  	s1 =	srdreg.scid  }
0x8b: {  	s0 =	sand.u32 $0x1, s1  }
0x8c: {  	s16 =	sshll.u32 s0, $0xA;
	s2 =	sadd.s32 s3, s2  }
0x8d: {  	s2 =	sadd.s32 s2, s16  }
0x8e: {  	[smem:$0x3FC2] =	sst s2  }
0x8f: {  	_ = 	snop  }
0x90: {  	(tm) =	ssettm $0x1  }
0x91: {  	s17 =	sld [smem:$0x3FFB];
	_ =	sdelay $0x3  }
0x92: {  	_ =	strace s17  }
0x93: {  	s2 =	sld [smem:$0x3FFC];
	_ =	sdelay $0x3  }
0x94: {  	_ =	strace s2  }
0x95: {  	s2 =	sld [smem:$0x3FFD];
	_ =	sdelay $0x3  }
0x96: {  	_ =	strace s2  }
0x97: {  	_ =	strace $0x8FFFFFFF  }
0x98: {  	s18 =	sld [smem:$0x3FDB];
	_ =	sdelay $0x1  }
0x99: {  	s19 =	simm.s32 $_scs_section_size  }
0x9a: {  	s4 =	simm.s32 $_size__tile_overlayer_lowered;
	s5 =	simm.s32 $_tile_overlayer_lowered  }
0x9b: {  	s22 =	simm.s32 $0x1BFF;
	s21 =	sshll.u32 s5, $0x1;
	s2 =	sadd.s32 s19, s18  }
0x9c: {  	s6 =	simm.s32 $0x0;
	s20 =	sshll.u32 s4, $0x1;
	s4 =	sadd.s32 s21, s2  }
0x9d: {  	[timem:s6], [sflag:s22] =	dma.local [hbm:s4], s20  }
0x9e: {  	_ =	swait.ge [sflag:s22], s20  }
0x9f: {  	s3 =	ssub.s32 $0x0, s20;
	[sflag:s22] =	ssyncset.done $0x0  }
0xa0: {  	[sflag:s22] =	ssyncadd.s32 s3;
	_ =	sdelay $0x1  }
0xa1: {  	s23 =	simm.s32 $0x1B8B  }
0xa2: {  	_ =	swait.ge [sflag:s23], $0x1  }
0xa3: {  	[sflag:s23] =	ssyncset.done $0x0  }
0xa4: {  	s25 =	simm.s32 $0x1B8E;
	s24 =	sld [smem:$0x3FFE];
	[sflag:s23] =	ssyncadd.s32 $0xFFFFFFFF  }
0xa5: {  	s26 =	simm.s32 $execute0_lowered;
	[smem:$0x3FD2] =	sst s25  }
0xa6: {  	s4 =	sshll.u32 s26, $0x1;
	_ =	strace $0x80000049;
	[dreg:$0x1] =	wrdreg $0xFFFFFFFF  }
0xa7: {  	s28 =	simm.s32 $_size_execute0_lowered;
	s2 =	sadd.s32 s2, s4;
	[dreg:$0x0] =	wrdreg $0x0  }
0xa8: {  	s4 =	sshll.u32 s28, $0x1;
	[dreg:$0x2] =	wrdreg s2  }
0xa9: {  	[dreg:$0x3] =	wrdreg s4  }
0xaa: {  	[dreg:$0x4] =	wrdreg $0xC0  }
0xab: {  	_ =	task [dreg:s6], $0x5FFFF  }
0xac: {  	[dreg:$0x1] =	wrdreg $0xFFFFFFFF  }
0xad: {  	[dreg:$0x0] =	wrdreg $0x60  }
0xae: {  	[dreg:$0x2] =	wrdreg s24  }
0xaf: {  	[dreg:$0x3] =	wrdreg $0xE0000  }
0xb0: {  	[dreg:$0x4] =	wrdreg $0x9  }
0xb1: {  	_ =	task.clear_ibuf [dreg:s6], $0x5FFFF;
	_ =	strace $0x90000049  }
0xb2: {  	s29 =	simm.s32 $0x9;
	_ =	strace $0x8000004B  }
0xb3: {  	_ =	swait.ge [sflag:s29], $0x1  }
0xb4: {  	[sflag:s29] =	ssyncadd.s32 $0xFFFFFFFF  }
0xb5: {  	_ =	strace $0x9000004B  }
0xb6: {  	_ =	sfence  }
0xb7: {  	s30 =	sld [smem:$0x0];
	_ =	sdelay $0x2  }
0xb8: {  	s31 =	sshll.u32 s1, $0xD;
	s1 =	sshrl.u32 s1, $0x2  }
0xb9: {  	s3 =	sand.u32 $0x4000, s31;
	s1 =	sadd.s32 s1, s30  }
0xba: {  	s0 =	sor.u32 s3, s0;
	s1 =	sshll.u32 s1, $0x11  }
0xbb: {  	s0 =	sor.u32 s1, s0  }
0xbc: {  	s0 =	sadd.s32 $0x8F2B, s0  }
0xbd: {  	[sflag:s0] =	ssyncadd.remote.s32 $0x1  }
0xbe: {  	_ =	sfence.sel $0xFFFF  }
0xbf: {  	[dreg:$0x0] =	wrdreg $0xFFFFFFFF;
	(pc) =	sbr.abs _section_cstart, $3  }
0xc0: {  	[dreg:$0x1] =	wrdreg $0xFFFFFFFF  }
0xc1: {  	_ =	task.clear_ibuf [dreg:s6], $0x2FFFF;
	_ =	strace $0x9FFFFFFF  }
0xc2: {  	(tm) =	ssettm $0x7FFFFFFF  }
0xc3: {  	_ =	shalt  }
tec
execute0_lowered:
.L_overlay_start_1:
0x0: {  	(tag) =	ssettag $0x1  }
0x1: {  	s0 =	srdreg.scid  }
0x2: {  	s4 =	stileid.u32;
	s5 =	rddreg [dreg:$0x0]  }
0x3: {  	s2 =	rddreg [dreg:$0x1];
	s3 =	simm.s32 $0x0;
	s11 =	simm.s32 $0x9000  }
0x4: {  	s12 =	simm.s32 $0x9;
	s14 =	simm.s32 $0x80;
	s15 =	simm.s32 $0x5000  }
0x5: {  	s16 =	simm.s32 $0x6000;
	s18 =	simm.s32 $0x7000;
	s20 =	simm.s32 $0x8000  }
0x6: {  	s21 =	simm.s32 $0x1;
	s22 =	simm.s32 $0x2;
	s23 =	simm.s32 $0x3  }
0x7: {  	s24 =	simm.s32 $0x4;
	s25 =	simm.s32 $0x5;
	s26 =	simm.s32 $0x6  }
0x8: {  	s28 =	simm.s32 $0x7;
	s29 =	simm.s32 $0x8;
	s31 =	simm.s32 $0x4E80  }
0x9: {  	s13 =	simm.s32 $0x0;
	s0 =	sand.u32 $0x1, s0;
	s6 =	smul.u32 $0x5000, s4  }
0xa: {  	[smem:$0x7FF] =	sst s3;
	s1 =	sshll.u32 s0, $0x4;
	s7 =	smul.u32 $0x50000, s0  }
0xb: {  	_ =	strace $0x8000004A;
	s0 =	ssub.s32 $0x2, s0;
	s1 =	sor.u32 s4, s1  }
0xc: {  	s4 =	sadd.s32 $0x3CE00, s5;
	s8 =	sshrl.u32 s6, $0x3;
	s30 =	sshrl.u32 s0, $0x1  }
0xd: {  	s1 =	smul.u32 $0x500, s1;
	s7 =	sadd.s32 s6, s7;
	s8 =	sadd.s32 s8, s5  }
0xe: {  	s0 =	ssub.s32 s0, s30;
	s6 =	sadd.s32 s6, s2;
	s7 =	sshrl.u32 s7, $0x3  }
0xf: {  	s10 =	smax.u32 s0, $0x1;
	s0 =	simm.s32 $0x4F80;
	s1 =	sadd.s32 s1, s5  }
0x10: {  	s9 =	sadd.s32 s7, s5;
	s5 =	sadd.s32 $0x46C00, s8;
	s7 =	sadd.s32 $0xBC00, s1  }
0x11: {  	s8 =	sadd.s32 $0x1C00, s1;
	s9 =	sadd.s32 $0x50C00, s9;
	s1 =	simm.s32 $0x4F00  }
.LBB2_1:
0x12: {  	[tilespmem:s11], [sflag:$0x9] =	stream.linear.gather [hbm4b:s5+s3], $0x5000, $0x38;
	[tilespmem:$0x13000] =	vst v63  }
0x13: {  	_ =	swait.ge [sflag:s12], $0x5000  }
0x14: {  	[sflag:s12] =	ssyncset.done $0x0  }
0x15: {  	[sflag:s12] =	ssyncadd.s32 $0xFFFFB000  }
0x16: {  	[spmem:s6] =	stream.linear.scatter [tilespmem:s11], [sflag:$0x9], $0x5000, $0x38;
	[tilespmem:$0x13000] =	vst v63  }
0x17: {  	_ =	swait.ge [sflag:s12], $0x5000  }
0x18: {  	[sflag:s12] =	ssyncset.done $0x0  }
0x19: {  	[sflag:s12] =	ssyncadd.s32 $0xFFFFB000  }
0x1a: {  	[tilespmem:s3], [sflag:$0x9] =	stream.linear.gather [hbm4b:s7+s3], $0x2800, $0x38;
	[tilespmem:$0x13000] =	vst v63  }
0x1b: {  	_ =	swait.ge [sflag:s12], $0x2800  }
0x1c: {  	[sflag:s12] =	ssyncset.done $0x0  }
0x1d: {  	s17 =	simm.s32 $0x2800;
	[sflag:s12] =	ssyncadd.s32 $0xFFFFD800  }
0x1e: {  	[tilespmem:s17], [sflag:$0x9] =	stream.linear.gather [hbm4b:s8+s3], $0x2800, $0x38;
	[tilespmem:$0x13000] =	vst v63  }
0x1f: {  	_ =	swait.ge [sflag:s12], $0x2800  }
0x20: {  	[sflag:s12] =	ssyncset.done $0x0  }
0x21: {  	[sflag:s12] =	ssyncadd.s32 $0xFFFFD800  }
0x22: {  	[bflag:$0x0] =	sbarrier.arrive $0xFFFF  }
0x23: {  	[tilespmem:s15], [sflag:$0x1] =	stream.indirect.gather [hbm4b:s4+s14], $0x20, s3, s14, $0xb8;
	[tilespmem:$0x13000] =	vst v63  }
0x24: {  	_ = 	snop  }
0x25: {  	[tilespmem:s16], [sflag:$0x2] =	stream.indirect.gather [hbm4b:s4+s14], $0x20, s14, s14, $0xb8;
	[tilespmem:$0x13000] =	vst v63  }
0x26: {  	s30 =	simm.s32 $0x100  }
0x27: {  	[tilespmem:s18], [sflag:$0x3] =	stream.indirect.gather [hbm4b:s4+s14], $0x20, s30, s14, $0xb8;
	[tilespmem:$0x13000] =	vst v63  }
0x28: {  	s19 =	simm.s32 $0x180  }
0x29: {  	[tilespmem:s20], [sflag:$0x4] =	stream.indirect.gather [hbm4b:s4+s14], $0x20, s19, s14, $0xb8;
	[tilespmem:$0x13000] =	vst v63  }
0x2a: {  	_ =	swait.ge [sflag:s21], $0x1000  }
0x2b: {  	[sflag:s21] =	ssyncset.done $0x0  }
0x2c: {  	s30 =	simm.s32 $0x2800;
	[sflag:s21] =	ssyncadd.s32 $0xFFFFF000  }
0x2d: {  	[spmem:s2] =	stream.indirect.scatter.add.f32 [tilespmem:s15], [sflag:$0x5], $0x20, s30, s14, $0xb8;
	[tilespmem:$0x13000] =	vst v63  }
0x2e: {  	_ =	swait.ge [sflag:s22], $0x1000  }
0x2f: {  	[sflag:s22] =	ssyncset.done $0x0  }
0x30: {  	s19 =	simm.s32 $0x2880;
	[sflag:s22] =	ssyncadd.s32 $0xFFFFF000  }
0x31: {  	[spmem:s2] =	stream.indirect.scatter.add.f32 [tilespmem:s16], [sflag:$0x6], $0x20, s19, s14, $0xb8;
	[tilespmem:$0x13000] =	vst v63  }
0x32: {  	_ =	swait.ge [sflag:s23], $0x1000  }
0x33: {  	[sflag:s23] =	ssyncset.done $0x0  }
0x34: {  	s30 =	simm.s32 $0x2900;
	[sflag:s23] =	ssyncadd.s32 $0xFFFFF000  }
0x35: {  	[spmem:s2] =	stream.indirect.scatter.add.f32 [tilespmem:s18], [sflag:$0x7], $0x20, s30, s14, $0xb8;
	[tilespmem:$0x13000] =	vst v63  }
0x36: {  	_ =	swait.ge [sflag:s24], $0x1000  }
0x37: {  	[sflag:s24] =	ssyncset.done $0x0  }
0x38: {  	s19 =	simm.s32 $0x2980;
	[sflag:s24] =	ssyncadd.s32 $0xFFFFF000  }
0x39: {  	[spmem:s2] =	stream.indirect.scatter.add.f32 [tilespmem:s20], [sflag:$0x8], $0x20, s19, s14, $0xb8;
	[tilespmem:$0x13000] =	vst v63  }
0x3a: {  	_ =	swait.ge [sflag:s25], $0x1000  }
0x3b: {  	[sflag:s25] =	ssyncset.done $0x0  }
0x3c: {  	s30 =	simm.s32 $0x200;
	[sflag:s25] =	ssyncadd.s32 $0xFFFFF000  }
0x3d: {  	[tilespmem:s15], [sflag:$0x1] =	stream.indirect.gather [hbm4b:s4+s14], $0x20, s30, s14, $0xb8;
	[tilespmem:$0x13000] =	vst v63  }
0x3e: {  	_ =	swait.ge [sflag:s26], $0x1000  }
0x3f: {  	[sflag:s26] =	ssyncset.done $0x0  }
0x40: {  	s19 =	simm.s32 $0x280;
	[sflag:s26] =	ssyncadd.s32 $0xFFFFF000  }
0x41: {  	[tilespmem:s16], [sflag:$0x2] =	stream.indirect.gather [hbm4b:s4+s14], $0x20, s19, s14, $0xb8;
	[tilespmem:$0x13000] =	vst v63  }
0x42: {  	_ =	swait.ge [sflag:s28], $0x1000  }
0x43: {  	[sflag:s28] =	ssyncset.done $0x0  }
0x44: {  	s30 =	simm.s32 $0x300;
	[sflag:s28] =	ssyncadd.s32 $0xFFFFF000  }
0x45: {  	[tilespmem:s18], [sflag:$0x3] =	stream.indirect.gather [hbm4b:s4+s14], $0x20, s30, s14, $0xb8;
	[tilespmem:$0x13000] =	vst v63  }
0x46: {  	_ =	swait.ge [sflag:s29], $0x1000  }
0x47: {  	[sflag:s29] =	ssyncset.done $0x0  }
0x48: {  	s17 =	simm.s32 $0x800;
	s19 =	simm.s32 $0x380;
	[sflag:s29] =	ssyncadd.s32 $0xFFFFF000  }
.LBB2_2:
0x49: {  	[tilespmem:s20], [sflag:$0x4] =	stream.indirect.gather [hbm4b:s4+s14], $0x20, s19, s14, $0xb8;
	[tilespmem:$0x13000] =	vst v63  }
0x4a: {  	s19 =	smov.u32 s17  }
0x4b: {  	p0 =	sne.s32 s17, $0x9000;
	s17 =	sadd.s32 $0x800, s17;
	_ =	swait.ge [sflag:s21], $0x1000  }
0x4c: {  	s19 =	sshra.s32 s19, $0x2;
	[sflag:s21] =	ssyncset.done $0x0  }
0x4d: {  	s30 =	sadd.s32 $0x2800, s19;
	[sflag:s21] =	ssyncadd.s32 $0xFFFFF000  }
0x4e: {  	[spmem:s2] =	stream.indirect.scatter.add.f32 [tilespmem:s15], [sflag:$0x5], $0x20, s30, s14, $0xb8;
	[tilespmem:$0x13000] =	vst v63  }
0x4f: {  	_ =	swait.ge [sflag:s22], $0x1000  }
0x50: {  	[sflag:s22] =	ssyncset.done $0x0  }
0x51: {  	s30 =	sadd.s32 $0x2880, s19;
	[sflag:s22] =	ssyncadd.s32 $0xFFFFF000  }
0x52: {  	[spmem:s2] =	stream.indirect.scatter.add.f32 [tilespmem:s16], [sflag:$0x6], $0x20, s30, s14, $0xb8;
	[tilespmem:$0x13000] =	vst v63  }
0x53: {  	_ =	swait.ge [sflag:s23], $0x1000  }
0x54: {  	[sflag:s23] =	ssyncset.done $0x0  }
0x55: {  	s30 =	sadd.s32 $0x2900, s19;
	[sflag:s23] =	ssyncadd.s32 $0xFFFFF000  }
0x56: {  	[spmem:s2] =	stream.indirect.scatter.add.f32 [tilespmem:s18], [sflag:$0x7], $0x20, s30, s14, $0xb8;
	[tilespmem:$0x13000] =	vst v63  }
0x57: {  	_ =	swait.ge [sflag:s24], $0x1000  }
0x58: {  	[sflag:s24] =	ssyncset.done $0x0  }
0x59: {  	s30 =	sadd.s32 $0x2980, s19;
	[sflag:s24] =	ssyncadd.s32 $0xFFFFF000  }
0x5a: {  	[spmem:s2] =	stream.indirect.scatter.add.f32 [tilespmem:s20], [sflag:$0x8], $0x20, s30, s14, $0xb8;
	[tilespmem:$0x13000] =	vst v63  }
0x5b: {  	_ =	swait.ge [sflag:s25], $0x1000  }
0x5c: {  	[sflag:s25] =	ssyncset.done $0x0  }
0x5d: {  	s30 =	sadd.s32 $0x200, s19;
	[sflag:s25] =	ssyncadd.s32 $0xFFFFF000  }
0x5e: {  	[tilespmem:s15], [sflag:$0x1] =	stream.indirect.gather [hbm4b:s4+s14], $0x20, s30, s14, $0xb8;
	[tilespmem:$0x13000] =	vst v63  }
0x5f: {  	_ =	swait.ge [sflag:s26], $0x1000  }
0x60: {  	[sflag:s26] =	ssyncset.done $0x0  }
0x61: {  	s30 =	sadd.s32 $0x280, s19;
	[sflag:s26] =	ssyncadd.s32 $0xFFFFF000  }
0x62: {  	[tilespmem:s16], [sflag:$0x2] =	stream.indirect.gather [hbm4b:s4+s14], $0x20, s30, s14, $0xb8;
	[tilespmem:$0x13000] =	vst v63  }
0x63: {  	_ =	swait.ge [sflag:s28], $0x1000  }
0x64: {  	[sflag:s28] =	ssyncset.done $0x0  }
.Ltmp0:
0x65: {  	s30 =	sadd.s32 $0x300, s19;
	[sflag:s28] =	ssyncadd.s32 $0xFFFFF000;
	(pc) =	sbr.rel @p0 .LBB2_2-.Ltmp0, $4  }
0x66: {  	[tilespmem:s18], [sflag:$0x3] =	stream.indirect.gather [hbm4b:s4+s14], $0x20, s30, s14, $0xb8;
	[tilespmem:$0x13000] =	vst v63  }
0x67: {  	_ =	swait.ge [sflag:s29], $0x1000  }
0x68: {  	[sflag:s29] =	ssyncset.done $0x0  }
0x69: {  	s19 =	sadd.s32 $0x380, s19;
	[sflag:s29] =	ssyncadd.s32 $0xFFFFF000  }
0x6a: {  	[tilespmem:s20], [sflag:$0x4] =	stream.indirect.gather [hbm4b:s4+s14], $0x20, s19, s14, $0xb8;
	[tilespmem:$0x13000] =	vst v63  }
0x6b: {  	_ =	swait.ge [sflag:s21], $0x1000  }
0x6c: {  	[sflag:s21] =	ssyncset.done $0x0  }
0x6d: {  	s17 =	simm.s32 $0x4E00;
	[sflag:s21] =	ssyncadd.s32 $0xFFFFF000  }
0x6e: {  	[spmem:s2] =	stream.indirect.scatter.add.f32 [tilespmem:s15], [sflag:$0x5], $0x20, s17, s14, $0xb8;
	[tilespmem:$0x13000] =	vst v63  }
0x6f: {  	_ =	swait.ge [sflag:s22], $0x1000  }
0x70: {  	[sflag:s22] =	ssyncset.done $0x0  }
0x71: {  	[sflag:s22] =	ssyncadd.s32 $0xFFFFF000  }
0x72: {  	[spmem:s2] =	stream.indirect.scatter.add.f32 [tilespmem:s16], [sflag:$0x6], $0x20, s31, s14, $0xb8;
	[tilespmem:$0x13000] =	vst v63  }
0x73: {  	_ =	swait.ge [sflag:s23], $0x1000  }
0x74: {  	[sflag:s23] =	ssyncset.done $0x0  }
0x75: {  	[sflag:s23] =	ssyncadd.s32 $0xFFFFF000  }
0x76: {  	[spmem:s2] =	stream.indirect.scatter.add.f32 [tilespmem:s18], [sflag:$0x7], $0x20, s1, s14, $0xb8;
	[tilespmem:$0x13000] =	vst v63  }
0x77: {  	_ =	swait.ge [sflag:s24], $0x1000  }
0x78: {  	[sflag:s24] =	ssyncset.done $0x0  }
0x79: {  	[sflag:s24] =	ssyncadd.s32 $0xFFFFF000  }
0x7a: {  	[spmem:s2] =	stream.indirect.scatter.add.f32 [tilespmem:s20], [sflag:$0x8], $0x20, s0, s14, $0xb8;
	[tilespmem:$0x13000] =	vst v63  }
0x7b: {  	_ =	swait.ge [sflag:s25], $0x1000  }
0x7c: {  	[sflag:s25] =	ssyncset.done $0x0  }
0x7d: {  	[sflag:s25] =	ssyncadd.s32 $0xFFFFF000  }
0x7e: {  	_ =	swait.ge [sflag:s26], $0x1000  }
0x7f: {  	[sflag:s26] =	ssyncset.done $0x0  }
0x80: {  	[sflag:s26] =	ssyncadd.s32 $0xFFFFF000  }
0x81: {  	_ =	swait.ge [sflag:s28], $0x1000  }
0x82: {  	[sflag:s28] =	ssyncset.done $0x0  }
0x83: {  	[sflag:s28] =	ssyncadd.s32 $0xFFFFF000  }
0x84: {  	_ =	swait.ge [sflag:s29], $0x1000  }
0x85: {  	[sflag:s29] =	ssyncset.done $0x0  }
0x86: {  	[sflag:s29] =	ssyncadd.s32 $0xFFFFF000  }
0x87: {  	[bflag:$0x0] =	sbarrier.arrive $0xFFFF  }
0x88: {  	[tilespmem:s11], [sflag:$0x9] =	stream.linear.gather [spmem:s6], $0x5000, $0x38;
	[tilespmem:$0x13000] =	vst v63  }
0x89: {  	s13 =	sadd.s32 $0x1, s13;
	_ =	swait.ge [sflag:s12], $0x5000  }
0x8a: {  	p0 =	sne.s32 s13, s10;
	[sflag:s12] =	ssyncset.done $0x0  }
.Ltmp1:
0x8b: {  	[sflag:s12] =	ssyncadd.s32 $0xFFFFB000;
	(pc) =	sbr.rel @p0 .LBB2_1-.Ltmp1, $4  }
0x8c: {  	[hbm4b:s9+s3] =	stream.linear.scatter [tilespmem:s11], [sflag:$0x9], $0x5000, $0x38;
	[tilespmem:$0x13000] =	vst v63  }
0x8d: {  	_ =	swait.ge [sflag:s12], $0x5000  }
0x8e: {  	[sflag:s12] =	ssyncset.done $0x0  }
0x8f: {  	[sflag:s12] =	ssyncadd.s32 $0xFFFFB000  }
0x90: {  	_ =	sfence.sel $0x180000  }
0x91: {  	[bflag:$0x0] =	sbarrier.arrive $0xFFFF  }
0x92: {  	_ =	strace $0x9000004A  }
0x93: {  	s0 =	stileid.u32;
	[bflag:$0x2] =	sbarrier.arrive $0xFFFF  }
0x94: {  	p0 =	sne.s32 s0, $0x0;
	s0 =	rddreg [dreg:$0x2]  }
0x95: {  	s0 =	sadd.s32 @!p0 $0x100000, s0  }
0x96: {  	[sflag:s0] =	ssyncadd.tile.s32 @!p0 $0x1;
	_ =	shalt  }
.Lfunc_end2:
_tile_overlayer_lowered:
.L_overlay_start_2:
0x97: {  	(tag) =	ssettag $0x2  }
0x98: {  	s0 =	rddreg [dreg:$0x0];
	s2 =	stileid.u32  }
0x99: {  	s1 =	rddreg [dreg:$0x1];
	p0 =	sne.s32 s2, $0x0  }
0x9a: {  	s3 =	rddreg [dreg:$0x2];
	[bflag:$0x3] =	sbarrier.arrive $0xFFFF;
	s2 =	simm.s32 @!p0 $0x1C09  }
0x9b: {  	[timem:s3], [sflag:s2] =	dma.local @!p0 [hbm:s0], s1  }
0x9c: {  	s0 =	simm.s32 @!p0 $0x9  }
0x9d: {  	_ =	swait.ge @!p0 [sflag:s0], s1  }
0x9e: {  	s1 =	ssub.s32 @!p0 $0x0, s1;
	[sflag:s0] =	ssyncset.done @!p0 $0x0  }
0x9f: {  	[sflag:s0] =	ssyncadd.s32 @!p0 s1  }
0xa0: {  	[bflag:$0x3] =	sbarrier.arrive $0xFFFF  }
0xa1: {  	_ =	shalt  }

// kernel: kernel.15.cloned.1.call-start
scs
__scs_entry_jumppad:
0x0: {  	(pc) =	sbr.rel $0x88, $3  }
0x1: {  	(tag) =	ssettag $0x0;
	lr =	simm.s32 $0x1  }
0x2: {  	[smem:$0x3F9B] =	sst lr;
	_ =	strace $0xD0000000  }
0x3: {  	_ = 	snop  }
0x4: {  	_ = 	snop  }
0x5: {  	_ = 	snop  }
0x6: {  	_ = 	snop  }
0x7: {  	_ = 	snop  }
__scs_overlays_trampoline_lowered:
0x8: {  	[smem:$0x3FAA] =	sst s0  }
0x9: {  	[smem:$0x3FAB] =	sst s1  }
0xa: {  	[smem:$0x3FAC] =	sst s2  }
0xb: {  	[smem:$0x3FAD] =	sst s3  }
0xc: {  	[smem:$0x3FAE] =	sst s4  }
0xd: {  	[smem:$0x3FAF] =	sst s5  }
0xe: {  	[smem:$0x3FB0] =	sst s6  }
0xf: {  	[smem:$0x3FB1] =	sst s7  }
0x10: {  	[smem:$0x3FB2] =	sst s8  }
0x11: {  	[smem:$0x3FB3] =	sst s9;
	s0 =	simm.s32 @!p0 $0x0  }
0x12: {  	s1 =	sld [smem:$0x3F99];
	s0 =	simm.s32 @p0 $0x1  }
0x13: {  	[smem:$0x3FB4] =	sst s0;
	s0 =	simm.s32 @!p1 $0x0  }
0x14: {  	s2 =	sld [smem:$0x3F98];
	s0 =	simm.s32 @p1 $0x1  }
0x15: {  	[smem:$0x3FB5] =	sst s0;
	s0 =	simm.s32 @!p2 $0x0  }
0x16: {  	s3 =	sld [smem:$0x3FDB];
	s0 =	simm.s32 @p2 $0x1  }
0x17: {  	s4 =	simm.s32 $0x1BF5;
	[smem:$0x3FB7] =	sst s0  }
0x18: {  	s0 =	sld [smem:$0x3F9A];
	_ =	swait.ge [sflag:s4], $0x0  }
0x19: {  	s7 =	sld [smem:$0x3F9B]  }
0x1a: {  	s8 =	sadd.s32 $0xFFFFE003, lr  }
0x1b: {  	s9 =	sadd.s32 $0xFFFFFEF7, lr;
	s5 =	simm.s32 $0xFFFFFFFF;
	p2 =	slt.u32 s8, $0xFFFFF086  }
0x1c: {  	p1 =	slt.u32 s9, $0xF7A;
	s5 =	simm.s32 @!p2 $0x0  }
0x1d: {  	s5 =	simm.s32 @p1 $0x1;
	p0 =	seq.s32 s7, s2  }
0x1e: {  	s7 =	smul.u32 @!p0 $0xF7A, s2;
	p2 =	seq.s32 @!p0 s5, $0x0  }
0x1f: {  	s9 =	smul.u32 $0xF7A, s1;
	s8 =	simm.s32 @!p0 $0x1BF5;
	p2 =	por !p2, p0  }
0x20: {  	[sflag:s8] =	ssyncset.s32 @!p0 $0xFFFFF086;
	s6 =	sadd.s32 @!p0 s3, s7;
	s7 =	simm.s32 @!p0 $0x108  }
0x21: {  	s3 =	sadd.s32 s3, s9;
	s6 =	sadd.s32 @!p0 $0x88, s6;
	s7 =	simm.s32 @p2 $0x1082  }
0x22: {  	[simem:s7], [sflag:s8] =	dma.local @!p0 [hbm:s6], $0xF7A  }
0x23: {  	s9 =	sor.u32 $0xD0000000, s2;
	s6 =	simm.s32 $0x108;
	_ =	swait.ge @!p0 [sflag:s8], $0x0  }
0x24: {  	s3 =	sadd.s32 $0x88, s3;
	s6 =	simm.s32 @!p1 $0x1082;
	[sflag:s4] =	ssyncset.s32 $0xFFFFF086  }
0x25: {  	[simem:s6], [sflag:s4] =	dma.local [hbm:s3], $0xF7A  }
0x26: {  	[smem:$0x3F9B] =	sst s1;
	(tag) =	ssettag s2;
	_ =	strace s9  }
0x27: {  	s1 =	sld [smem:$0x3FAB]  }
0x28: {  	s2 =	sld [smem:$0x3FAC]  }
0x29: {  	s4 =	sld [smem:$0x3FAE]  }
0x2a: {  	p0 =	seq.s32 s5, $0x0;
	s5 =	sld [smem:$0x3FAF]  }
0x2b: {  	s6 =	sld [smem:$0x3FB0]  }
0x2c: {  	s7 =	sld [smem:$0x3FB1]  }
0x2d: {  	s3 =	simm.s32 $0x108;
	s8 =	sld [smem:$0x3FB2]  }
0x2e: {  	s3 =	simm.s32 @!p0 $0x1082;
	s9 =	sld [smem:$0x3FB3]  }
0x2f: {  	lr =	sadd.s32 s0, s3;
	s0 =	sld [smem:$0x3FAA]  }
0x30: {  	s3 =	sld [smem:$0x3FAD]  }
0x31: {  	[smem:$0x3FB6] =	sst s10  }
0x32: {  	s10 =	sld [smem:$0x3FB4];
	_ =	sdelay $0x3  }
0x33: {  	p0 =	seq.s32 s10, $0x1;
	s10 =	sld [smem:$0x3FB6];
	_ =	sdelay $0x3  }
0x34: {  	[smem:$0x3FB6] =	sst s10  }
0x35: {  	s10 =	sld [smem:$0x3FB5];
	_ =	sdelay $0x3  }
0x36: {  	p1 =	seq.s32 s10, $0x1;
	s10 =	sld [smem:$0x3FB6];
	_ =	sdelay $0x3  }
0x37: {  	[smem:$0x3FB6] =	sst s10  }
0x38: {  	s10 =	sld [smem:$0x3FB7]  }
0x39: {  	_ = 	snop;
	(pc) =	sbr.ind lr, $3  }
0x3a: {  	_ = 	snop  }
0x3b: {  	_ = 	snop  }
0x3c: {  	p2 =	seq.s32 s10, $0x1;
	s10 =	sld [smem:$0x3FB6]  }
0x3d: {  	_ =	shalt  }
0x3e: {  	_ =	shalt  }
0x3f: {  	_ =	shalt  }
0x40: {  	_ =	shalt  }
0x41: {  	_ =	shalt  }
0x42: {  	_ =	shalt  }
0x43: {  	_ =	shalt  }
0x44: {  	_ =	shalt  }
0x45: {  	_ =	shalt  }
0x46: {  	_ =	shalt  }
0x47: {  	_ =	shalt  }
0x48: {  	_ =	shalt  }
0x49: {  	_ =	shalt  }
0x4a: {  	_ =	shalt  }
0x4b: {  	_ =	shalt  }
0x4c: {  	_ =	shalt  }
0x4d: {  	_ =	shalt  }
0x4e: {  	_ =	shalt  }
0x4f: {  	_ =	shalt  }
0x50: {  	_ =	shalt  }
0x51: {  	_ =	shalt  }
0x52: {  	_ =	shalt  }
0x53: {  	_ =	shalt  }
0x54: {  	_ =	shalt  }
0x55: {  	_ =	shalt  }
0x56: {  	_ =	shalt  }
0x57: {  	_ =	shalt  }
0x58: {  	_ =	shalt  }
0x59: {  	_ =	shalt  }
0x5a: {  	_ =	shalt  }
0x5b: {  	_ =	shalt  }
0x5c: {  	_ =	shalt  }
0x5d: {  	_ =	shalt  }
0x5e: {  	_ =	shalt  }
0x5f: {  	_ =	shalt  }
0x60: {  	_ =	shalt  }
0x61: {  	_ =	shalt  }
0x62: {  	_ =	shalt  }
0x63: {  	_ =	shalt  }
0x64: {  	_ =	shalt  }
0x65: {  	_ =	shalt  }
0x66: {  	_ =	shalt  }
0x67: {  	_ =	shalt  }
0x68: {  	_ =	shalt  }
0x69: {  	_ =	shalt  }
0x6a: {  	_ =	shalt  }
0x6b: {  	_ =	shalt  }
0x6c: {  	_ =	shalt  }
0x6d: {  	_ =	shalt  }
0x6e: {  	_ =	shalt  }
0x6f: {  	_ =	shalt  }
0x70: {  	_ =	shalt  }
0x71: {  	_ =	shalt  }
0x72: {  	_ =	shalt  }
0x73: {  	_ =	shalt  }
0x74: {  	_ =	shalt  }
0x75: {  	_ =	shalt  }
0x76: {  	_ =	shalt  }
0x77: {  	_ =	shalt  }
0x78: {  	_ =	shalt  }
0x79: {  	_ =	shalt  }
0x7a: {  	_ =	shalt  }
0x7b: {  	_ =	shalt  }
0x7c: {  	_ =	shalt  }
0x7d: {  	_ =	shalt  }
0x7e: {  	_ =	shalt  }
0x7f: {  	_ =	shalt  }
0x80: {  	_ =	shalt  }
0x81: {  	_ =	shalt  }
0x82: {  	_ =	shalt  }
0x83: {  	_ =	shalt  }
0x84: {  	_ =	shalt  }
0x85: {  	_ =	shalt  }
0x86: {  	_ =	shalt  }
0x87: {  	_ =	shalt  }
.Lfunc_end0:
.L_simem_size_0:
called_computation.2_lowered:
.L_overlay_start_0:
0x88: {  	s2 =	sld [smem:$0x3FD9]  }
0x89: {  	s3 =	sld [smem:$0x3FFE];
	_ =	sdelay $0x1  }
0x8a: {  	s1 =	srdreg.scid  }
0x8b: {  	s0 =	sand.u32 $0x1, s1  }
0x8c: {  	s16 =	sshll.u32 s0, $0xA;
	s2 =	sadd.s32 s3, s2  }
0x8d: {  	s2 =	sadd.s32 s2, s16  }
0x8e: {  	[smem:$0x3FC2] =	sst s2  }
0x8f: {  	_ = 	snop  }
0x90: {  	(tm) =	ssettm $0x1  }
0x91: {  	s17 =	sld [smem:$0x3FFB];
	_ =	sdelay $0x3  }
0x92: {  	_ =	strace s17  }
0x93: {  	s2 =	sld [smem:$0x3FFC];
	_ =	sdelay $0x3  }
0x94: {  	_ =	strace s2  }
0x95: {  	s2 =	sld [smem:$0x3FFD];
	_ =	sdelay $0x3  }
0x96: {  	_ =	strace s2  }
0x97: {  	_ =	strace $0x8FFFFFFF  }
0x98: {  	s18 =	sld [smem:$0x3FDB];
	_ =	sdelay $0x1  }
0x99: {  	s19 =	simm.s32 $_scs_section_size  }
0x9a: {  	s4 =	simm.s32 $_size__tile_overlayer_lowered;
	s5 =	simm.s32 $_tile_overlayer_lowered  }
0x9b: {  	s22 =	simm.s32 $0x1BFF;
	s21 =	sshll.u32 s5, $0x1;
	s2 =	sadd.s32 s19, s18  }
0x9c: {  	s6 =	simm.s32 $0x0;
	s20 =	sshll.u32 s4, $0x1;
	s4 =	sadd.s32 s21, s2  }
0x9d: {  	[timem:s6], [sflag:s22] =	dma.local [hbm:s4], s20  }
0x9e: {  	_ =	swait.ge [sflag:s22], s20  }
0x9f: {  	s3 =	ssub.s32 $0x0, s20;
	[sflag:s22] =	ssyncset.done $0x0  }
0xa0: {  	[sflag:s22] =	ssyncadd.s32 s3;
	_ =	sdelay $0x1  }
0xa1: {  	s23 =	simm.s32 $0x1B8B  }
0xa2: {  	_ =	swait.ge [sflag:s23], $0x1  }
0xa3: {  	[sflag:s23] =	ssyncset.done $0x0  }
0xa4: {  	s25 =	simm.s32 $0x1B8E;
	s24 =	sld [smem:$0x3FFE];
	[sflag:s23] =	ssyncadd.s32 $0xFFFFFFFF  }
0xa5: {  	s26 =	simm.s32 $execute0_lowered;
	[smem:$0x3FD2] =	sst s25  }
0xa6: {  	s4 =	sshll.u32 s26, $0x1;
	_ =	strace $0x8000004C;
	[dreg:$0x1] =	wrdreg $0xFFFFFFFF  }
0xa7: {  	s28 =	simm.s32 $_size_execute0_lowered;
	s2 =	sadd.s32 s2, s4;
	[dreg:$0x0] =	wrdreg $0x0  }
0xa8: {  	s4 =	sshll.u32 s28, $0x1;
	[dreg:$0x2] =	wrdreg s2  }
0xa9: {  	[dreg:$0x3] =	wrdreg s4  }
0xaa: {  	[dreg:$0x4] =	wrdreg $0xC0  }
0xab: {  	_ =	task [dreg:s6], $0x5FFFF  }
0xac: {  	[dreg:$0x1] =	wrdreg $0xFFFFFFFF  }
0xad: {  	[dreg:$0x0] =	wrdreg $0x60  }
0xae: {  	[dreg:$0x2] =	wrdreg s24  }
0xaf: {  	[dreg:$0x3] =	wrdreg $0xE0000  }
0xb0: {  	[dreg:$0x4] =	wrdreg $0x9  }
0xb1: {  	_ =	task.clear_ibuf [dreg:s6], $0x5FFFF;
	_ =	strace $0x9000004C  }
0xb2: {  	s29 =	simm.s32 $0x9;
	_ =	strace $0x8000004E  }
0xb3: {  	_ =	swait.ge [sflag:s29], $0x1  }
0xb4: {  	[sflag:s29] =	ssyncadd.s32 $0xFFFFFFFF  }
0xb5: {  	_ =	strace $0x9000004E  }
0xb6: {  	_ =	sfence  }
0xb7: {  	s30 =	sld [smem:$0x0];
	_ =	sdelay $0x2  }
0xb8: {  	s31 =	sshll.u32 s1, $0xD;
	s1 =	sshrl.u32 s1, $0x2  }
0xb9: {  	s3 =	sand.u32 $0x4000, s31;
	s1 =	sadd.s32 s1, s30  }
0xba: {  	s0 =	sor.u32 s3, s0;
	s1 =	sshll.u32 s1, $0x11  }
0xbb: {  	s0 =	sor.u32 s1, s0  }
0xbc: {  	s0 =	sadd.s32 $0x8F2B, s0  }
0xbd: {  	[sflag:s0] =	ssyncadd.remote.s32 $0x1  }
0xbe: {  	_ =	sfence.sel $0xFFFF  }
0xbf: {  	[dreg:$0x0] =	wrdreg $0xFFFFFFFF;
	(pc) =	sbr.abs _section_cstart, $3  }
0xc0: {  	[dreg:$0x1] =	wrdreg $0xFFFFFFFF  }
0xc1: {  	_ =	task.clear_ibuf [dreg:s6], $0x2FFFF;
	_ =	strace $0x9FFFFFFF  }
0xc2: {  	(tm) =	ssettm $0x7FFFFFFF  }
0xc3: {  	_ =	shalt  }
tec
execute0_lowered:
.L_overlay_start_1:
0x0: {  	(tag) =	ssettag $0x1  }
0x1: {  	s0 =	srdreg.scid  }
0x2: {  	s4 =	stileid.u32;
	s5 =	rddreg [dreg:$0x0]  }
0x3: {  	s2 =	rddreg [dreg:$0x1];
	s3 =	simm.s32 $0x0;
	s11 =	simm.s32 $0x9000  }
0x4: {  	s12 =	simm.s32 $0x9;
	s14 =	simm.s32 $0x80;
	s15 =	simm.s32 $0x5000  }
0x5: {  	s16 =	simm.s32 $0x6000;
	s18 =	simm.s32 $0x7000;
	s20 =	simm.s32 $0x8000  }
0x6: {  	s21 =	simm.s32 $0x1;
	s22 =	simm.s32 $0x2;
	s23 =	simm.s32 $0x3  }
0x7: {  	s24 =	simm.s32 $0x4;
	s25 =	simm.s32 $0x5;
	s26 =	simm.s32 $0x6  }
0x8: {  	s28 =	simm.s32 $0x7;
	s29 =	simm.s32 $0x8;
	s31 =	simm.s32 $0x4E80  }
0x9: {  	s13 =	simm.s32 $0x0;
	s0 =	sand.u32 $0x1, s0;
	s6 =	smul.u32 $0x5000, s4  }
0xa: {  	[smem:$0x7FF] =	sst s3;
	s1 =	sshll.u32 s0, $0x4;
	s7 =	smul.u32 $0x50000, s0  }
0xb: {  	_ =	strace $0x8000004D;
	s0 =	ssub.s32 $0x2, s0;
	s1 =	sor.u32 s4, s1  }
0xc: {  	s4 =	sadd.s32 $0x15C00, s5;
	s8 =	sshrl.u32 s6, $0x3;
	s30 =	sshrl.u32 s0, $0x1  }
0xd: {  	s1 =	smul.u32 $0x500, s1;
	s7 =	sadd.s32 s6, s7;
	s8 =	sadd.s32 s8, s5  }
0xe: {  	s0 =	ssub.s32 s0, s30;
	s6 =	sadd.s32 s6, s2;
	s7 =	sshrl.u32 s7, $0x3  }
0xf: {  	s10 =	smax.u32 s0, $0x1;
	s0 =	simm.s32 $0x4F80;
	s1 =	sadd.s32 s1, s5  }
0x10: {  	s9 =	sadd.s32 s7, s5;
	s5 =	sadd.s32 $0x46C00, s8;
	s7 =	sadd.s32 $0xBC00, s1  }
0x11: {  	s8 =	sadd.s32 $0x1C00, s1;
	s9 =	sadd.s32 $0x1FA00, s9;
	s1 =	simm.s32 $0x4F00  }
.LBB2_1:
0x12: {  	[tilespmem:s11], [sflag:$0x9] =	stream.linear.gather [hbm4b:s5+s3], $0x5000, $0x38;
	[tilespmem:$0x13000] =	vst v63  }
0x13: {  	_ =	swait.ge [sflag:s12], $0x5000  }
0x14: {  	[sflag:s12] =	ssyncset.done $0x0  }
0x15: {  	[sflag:s12] =	ssyncadd.s32 $0xFFFFB000  }
0x16: {  	[spmem:s6] =	stream.linear.scatter [tilespmem:s11], [sflag:$0x9], $0x5000, $0x38;
	[tilespmem:$0x13000] =	vst v63  }
0x17: {  	_ =	swait.ge [sflag:s12], $0x5000  }
0x18: {  	[sflag:s12] =	ssyncset.done $0x0  }
0x19: {  	[sflag:s12] =	ssyncadd.s32 $0xFFFFB000  }
0x1a: {  	[tilespmem:s3], [sflag:$0x9] =	stream.linear.gather [hbm4b:s7+s3], $0x2800, $0x38;
	[tilespmem:$0x13000] =	vst v63  }
0x1b: {  	_ =	swait.ge [sflag:s12], $0x2800  }
0x1c: {  	[sflag:s12] =	ssyncset.done $0x0  }
0x1d: {  	s17 =	simm.s32 $0x2800;
	[sflag:s12] =	ssyncadd.s32 $0xFFFFD800  }
0x1e: {  	[tilespmem:s17], [sflag:$0x9] =	stream.linear.gather [hbm4b:s8+s3], $0x2800, $0x38;
	[tilespmem:$0x13000] =	vst v63  }
0x1f: {  	_ =	swait.ge [sflag:s12], $0x2800  }
0x20: {  	[sflag:s12] =	ssyncset.done $0x0  }
0x21: {  	[sflag:s12] =	ssyncadd.s32 $0xFFFFD800  }
0x22: {  	[bflag:$0x0] =	sbarrier.arrive $0xFFFF  }
0x23: {  	[tilespmem:s15], [sflag:$0x1] =	stream.indirect.gather [hbm4b:s4+s14], $0x20, s3, s14, $0xb8;
	[tilespmem:$0x13000] =	vst v63  }
0x24: {  	_ = 	snop  }
0x25: {  	[tilespmem:s16], [sflag:$0x2] =	stream.indirect.gather [hbm4b:s4+s14], $0x20, s14, s14, $0xb8;
	[tilespmem:$0x13000] =	vst v63  }
0x26: {  	s30 =	simm.s32 $0x100  }
0x27: {  	[tilespmem:s18], [sflag:$0x3] =	stream.indirect.gather [hbm4b:s4+s14], $0x20, s30, s14, $0xb8;
	[tilespmem:$0x13000] =	vst v63  }
0x28: {  	s19 =	simm.s32 $0x180  }
0x29: {  	[tilespmem:s20], [sflag:$0x4] =	stream.indirect.gather [hbm4b:s4+s14], $0x20, s19, s14, $0xb8;
	[tilespmem:$0x13000] =	vst v63  }
0x2a: {  	_ =	swait.ge [sflag:s21], $0x1000  }
0x2b: {  	[sflag:s21] =	ssyncset.done $0x0  }
0x2c: {  	s30 =	simm.s32 $0x2800;
	[sflag:s21] =	ssyncadd.s32 $0xFFFFF000  }
0x2d: {  	[spmem:s2] =	stream.indirect.scatter.add.f32 [tilespmem:s15], [sflag:$0x5], $0x20, s30, s14, $0xb8;
	[tilespmem:$0x13000] =	vst v63  }
0x2e: {  	_ =	swait.ge [sflag:s22], $0x1000  }
0x2f: {  	[sflag:s22] =	ssyncset.done $0x0  }
0x30: {  	s19 =	simm.s32 $0x2880;
	[sflag:s22] =	ssyncadd.s32 $0xFFFFF000  }
0x31: {  	[spmem:s2] =	stream.indirect.scatter.add.f32 [tilespmem:s16], [sflag:$0x6], $0x20, s19, s14, $0xb8;
	[tilespmem:$0x13000] =	vst v63  }
0x32: {  	_ =	swait.ge [sflag:s23], $0x1000  }
0x33: {  	[sflag:s23] =	ssyncset.done $0x0  }
0x34: {  	s30 =	simm.s32 $0x2900;
	[sflag:s23] =	ssyncadd.s32 $0xFFFFF000  }
0x35: {  	[spmem:s2] =	stream.indirect.scatter.add.f32 [tilespmem:s18], [sflag:$0x7], $0x20, s30, s14, $0xb8;
	[tilespmem:$0x13000] =	vst v63  }
0x36: {  	_ =	swait.ge [sflag:s24], $0x1000  }
0x37: {  	[sflag:s24] =	ssyncset.done $0x0  }
0x38: {  	s19 =	simm.s32 $0x2980;
	[sflag:s24] =	ssyncadd.s32 $0xFFFFF000  }
0x39: {  	[spmem:s2] =	stream.indirect.scatter.add.f32 [tilespmem:s20], [sflag:$0x8], $0x20, s19, s14, $0xb8;
	[tilespmem:$0x13000] =	vst v63  }
0x3a: {  	_ =	swait.ge [sflag:s25], $0x1000  }
0x3b: {  	[sflag:s25] =	ssyncset.done $0x0  }
0x3c: {  	s30 =	simm.s32 $0x200;
	[sflag:s25] =	ssyncadd.s32 $0xFFFFF000  }
0x3d: {  	[tilespmem:s15], [sflag:$0x1] =	stream.indirect.gather [hbm4b:s4+s14], $0x20, s30, s14, $0xb8;
	[tilespmem:$0x13000] =	vst v63  }
0x3e: {  	_ =	swait.ge [sflag:s26], $0x1000  }
0x3f: {  	[sflag:s26] =	ssyncset.done $0x0  }
0x40: {  	s19 =	simm.s32 $0x280;
	[sflag:s26] =	ssyncadd.s32 $0xFFFFF000  }
0x41: {  	[tilespmem:s16], [sflag:$0x2] =	stream.indirect.gather [hbm4b:s4+s14], $0x20, s19, s14, $0xb8;
	[tilespmem:$0x13000] =	vst v63  }
0x42: {  	_ =	swait.ge [sflag:s28], $0x1000  }
0x43: {  	[sflag:s28] =	ssyncset.done $0x0  }
0x44: {  	s30 =	simm.s32 $0x300;
	[sflag:s28] =	ssyncadd.s32 $0xFFFFF000  }
0x45: {  	[tilespmem:s18], [sflag:$0x3] =	stream.indirect.gather [hbm4b:s4+s14], $0x20, s30, s14, $0xb8;
	[tilespmem:$0x13000] =	vst v63  }
0x46: {  	_ =	swait.ge [sflag:s29], $0x1000  }
0x47: {  	[sflag:s29] =	ssyncset.done $0x0  }
0x48: {  	s17 =	simm.s32 $0x800;
	s19 =	simm.s32 $0x380;
	[sflag:s29] =	ssyncadd.s32 $0xFFFFF000  }
.LBB2_2:
0x49: {  	[tilespmem:s20], [sflag:$0x4] =	stream.indirect.gather [hbm4b:s4+s14], $0x20, s19, s14, $0xb8;
	[tilespmem:$0x13000] =	vst v63  }
0x4a: {  	s19 =	smov.u32 s17  }
0x4b: {  	p0 =	sne.s32 s17, $0x9000;
	s17 =	sadd.s32 $0x800, s17;
	_ =	swait.ge [sflag:s21], $0x1000  }
0x4c: {  	s19 =	sshra.s32 s19, $0x2;
	[sflag:s21] =	ssyncset.done $0x0  }
0x4d: {  	s30 =	sadd.s32 $0x2800, s19;
	[sflag:s21] =	ssyncadd.s32 $0xFFFFF000  }
0x4e: {  	[spmem:s2] =	stream.indirect.scatter.add.f32 [tilespmem:s15], [sflag:$0x5], $0x20, s30, s14, $0xb8;
	[tilespmem:$0x13000] =	vst v63  }
0x4f: {  	_ =	swait.ge [sflag:s22], $0x1000  }
0x50: {  	[sflag:s22] =	ssyncset.done $0x0  }
0x51: {  	s30 =	sadd.s32 $0x2880, s19;
	[sflag:s22] =	ssyncadd.s32 $0xFFFFF000  }
0x52: {  	[spmem:s2] =	stream.indirect.scatter.add.f32 [tilespmem:s16], [sflag:$0x6], $0x20, s30, s14, $0xb8;
	[tilespmem:$0x13000] =	vst v63  }
0x53: {  	_ =	swait.ge [sflag:s23], $0x1000  }
0x54: {  	[sflag:s23] =	ssyncset.done $0x0  }
0x55: {  	s30 =	sadd.s32 $0x2900, s19;
	[sflag:s23] =	ssyncadd.s32 $0xFFFFF000  }
0x56: {  	[spmem:s2] =	stream.indirect.scatter.add.f32 [tilespmem:s18], [sflag:$0x7], $0x20, s30, s14, $0xb8;
	[tilespmem:$0x13000] =	vst v63  }
0x57: {  	_ =	swait.ge [sflag:s24], $0x1000  }
0x58: {  	[sflag:s24] =	ssyncset.done $0x0  }
0x59: {  	s30 =	sadd.s32 $0x2980, s19;
	[sflag:s24] =	ssyncadd.s32 $0xFFFFF000  }
0x5a: {  	[spmem:s2] =	stream.indirect.scatter.add.f32 [tilespmem:s20], [sflag:$0x8], $0x20, s30, s14, $0xb8;
	[tilespmem:$0x13000] =	vst v63  }
0x5b: {  	_ =	swait.ge [sflag:s25], $0x1000  }
0x5c: {  	[sflag:s25] =	ssyncset.done $0x0  }
0x5d: {  	s30 =	sadd.s32 $0x200, s19;
	[sflag:s25] =	ssyncadd.s32 $0xFFFFF000  }
0x5e: {  	[tilespmem:s15], [sflag:$0x1] =	stream.indirect.gather [hbm4b:s4+s14], $0x20, s30, s14, $0xb8;
	[tilespmem:$0x13000] =	vst v63  }
0x5f: {  	_ =	swait.ge [sflag:s26], $0x1000  }
0x60: {  	[sflag:s26] =	ssyncset.done $0x0  }
0x61: {  	s30 =	sadd.s32 $0x280, s19;
	[sflag:s26] =	ssyncadd.s32 $0xFFFFF000  }
0x62: {  	[tilespmem:s16], [sflag:$0x2] =	stream.indirect.gather [hbm4b:s4+s14], $0x20, s30, s14, $0xb8;
	[tilespmem:$0x13000] =	vst v63  }
0x63: {  	_ =	swait.ge [sflag:s28], $0x1000  }
0x64: {  	[sflag:s28] =	ssyncset.done $0x0  }
.Ltmp0:
0x65: {  	s30 =	sadd.s32 $0x300, s19;
	[sflag:s28] =	ssyncadd.s32 $0xFFFFF000;
	(pc) =	sbr.rel @p0 .LBB2_2-.Ltmp0, $4  }
0x66: {  	[tilespmem:s18], [sflag:$0x3] =	stream.indirect.gather [hbm4b:s4+s14], $0x20, s30, s14, $0xb8;
	[tilespmem:$0x13000] =	vst v63  }
0x67: {  	_ =	swait.ge [sflag:s29], $0x1000  }
0x68: {  	[sflag:s29] =	ssyncset.done $0x0  }
0x69: {  	s19 =	sadd.s32 $0x380, s19;
	[sflag:s29] =	ssyncadd.s32 $0xFFFFF000  }
0x6a: {  	[tilespmem:s20], [sflag:$0x4] =	stream.indirect.gather [hbm4b:s4+s14], $0x20, s19, s14, $0xb8;
	[tilespmem:$0x13000] =	vst v63  }
0x6b: {  	_ =	swait.ge [sflag:s21], $0x1000  }
0x6c: {  	[sflag:s21] =	ssyncset.done $0x0  }
0x6d: {  	s17 =	simm.s32 $0x4E00;
	[sflag:s21] =	ssyncadd.s32 $0xFFFFF000  }
0x6e: {  	[spmem:s2] =	stream.indirect.scatter.add.f32 [tilespmem:s15], [sflag:$0x5], $0x20, s17, s14, $0xb8;
	[tilespmem:$0x13000] =	vst v63  }
0x6f: {  	_ =	swait.ge [sflag:s22], $0x1000  }
0x70: {  	[sflag:s22] =	ssyncset.done $0x0  }
0x71: {  	[sflag:s22] =	ssyncadd.s32 $0xFFFFF000  }
0x72: {  	[spmem:s2] =	stream.indirect.scatter.add.f32 [tilespmem:s16], [sflag:$0x6], $0x20, s31, s14, $0xb8;
	[tilespmem:$0x13000] =	vst v63  }
0x73: {  	_ =	swait.ge [sflag:s23], $0x1000  }
0x74: {  	[sflag:s23] =	ssyncset.done $0x0  }
0x75: {  	[sflag:s23] =	ssyncadd.s32 $0xFFFFF000  }
0x76: {  	[spmem:s2] =	stream.indirect.scatter.add.f32 [tilespmem:s18], [sflag:$0x7], $0x20, s1, s14, $0xb8;
	[tilespmem:$0x13000] =	vst v63  }
0x77: {  	_ =	swait.ge [sflag:s24], $0x1000  }
0x78: {  	[sflag:s24] =	ssyncset.done $0x0  }
0x79: {  	[sflag:s24] =	ssyncadd.s32 $0xFFFFF000  }
0x7a: {  	[spmem:s2] =	stream.indirect.scatter.add.f32 [tilespmem:s20], [sflag:$0x8], $0x20, s0, s14, $0xb8;
	[tilespmem:$0x13000] =	vst v63  }
0x7b: {  	_ =	swait.ge [sflag:s25], $0x1000  }
0x7c: {  	[sflag:s25] =	ssyncset.done $0x0  }
0x7d: {  	[sflag:s25] =	ssyncadd.s32 $0xFFFFF000  }
0x7e: {  	_ =	swait.ge [sflag:s26], $0x1000  }
0x7f: {  	[sflag:s26] =	ssyncset.done $0x0  }
0x80: {  	[sflag:s26] =	ssyncadd.s32 $0xFFFFF000  }
0x81: {  	_ =	swait.ge [sflag:s28], $0x1000  }
0x82: {  	[sflag:s28] =	ssyncset.done $0x0  }
0x83: {  	[sflag:s28] =	ssyncadd.s32 $0xFFFFF000  }
0x84: {  	_ =	swait.ge [sflag:s29], $0x1000  }
0x85: {  	[sflag:s29] =	ssyncset.done $0x0  }
0x86: {  	[sflag:s29] =	ssyncadd.s32 $0xFFFFF000  }
0x87: {  	[bflag:$0x0] =	sbarrier.arrive $0xFFFF  }
0x88: {  	[tilespmem:s11], [sflag:$0x9] =	stream.linear.gather [spmem:s6], $0x5000, $0x38;
	[tilespmem:$0x13000] =	vst v63  }
0x89: {  	s13 =	sadd.s32 $0x1, s13;
	_ =	swait.ge [sflag:s12], $0x5000  }
0x8a: {  	p0 =	sne.s32 s13, s10;
	[sflag:s12] =	ssyncset.done $0x0  }
.Ltmp1:
0x8b: {  	[sflag:s12] =	ssyncadd.s32 $0xFFFFB000;
	(pc) =	sbr.rel @p0 .LBB2_1-.Ltmp1, $4  }
0x8c: {  	[hbm4b:s9+s3] =	stream.linear.scatter [tilespmem:s11], [sflag:$0x9], $0x5000, $0x38;
	[tilespmem:$0x13000] =	vst v63  }
0x8d: {  	_ =	swait.ge [sflag:s12], $0x5000  }
0x8e: {  	[sflag:s12] =	ssyncset.done $0x0  }
0x8f: {  	[sflag:s12] =	ssyncadd.s32 $0xFFFFB000  }
0x90: {  	_ =	sfence.sel $0x180000  }
0x91: {  	[bflag:$0x0] =	sbarrier.arrive $0xFFFF  }
0x92: {  	_ =	strace $0x9000004D  }
0x93: {  	s0 =	stileid.u32;
	[bflag:$0x2] =	sbarrier.arrive $0xFFFF  }
0x94: {  	p0 =	sne.s32 s0, $0x0;
	s0 =	rddreg [dreg:$0x2]  }
0x95: {  	s0 =	sadd.s32 @!p0 $0x100000, s0  }
0x96: {  	[sflag:s0] =	ssyncadd.tile.s32 @!p0 $0x1;
	_ =	shalt  }
.Lfunc_end2:
_tile_overlayer_lowered:
.L_overlay_start_2:
0x97: {  	(tag) =	ssettag $0x2  }
0x98: {  	s0 =	rddreg [dreg:$0x0];
	s2 =	stileid.u32  }
0x99: {  	s1 =	rddreg [dreg:$0x1];
	p0 =	sne.s32 s2, $0x0  }
0x9a: {  	s3 =	rddreg [dreg:$0x2];
	[bflag:$0x3] =	sbarrier.arrive $0xFFFF;
	s2 =	simm.s32 @!p0 $0x1C09  }
0x9b: {  	[timem:s3], [sflag:s2] =	dma.local @!p0 [hbm:s0], s1  }
0x9c: {  	s0 =	simm.s32 @!p0 $0x9  }
0x9d: {  	_ =	swait.ge @!p0 [sflag:s0], s1  }
0x9e: {  	s1 =	ssub.s32 @!p0 $0x0, s1;
	[sflag:s0] =	ssyncset.done @!p0 $0x0  }
0x9f: {  	[sflag:s0] =	ssyncadd.s32 @!p0 s1  }
0xa0: {  	[bflag:$0x3] =	sbarrier.arrive $0xFFFF  }
0xa1: {  	_ =	shalt  }

// kernel: kernel.9.cloned.1.call-start
scs
__scs_entry_jumppad:
0x0: {  	(pc) =	sbr.rel $0x88, $3  }
0x1: {  	(tag) =	ssettag $0x0;
	lr =	simm.s32 $0x1  }
0x2: {  	[smem:$0x3F9B] =	sst lr;
	_ =	strace $0xD0000000  }
0x3: {  	_ = 	snop  }
0x4: {  	_ = 	snop  }
0x5: {  	_ = 	snop  }
0x6: {  	_ = 	snop  }
0x7: {  	_ = 	snop  }
__scs_overlays_trampoline_lowered:
0x8: {  	[smem:$0x3FAA] =	sst s0  }
0x9: {  	[smem:$0x3FAB] =	sst s1  }
0xa: {  	[smem:$0x3FAC] =	sst s2  }
0xb: {  	[smem:$0x3FAD] =	sst s3  }
0xc: {  	[smem:$0x3FAE] =	sst s4  }
0xd: {  	[smem:$0x3FAF] =	sst s5  }
0xe: {  	[smem:$0x3FB0] =	sst s6  }
0xf: {  	[smem:$0x3FB1] =	sst s7  }
0x10: {  	[smem:$0x3FB2] =	sst s8  }
0x11: {  	[smem:$0x3FB3] =	sst s9;
	s0 =	simm.s32 @!p0 $0x0  }
0x12: {  	s1 =	sld [smem:$0x3F99];
	s0 =	simm.s32 @p0 $0x1  }
0x13: {  	[smem:$0x3FB4] =	sst s0;
	s0 =	simm.s32 @!p1 $0x0  }
0x14: {  	s2 =	sld [smem:$0x3F98];
	s0 =	simm.s32 @p1 $0x1  }
0x15: {  	[smem:$0x3FB5] =	sst s0;
	s0 =	simm.s32 @!p2 $0x0  }
0x16: {  	s3 =	sld [smem:$0x3FDB];
	s0 =	simm.s32 @p2 $0x1  }
0x17: {  	s4 =	simm.s32 $0x1BF5;
	[smem:$0x3FB7] =	sst s0  }
0x18: {  	s0 =	sld [smem:$0x3F9A];
	_ =	swait.ge [sflag:s4], $0x0  }
0x19: {  	s7 =	sld [smem:$0x3F9B]  }
0x1a: {  	s8 =	sadd.s32 $0xFFFFE003, lr  }
0x1b: {  	s9 =	sadd.s32 $0xFFFFFEF7, lr;
	s5 =	simm.s32 $0xFFFFFFFF;
	p2 =	slt.u32 s8, $0xFFFFF086  }
0x1c: {  	p1 =	slt.u32 s9, $0xF7A;
	s5 =	simm.s32 @!p2 $0x0  }
0x1d: {  	s5 =	simm.s32 @p1 $0x1;
	p0 =	seq.s32 s7, s2  }
0x1e: {  	s7 =	smul.u32 @!p0 $0xF7A, s2;
	p2 =	seq.s32 @!p0 s5, $0x0  }
0x1f: {  	s9 =	smul.u32 $0xF7A, s1;
	s8 =	simm.s32 @!p0 $0x1BF5;
	p2 =	por !p2, p0  }
0x20: {  	[sflag:s8] =	ssyncset.s32 @!p0 $0xFFFFF086;
	s6 =	sadd.s32 @!p0 s3, s7;
	s7 =	simm.s32 @!p0 $0x108  }
0x21: {  	s3 =	sadd.s32 s3, s9;
	s6 =	sadd.s32 @!p0 $0x88, s6;
	s7 =	simm.s32 @p2 $0x1082  }
0x22: {  	[simem:s7], [sflag:s8] =	dma.local @!p0 [hbm:s6], $0xF7A  }
0x23: {  	s9 =	sor.u32 $0xD0000000, s2;
	s6 =	simm.s32 $0x108;
	_ =	swait.ge @!p0 [sflag:s8], $0x0  }
0x24: {  	s3 =	sadd.s32 $0x88, s3;
	s6 =	simm.s32 @!p1 $0x1082;
	[sflag:s4] =	ssyncset.s32 $0xFFFFF086  }
0x25: {  	[simem:s6], [sflag:s4] =	dma.local [hbm:s3], $0xF7A  }
0x26: {  	[smem:$0x3F9B] =	sst s1;
	(tag) =	ssettag s2;
	_ =	strace s9  }
0x27: {  	s1 =	sld [smem:$0x3FAB]  }
0x28: {  	s2 =	sld [smem:$0x3FAC]  }
0x29: {  	s4 =	sld [smem:$0x3FAE]  }
0x2a: {  	p0 =	seq.s32 s5, $0x0;
	s5 =	sld [smem:$0x3FAF]  }
0x2b: {  	s6 =	sld [smem:$0x3FB0]  }
0x2c: {  	s7 =	sld [smem:$0x3FB1]  }
0x2d: {  	s3 =	simm.s32 $0x108;
	s8 =	sld [smem:$0x3FB2]  }
0x2e: {  	s3 =	simm.s32 @!p0 $0x1082;
	s9 =	sld [smem:$0x3FB3]  }
0x2f: {  	lr =	sadd.s32 s0, s3;
	s0 =	sld [smem:$0x3FAA]  }
0x30: {  	s3 =	sld [smem:$0x3FAD]  }
0x31: {  	[smem:$0x3FB6] =	sst s10  }
0x32: {  	s10 =	sld [smem:$0x3FB4];
	_ =	sdelay $0x3  }
0x33: {  	p0 =	seq.s32 s10, $0x1;
	s10 =	sld [smem:$0x3FB6];
	_ =	sdelay $0x3  }
0x34: {  	[smem:$0x3FB6] =	sst s10  }
0x35: {  	s10 =	sld [smem:$0x3FB5];
	_ =	sdelay $0x3  }
0x36: {  	p1 =	seq.s32 s10, $0x1;
	s10 =	sld [smem:$0x3FB6];
	_ =	sdelay $0x3  }
0x37: {  	[smem:$0x3FB6] =	sst s10  }
0x38: {  	s10 =	sld [smem:$0x3FB7]  }
0x39: {  	_ = 	snop;
	(pc) =	sbr.ind lr, $3  }
0x3a: {  	_ = 	snop  }
0x3b: {  	_ = 	snop  }
0x3c: {  	p2 =	seq.s32 s10, $0x1;
	s10 =	sld [smem:$0x3FB6]  }
0x3d: {  	_ =	shalt  }
0x3e: {  	_ =	shalt  }
0x3f: {  	_ =	shalt  }
0x40: {  	_ =	shalt  }
0x41: {  	_ =	shalt  }
0x42: {  	_ =	shalt  }
0x43: {  	_ =	shalt  }
0x44: {  	_ =	shalt  }
0x45: {  	_ =	shalt  }
0x46: {  	_ =	shalt  }
0x47: {  	_ =	shalt  }
0x48: {  	_ =	shalt  }
0x49: {  	_ =	shalt  }
0x4a: {  	_ =	shalt  }
0x4b: {  	_ =	shalt  }
0x4c: {  	_ =	shalt  }
0x4d: {  	_ =	shalt  }
0x4e: {  	_ =	shalt  }
0x4f: {  	_ =	shalt  }
0x50: {  	_ =	shalt  }
0x51: {  	_ =	shalt  }
0x52: {  	_ =	shalt  }
0x53: {  	_ =	shalt  }
0x54: {  	_ =	shalt  }
0x55: {  	_ =	shalt  }
0x56: {  	_ =	shalt  }
0x57: {  	_ =	shalt  }
0x58: {  	_ =	shalt  }
0x59: {  	_ =	shalt  }
0x5a: {  	_ =	shalt  }
0x5b: {  	_ =	shalt  }
0x5c: {  	_ =	shalt  }
0x5d: {  	_ =	shalt  }
0x5e: {  	_ =	shalt  }
0x5f: {  	_ =	shalt  }
0x60: {  	_ =	shalt  }
0x61: {  	_ =	shalt  }
0x62: {  	_ =	shalt  }
0x63: {  	_ =	shalt  }
0x64: {  	_ =	shalt  }
0x65: {  	_ =	shalt  }
0x66: {  	_ =	shalt  }
0x67: {  	_ =	shalt  }
0x68: {  	_ =	shalt  }
0x69: {  	_ =	shalt  }
0x6a: {  	_ =	shalt  }
0x6b: {  	_ =	shalt  }
0x6c: {  	_ =	shalt  }
0x6d: {  	_ =	shalt  }
0x6e: {  	_ =	shalt  }
0x6f: {  	_ =	shalt  }
0x70: {  	_ =	shalt  }
0x71: {  	_ =	shalt  }
0x72: {  	_ =	shalt  }
0x73: {  	_ =	shalt  }
0x74: {  	_ =	shalt  }
0x75: {  	_ =	shalt  }
0x76: {  	_ =	shalt  }
0x77: {  	_ =	shalt  }
0x78: {  	_ =	shalt  }
0x79: {  	_ =	shalt  }
0x7a: {  	_ =	shalt  }
0x7b: {  	_ =	shalt  }
0x7c: {  	_ =	shalt  }
0x7d: {  	_ =	shalt  }
0x7e: {  	_ =	shalt  }
0x7f: {  	_ =	shalt  }
0x80: {  	_ =	shalt  }
0x81: {  	_ =	shalt  }
0x82: {  	_ =	shalt  }
0x83: {  	_ =	shalt  }
0x84: {  	_ =	shalt  }
0x85: {  	_ =	shalt  }
0x86: {  	_ =	shalt  }
0x87: {  	_ =	shalt  }
.Lfunc_end0:
.L_simem_size_0:
called_computation_lowered:
.L_overlay_start_0:
0x88: {  	s2 =	sld [smem:$0x3FD9]  }
0x89: {  	s3 =	sld [smem:$0x3FFE];
	_ =	sdelay $0x1  }
0x8a: {  	s1 =	srdreg.scid  }
0x8b: {  	s0 =	sand.u32 $0x1, s1  }
0x8c: {  	s17 =	sshll.u32 s0, $0xA;
	s2 =	sadd.s32 s3, s2  }
0x8d: {  	s2 =	sadd.s32 s2, s17  }
0x8e: {  	[smem:$0x3FC2] =	sst s2  }
0x8f: {  	_ = 	snop  }
0x90: {  	s2 =	sld [smem:$0x3FD0];
	(tm) =	ssettm $0x1  }
0x91: {  	s18 =	sld [smem:$0x3FFB];
	_ =	sdelay $0x3  }
0x92: {  	_ =	strace s18  }
0x93: {  	s3 =	sld [smem:$0x3FFC];
	_ =	sdelay $0x3  }
0x94: {  	_ =	strace s3  }
0x95: {  	s3 =	sld [smem:$0x3FFD];
	_ =	sdelay $0x3  }
0x96: {  	_ =	strace s3  }
0x97: {  	_ =	strace $0x8FFFFFFF  }
0x98: {  	s19 =	sld [smem:$0x3FDB];
	_ =	sdelay $0x1  }
0x99: {  	s4 =	simm.s32 $_scs_section_size  }
0x9a: {  	s5 =	simm.s32 $_size__tile_overlayer_lowered;
	s6 =	simm.s32 $_tile_overlayer_lowered  }
0x9b: {  	s22 =	simm.s32 $0x1BFF;
	s21 =	sshll.u32 s6, $0x1;
	s3 =	sadd.s32 s4, s19  }
0x9c: {  	s7 =	simm.s32 $0x0;
	s20 =	sshll.u32 s5, $0x1;
	s5 =	sadd.s32 s21, s3  }
0x9d: {  	[timem:s7], [sflag:s22] =	dma.local [hbm:s5], s20  }
0x9e: {  	_ =	swait.ge [sflag:s22], s20  }
0x9f: {  	s4 =	ssub.s32 $0x0, s20;
	[sflag:s22] =	ssyncset.done $0x0  }
0xa0: {  	[sflag:s22] =	ssyncadd.s32 s4;
	_ =	sdelay $0x1  }
0xa1: {  	s23 =	simm.s32 $0x1B8B  }
0xa2: {  	_ =	swait.ge [sflag:s23], $0x1  }
0xa3: {  	[sflag:s23] =	ssyncset.done $0x0  }
0xa4: {  	s25 =	simm.s32 $0x1B8E;
	s24 =	sld [smem:$0x3FFE];
	[sflag:s23] =	ssyncadd.s32 $0xFFFFFFFF  }
0xa5: {  	s26 =	simm.s32 $execute0_lowered;
	[smem:$0x3FD2] =	sst s25  }
0xa6: {  	s5 =	sshll.u32 s26, $0x1;
	_ =	strace $0x80000046;
	[dreg:$0x1] =	wrdreg $0xFFFFFFFF  }
0xa7: {  	s28 =	simm.s32 $_size_execute0_lowered;
	s3 =	sadd.s32 s3, s5;
	[dreg:$0x0] =	wrdreg $0x0  }
0xa8: {  	s5 =	sshll.u32 s28, $0x1;
	[dreg:$0x2] =	wrdreg s3  }
0xa9: {  	[dreg:$0x3] =	wrdreg s5  }
0xaa: {  	[dreg:$0x4] =	wrdreg $0xC0  }
0xab: {  	_ =	task [dreg:s7], $0x5FFFF  }
0xac: {  	[dreg:$0x1] =	wrdreg $0xFFFFFFFF  }
0xad: {  	[dreg:$0x0] =	wrdreg $0x60  }
0xae: {  	[dreg:$0x2] =	wrdreg s24  }
0xaf: {  	[dreg:$0x3] =	wrdreg s2  }
0xb0: {  	[dreg:$0x4] =	wrdreg $0x58000  }
0xb1: {  	[dreg:$0x5] =	wrdreg $0x9  }
0xb2: {  	_ =	task.clear_ibuf [dreg:s7], $0x6FFFF;
	_ =	strace $0x90000046  }
0xb3: {  	s29 =	simm.s32 $0x9;
	_ =	strace $0x80000048  }
0xb4: {  	_ =	swait.ge [sflag:s29], $0x1  }
0xb5: {  	[sflag:s29] =	ssyncadd.s32 $0xFFFFFFFF  }
0xb6: {  	_ =	strace $0x90000048  }
0xb7: {  	_ =	sfence  }
0xb8: {  	s30 =	sld [smem:$0x0];
	_ =	sdelay $0x2  }
0xb9: {  	s31 =	sshll.u32 s1, $0xD;
	s1 =	sshrl.u32 s1, $0x2  }
0xba: {  	s3 =	sand.u32 $0x4000, s31;
	s1 =	sadd.s32 s1, s30  }
0xbb: {  	s0 =	sor.u32 s3, s0;
	s1 =	sshll.u32 s1, $0x11  }
0xbc: {  	s0 =	sor.u32 s1, s0  }
0xbd: {  	s0 =	sadd.s32 $0x8F2B, s0  }
0xbe: {  	[sflag:s0] =	ssyncadd.remote.s32 $0x1  }
0xbf: {  	_ =	sfence.sel $0xFFFF  }
0xc0: {  	[dreg:$0x0] =	wrdreg $0xFFFFFFFF;
	(pc) =	sbr.abs _section_cstart, $3  }
0xc1: {  	[dreg:$0x1] =	wrdreg $0xFFFFFFFF  }
0xc2: {  	_ =	task.clear_ibuf [dreg:s7], $0x2FFFF;
	_ =	strace $0x9FFFFFFF  }
0xc3: {  	(tm) =	ssettm $0x7FFFFFFF  }
tec
execute0_lowered:
.L_overlay_start_1:
0x0: {  	(tag) =	ssettag $0x1  }
0x1: {  	s5 =	rddreg [dreg:$0x0]  }
0x2: {  	s8 =	rddreg [dreg:$0x1]  }
0x3: {  	s0 =	srdreg.scid;
	s2 =	rddreg [dreg:$0x2]  }
0x4: {  	s3 =	simm.s32 $0x0;
	s12 =	simm.s32 $0x2800;
	s13 =	simm.s32 $0x80  }
0x5: {  	s14 =	simm.s32 $0x0;
	s6 =	sand.u32 $0x1, s0;
	s0 =	stileid.u32  }
0x6: {  	[smem:$0x7FF] =	sst s3;
	s1 =	sshll.u32 s6, $0x4;
	s7 =	smul.u32 $0x2800, s0  }
0x7: {  	s10 =	smul.u32 $0x28000, s6;
	s6 =	ssub.s32 $0x2, s6;
	s4 =	sor.u32 s0, s1  }
0x8: {  	s1 =	rddreg [dreg:$0x3];
	_ =	strace $0x80000047;
	s4 =	smul.u32 $0x500, s4  }
0x9: {  	s31 =	sshrl.u32 s6, $0x1;
	s11 =	sshrl.u32 s7, $0x3;
	s10 =	sadd.s32 s7, s10  }
0xa: {  	s10 =	sshrl.u32 s10, $0x3;
	s9 =	sadd.s32 s4, s5;
	s4 =	sadd.s32 $0x15C00, s5  }
0xb: {  	s5 =	sadd.s32 s11, s5;
	s11 =	ssub.s32 s6, s31;
	s6 =	sadd.s32 s7, s2  }
0xc: {  	s8 =	sadd.s32 s8, s10;
	s10 =	simm.s32 $0x3000;
	s5 =	sadd.s32 $0x15E00, s5  }
0xd: {  	s7 =	sadd.s32 $0x1C00, s9;
	s9 =	smax.u32 s11, $0x1;
	s11 =	simm.s32 $0x1  }
.LBB2_1:
0xe: {  	[tilespmem:s10], [sflag:$0x1] =	stream.linear.gather [hbm4b:s5+s3], $0x2800, $0x38;
	[tilespmem:$0x8000] =	vst v63  }
0xf: {  	_ =	swait.ge [sflag:s11], $0x2800  }
0x10: {  	[sflag:s11] =	ssyncset.done $0x0  }
0x11: {  	[sflag:s11] =	ssyncadd.s32 $0xFFFFD800  }
0x12: {  	[spmem:s6] =	stream.linear.scatter [tilespmem:s10], [sflag:$0x1], $0x2800, $0x38;
	[tilespmem:$0x8000] =	vst v63  }
0x13: {  	_ =	swait.ge [sflag:s11], $0x2800  }
0x14: {  	[sflag:s11] =	ssyncset.done $0x0  }
0x15: {  	[sflag:s11] =	ssyncadd.s32 $0xFFFFD800  }
0x16: {  	[tilespmem:s12], [sflag:$0x1] =	stream.linear.gather [hbm4b:s4+s3], $0x800, $0x38;
	[tilespmem:$0x8000] =	vst v63  }
0x17: {  	_ =	swait.ge [sflag:s11], $0x800  }
0x18: {  	[sflag:s11] =	ssyncset.done $0x0  }
0x19: {  	[sflag:s11] =	ssyncadd.s32 $0xFFFFF800  }
0x1a: {  	[tilespmem:s3], [sflag:$0x1] =	stream.linear.gather [hbm4b:s7+s3], $0x2800, $0x38;
	[tilespmem:$0x8000] =	vst v63  }
0x1b: {  	_ =	swait.ge [sflag:s11], $0x2800  }
0x1c: {  	[sflag:s11] =	ssyncset.done $0x0  }
0x1d: {  	[sflag:s11] =	ssyncadd.s32 $0xFFFFD800  }
0x1e: {  	s15 =	simm.s32 $0x0;
	[bflag:$0x0] =	sbarrier.arrive $0xFFFF  }
0x1f: {  	[spmem:s2] =	stream.indirect.scatter.add.f32 [tilespmem:s12], [sflag:$0x1], $0x10, s15, s13, $0xb8;
	[tilespmem:$0x8000] =	vst v63  }
0x20: {  	_ =	swait.ge [sflag:s11], $0x800  }
0x21: {  	s15 =	simm.s32 $0x200;
	[sflag:s11] =	ssyncset.done $0x0  }
.LBB2_2:
0x22: {  	s16 =	sshra.s32 s15, $0x2;
	[sflag:s11] =	ssyncadd.s32 $0xFFFFF800;
	p0 =	sne.s32 s15, $0x9E00  }
0x23: {  	[spmem:s2] =	stream.indirect.scatter.add.f32 [tilespmem:s12], [sflag:$0x1], $0x10, s16, s13, $0xb8;
	[tilespmem:$0x8000] =	vst v63  }
.Ltmp0:
0x24: {  	_ = 	snop;
	(pc) =	sbr.rel @p0 .LBB2_2-.Ltmp0, $4  }
0x25: {  	_ = 	snop  }
0x26: {  	s15 =	sadd.s32 $0x200, s15  }
0x27: {  	_ =	swait.ge [sflag:s11], $0x800  }
0x28: {  	[sflag:s11] =	ssyncset.done $0x0  }
0x29: {  	[sflag:s11] =	ssyncadd.s32 $0xFFFFF800  }
0x2a: {  	[bflag:$0x0] =	sbarrier.arrive $0xFFFF  }
0x2b: {  	[tilespmem:s10], [sflag:$0x1] =	stream.linear.gather [spmem:s6], $0x2800, $0x38;
	[tilespmem:$0x8000] =	vst v63  }
0x2c: {  	s14 =	sadd.s32 $0x1, s14;
	_ =	swait.ge [sflag:s11], $0x2800  }
0x2d: {  	p0 =	sne.s32 s14, s9;
	[sflag:s11] =	ssyncset.done $0x0  }
.Ltmp1:
0x2e: {  	[sflag:s11] =	ssyncadd.s32 $0xFFFFD800;
	(pc) =	sbr.rel @p0 .LBB2_1-.Ltmp1, $4  }
0x2f: {  	[hbm4b:s8+s3] =	stream.linear.scatter [tilespmem:s10], [sflag:$0x1], $0x2800, $0x38;
	[tilespmem:$0x8000] =	vst v63  }
0x30: {  	_ =	swait.ge [sflag:s11], $0x2800  }
0x31: {  	[sflag:s11] =	ssyncset.done $0x0  }
0x32: {  	[sflag:s11] =	ssyncadd.s32 $0xFFFFD800  }
0x33: {  	_ =	sfence.sel $0x180000  }
0x34: {  	[bflag:$0x0] =	sbarrier.arrive $0xFFFF  }
0x35: {  	p0 =	sne.s32 s0, $0x0;
	_ =	strace $0x90000047  }
0x36: {  	s0 =	sadd.s32 @!p0 $0x100000, s1;
	[bflag:$0x2] =	sbarrier.arrive $0xFFFF  }
0x37: {  	[sflag:s0] =	ssyncadd.tile.s32 @!p0 $0x1;
	_ =	shalt  }
.Lfunc_end2:
_tile_overlayer_lowered:
.L_overlay_start_2:
0x38: {  	(tag) =	ssettag $0x2  }
0x39: {  	s0 =	rddreg [dreg:$0x0];
	s2 =	stileid.u32  }
0x3a: {  	s1 =	rddreg [dreg:$0x1];
	p0 =	sne.s32 s2, $0x0  }
0x3b: {  	s3 =	rddreg [dreg:$0x2];
	[bflag:$0x3] =	sbarrier.arrive $0xFFFF;
	s2 =	simm.s32 @!p0 $0x1C01  }
0x3c: {  	[timem:s3], [sflag:s2] =	dma.local @!p0 [hbm:s0], s1  }
0x3d: {  	s0 =	simm.s32 @!p0 $0x1  }
0x3e: {  	_ =	swait.ge @!p0 [sflag:s0], s1  }
0x3f: {  	s1 =	ssub.s32 @!p0 $0x0, s1;
	[sflag:s0] =	ssyncset.done @!p0 $0x0  }
0x40: {  	[sflag:s0] =	ssyncadd.s32 @!p0 s1  }
0x41: {  	[bflag:$0x3] =	sbarrier.arrive $0xFFFF  }
0x42: {  	_ =	shalt  }

</sc_bundles>
